<compile_context>
chip_gen: v7x
topology: tpu7x:2x2x1
jax: 0.10.2.dev20260603
libtpu: 0.0.44.dev20260713+nightly
codegen_flags: <defaults>
</compile_context>

<pallas_src>
import functools

import jax
import jax.numpy as jnp
from jax import lax
from jax.experimental import pallas as pl
from jax.experimental.pallas import tpu as pltpu
from jax.experimental.pallas import tpu_sc as plsc

N = 3200000
NUM_SEGMENTS = 16
NC, NS, L = 2, 16, 16
NW = NC * NS
ROWS_PER_W = N // NW
CH = 10000
NCHUNK = ROWS_PER_W // CH
GROUPS = CH // L
UNROLL = 25
ACC = NUM_SEGMENTS * 3 * L
RSPLIT = 25600

_mesh = plsc.VectorSubcoreMesh(core_axis_name="c", subcore_axis_name="s")


def _split_body(p_ref, x_ref, y_ref, z_ref):
    t = jnp.transpose(p_ref[...])
    x_ref[...] = t[0]
    y_ref[...] = t[1]
    z_ref[...] = t[2]


def _split_tc(pos):
    plane = jax.ShapeDtypeStruct((N,), jnp.float32)
    return pl.pallas_call(
        _split_body,
        grid=(N // RSPLIT,),
        in_specs=[pl.BlockSpec((RSPLIT, 3), lambda i: (i, 0))],
        out_specs=[pl.BlockSpec((RSPLIT,), lambda i: (i,))] * 3,
        out_shape=[plane, plane, plane],
    )(pos)


@functools.partial(
    pl.kernel,
    mesh=_mesh,
    out_type=jax.ShapeDtypeStruct((NW, ACC), jnp.float32),
    scratch_types=[
        pltpu.VMEM((CH,), jnp.float32),
        pltpu.VMEM((CH,), jnp.float32),
        pltpu.VMEM((CH,), jnp.float32),
        pltpu.VMEM((CH,), jnp.int32),
        pltpu.VMEM((L,), jnp.int32),
        pltpu.VMEM((L,), jnp.int32),
        pltpu.VMEM((ACC,), jnp.float32),
    ],
)
def _seg_max_sc(xs_hbm, ys_hbm, zs_hbm, ids_hbm, out_hbm,
                x_v, y_v, z_v, ids_v, fid_v, lid_v, acc_v):
    wid = lax.axis_index("s") * NC + lax.axis_index("c")
    neg_inf = jnp.full((L,), -jnp.inf, dtype=jnp.float32)
    planes = (x_v, y_v, z_v)

    for i in range(ACC // L):
        acc_v[pl.ds(i * L, L)] = neg_inf

    def chunk_body(t, _):
        r0 = pl.multiple_of(wid * ROWS_PER_W + t * CH, 8)
        pltpu.sync_copy(ids_hbm.at[pl.ds(r0, L)], fid_v)
        pltpu.sync_copy(ids_hbm.at[pl.ds(r0 + CH - L, L)], lid_v)
        pltpu.sync_copy(xs_hbm.at[pl.ds(r0, CH)], x_v)
        pltpu.sync_copy(ys_hbm.at[pl.ds(r0, CH)], y_v)
        pltpu.sync_copy(zs_hbm.at[pl.ds(r0, CH)], z_v)
        s0 = fid_v[...][0]
        s1 = lid_v[...][L - 1]

        def acc_update(s, rs):
            for c in range(3):
                off = s * (3 * L) + c * L
                acc_v[pl.ds(off, L)] = jnp.maximum(acc_v[pl.ds(off, L)], rs[c])

        @pl.when(s0 == s1)
        def _fast():
            def f_body(it, carry):
                rs = list(carry)
                base = it * (UNROLL * L)
                for u in range(UNROLL):
                    for c in range(3):
                        v = planes[c][pl.ds(base + u * L, L)]
                        rs[c] = jnp.maximum(rs[c], v)
                return tuple(rs)

            rs = lax.fori_loop(0, GROUPS // UNROLL, f_body,
                               (neg_inf, neg_inf, neg_inf))
            acc_update(s0, rs)

        @pl.when(s0 != s1)
        def _slow():
            pltpu.sync_copy(ids_hbm.at[pl.ds(r0, CH)], ids_v)

            for s in range(NUM_SEGMENTS):
                @pl.when((s >= s0) & (s <= s1))
                def _sweep(s=s):
                    def g_body(g, carry):
                        id16 = ids_v[pl.ds(g * L, L)]
                        m = id16 == s
                        rs = []
                        for c in range(3):
                            v = planes[c][pl.ds(g * L, L)]
                            rs.append(jnp.maximum(carry[c],
                                                  jnp.where(m, v, -jnp.inf)))
                        return tuple(rs)

                    rs = lax.fori_loop(0, GROUPS, g_body,
                                       (neg_inf, neg_inf, neg_inf))
                    acc_update(s, rs)

        return 0

    lax.fori_loop(0, NCHUNK, chunk_body, 0)
    pltpu.sync_copy(acc_v, out_hbm.at[wid])


def _merge_body(parts_ref, out_ref):
    m = jnp.max(parts_ref[...], axis=0, keepdims=True)
    lane = lax.broadcasted_iota(jnp.int32, (NUM_SEGMENTS, ACC), 1)
    srow = lax.broadcasted_iota(jnp.int32, (NUM_SEGMENTS, ACC), 0)
    seg_ok = (lane // (3 * L)) == srow
    comp = (lane % (3 * L)) // L
    mb = jnp.broadcast_to(m, (NUM_SEGMENTS, ACC))
    cols = []
    for c in range(3):
        sel = jnp.where(seg_ok & (comp == c), mb, -jnp.inf)
        cols.append(jnp.max(sel, axis=1, keepdims=True))
    cols.append(jnp.zeros((NUM_SEGMENTS, 128 - 3), jnp.float32))
    out_ref[...] = jnp.concatenate(cols, axis=1)


def kernel(pos, batch, W, b):
    del W, b
    xs, ys, zs = _split_tc(pos)
    ids = batch.astype(jnp.int32)
    parts = _seg_max_sc(xs, ys, zs, ids)
    padded = pl.pallas_call(
        _merge_body,
        out_shape=jax.ShapeDtypeStruct((NUM_SEGMENTS, 128), jnp.float32),
    )(parts)
    x = padded[:, :3]
    new_pos = jnp.zeros((x.shape[0], 6), dtype=pos.dtype)
    new_batch = jnp.arange(x.shape[0], dtype=jnp.int64)
    return (x, new_pos, new_batch)

# --- scband reference (transcript-rebuilt; emitter-appended) ---
"""Pipeline reference for scband-global-samodule-pointnet3-4037269258397 (READ-ONLY COPY).

The authoritative reference and input builder live on the scoring server;
editing this copy changes nothing except your own understanding.
"""

import jax, jax.numpy as jnp
import numpy as np

N = 3200000
D = 3
H = 64
NUM_SEGMENTS = 16

def setup_inputs(seed: int = 0) -> dict:
    key = jax.random.key(seed)
    k1, k2, k3 = jax.random.split(key, 3)
    pos = jax.random.normal(k1, (N, D), dtype=jnp.float32)
    batch = jnp.sort(jax.random.randint(k2, (N,), 0, NUM_SEGMENTS, dtype=jnp.int64))
    # learned params of self.nn = Linear(3, 64) + ReLU
    W = jax.random.normal(k3, (D, H), dtype=jnp.float32) * 0.1
    b = jnp.zeros((H,), dtype=jnp.float32)
    return {"pos": pos, "batch": batch, "W": W, "b": b}

def reference(pos, batch, W, b):
    # x = self.nn(pos)  -- computed faithfully, then overwritten (as in the original module)
    h = jax.nn.relu(pos @ W + b)
    del h
    # x = global_max_pool(pos, batch)  -> segment max over batch ids
    x = jax.ops.segment_max(pos, batch, num_segments=NUM_SEGMENTS)
    # pos = pos.new_zeros((x.size(0), 6))
    new_pos = jnp.zeros((x.shape[0], 6), dtype=pos.dtype)
    # batch = torch.arange(x.size(0))
    new_batch = jnp.arange(x.shape[0], dtype=jnp.int64)
    return (x, new_pos, new_batch)

if __name__ == "__main__":
    import jax
    _d = setup_inputs()
    print(jax.jit(kernel)(*tuple(_d.values())))

</pallas_src>

<mosaic_0001>
#map = affine_map<(d0, d1) -> (0)>
#map1 = affine_map<(d0, d1) -> (0, 0)>
module attributes {stable_mosaic.version = 14 : i64} {
  func.func @_seg_max_sc(%arg0: i32, %arg1: i32, %arg2: memref<3200000xf32, #tpu.memory_space<hbm>>, %arg3: memref<3200000xf32, #tpu.memory_space<hbm>>, %arg4: memref<3200000xf32, #tpu.memory_space<hbm>>, %arg5: memref<3200000xi32, #tpu.memory_space<hbm>>, %arg6: memref<32x768xf32, #tpu.memory_space<hbm>>, %arg7: memref<10000xf32, #tpu.memory_space<vmem>>, %arg8: memref<10000xf32, #tpu.memory_space<vmem>>, %arg9: memref<10000xf32, #tpu.memory_space<vmem>>, %arg10: memref<10000xi32, #tpu.memory_space<vmem>>, %arg11: memref<16xi32, #tpu.memory_space<vmem>>, %arg12: memref<16xi32, #tpu.memory_space<vmem>>, %arg13: memref<768xf32, #tpu.memory_space<vmem>>) attributes {dimension_semantics = [#tpu.dimension_semantics<core_parallel>, #tpu.dimension_semantics<subcore_parallel>], iteration_bounds = array<i64: 2, 16>, scalar_prefetch = 0 : i64, scratch_operands = 7 : i64, tpu.core_type = #tpu.core_type<sc_vector_subcore>, window_params = [{transform_indices = #map}, {transform_indices = #map}, {transform_indices = #map}, {transform_indices = #map}, {transform_indices = #map1}]} {
    %mul3A = arith.constant 2 : i32
    %mul3A_0 = arith.muli %arg1, %mul3A : i32
    %add3A = arith.addi %mul3A_0, %arg0 : i32
    %broadcast_in_dim3A = arith.constant 0xFF800000 : f32
    %broadcast_in_dim3A_1 = vector.broadcast %broadcast_in_dim3A : f32 to vector<16xf32>
    %swap3A = arith.constant 0 : index
    %swap3A_2 = tpu.vector_load %arg13[%swap3A] {strides = array<i32>} : memref<768xf32, #tpu.memory_space<vmem>>, vector<16xf32>,
    %swap3A_3 = vector.shape_cast %swap3A_2 : vector<16xf32> to vector<16xf32>
    %swap3A_4 = vector.shape_cast %broadcast_in_dim3A_1 : vector<16xf32> to vector<16xf32>
    tpu.vector_store %arg13[%swap3A], %swap3A_4 {strides = array<i32>} : memref<768xf32, #tpu.memory_space<vmem>>, vector<16xf32>,
    %swap3A_5 = arith.constant 16 : index
    %swap3A_6 = tpu.vector_load %arg13[%swap3A_5] {strides = array<i32>} : memref<768xf32, #tpu.memory_space<vmem>>, vector<16xf32>,
    %swap3A_7 = vector.shape_cast %swap3A_6 : vector<16xf32> to vector<16xf32>
    %swap3A_8 = vector.shape_cast %broadcast_in_dim3A_1 : vector<16xf32> to vector<16xf32>
    tpu.vector_store %arg13[%swap3A_5], %swap3A_8 {strides = array<i32>} : memref<768xf32, #tpu.memory_space<vmem>>, vector<16xf32>,
    %swap3A_9 = arith.constant 32 : index
    %swap3A_10 = tpu.vector_load %arg13[%swap3A_9] {strides = array<i32>} : memref<768xf32, #tpu.memory_space<vmem>>, vector<16xf32>,
    %swap3A_11 = vector.shape_cast %swap3A_10 : vector<16xf32> to vector<16xf32>
    %swap3A_12 = vector.shape_cast %broadcast_in_dim3A_1 : vector<16xf32> to vector<16xf32>
    tpu.vector_store %arg13[%swap3A_9], %swap3A_12 {strides = array<i32>} : memref<768xf32, #tpu.memory_space<vmem>>, vector<16xf32>,
    %swap3A_13 = arith.constant 48 : index
    %swap3A_14 = tpu.vector_load %arg13[%swap3A_13] {strides = array<i32>} : memref<768xf32, #tpu.memory_space<vmem>>, vector<16xf32>,
    %swap3A_15 = vector.shape_cast %swap3A_14 : vector<16xf32> to vector<16xf32>
    %swap3A_16 = vector.shape_cast %broadcast_in_dim3A_1 : vector<16xf32> to vector<16xf32>
    tpu.vector_store %arg13[%swap3A_13], %swap3A_16 {strides = array<i32>} : memref<768xf32, #tpu.memory_space<vmem>>, vector<16xf32>,
    %swap3A_17 = arith.constant 64 : index
    %swap3A_18 = tpu.vector_load %arg13[%swap3A_17] {strides = array<i32>} : memref<768xf32, #tpu.memory_space<vmem>>, vector<16xf32>,
    %swap3A_19 = vector.shape_cast %swap3A_18 : vector<16xf32> to vector<16xf32>
    %swap3A_20 = vector.shape_cast %broadcast_in_dim3A_1 : vector<16xf32> to vector<16xf32>
    tpu.vector_store %arg13[%swap3A_17], %swap3A_20 {strides = array<i32>} : memref<768xf32, #tpu.memory_space<vmem>>, vector<16xf32>,
    %swap3A_21 = arith.constant 80 : index
    %swap3A_22 = tpu.vector_load %arg13[%swap3A_21] {strides = array<i32>} : memref<768xf32, #tpu.memory_space<vmem>>, vector<16xf32>,
    %swap3A_23 = vector.shape_cast %swap3A_22 : vector<16xf32> to vector<16xf32>
    %swap3A_24 = vector.shape_cast %broadcast_in_dim3A_1 : vector<16xf32> to vector<16xf32>
    tpu.vector_store %arg13[%swap3A_21], %swap3A_24 {strides = array<i32>} : memref<768xf32, #tpu.memory_space<vmem>>, vector<16xf32>,
    %swap3A_25 = arith.constant 96 : index
    %swap3A_26 = tpu.vector_load %arg13[%swap3A_25] {strides = array<i32>} : memref<768xf32, #tpu.memory_space<vmem>>, vector<16xf32>,
    %swap3A_27 = vector.shape_cast %swap3A_26 : vector<16xf32> to vector<16xf32>
    %swap3A_28 = vector.shape_cast %broadcast_in_dim3A_1 : vector<16xf32> to vector<16xf32>
    tpu.vector_store %arg13[%swap3A_25], %swap3A_28 {strides = array<i32>} : memref<768xf32, #tpu.memory_space<vmem>>, vector<16xf32>,
    %swap3A_29 = arith.constant 112 : index
    %swap3A_30 = tpu.vector_load %arg13[%swap3A_29] {strides = array<i32>} : memref<768xf32, #tpu.memory_space<vmem>>, vector<16xf32>,
    %swap3A_31 = vector.shape_cast %swap3A_30 : vector<16xf32> to vector<16xf32>
    %swap3A_32 = vector.shape_cast %broadcast_in_dim3A_1 : vector<16xf32> to vector<16xf32>
    tpu.vector_store %arg13[%swap3A_29], %swap3A_32 {strides = array<i32>} : memref<768xf32, #tpu.memory_space<vmem>>, vector<16xf32>,
    %swap3A_33 = arith.constant 128 : index
    %swap3A_34 = tpu.vector_load %arg13[%swap3A_33] {strides = array<i32>} : memref<768xf32, #tpu.memory_space<vmem>>, vector<16xf32>,
    %swap3A_35 = vector.shape_cast %swap3A_34 : vector<16xf32> to vector<16xf32>
    %swap3A_36 = vector.shape_cast %broadcast_in_dim3A_1 : vector<16xf32> to vector<16xf32>
    tpu.vector_store %arg13[%swap3A_33], %swap3A_36 {strides = array<i32>} : memref<768xf32, #tpu.memory_space<vmem>>, vector<16xf32>,
    %swap3A_37 = arith.constant 144 : index
    %swap3A_38 = tpu.vector_load %arg13[%swap3A_37] {strides = array<i32>} : memref<768xf32, #tpu.memory_space<vmem>>, vector<16xf32>,
    %swap3A_39 = vector.shape_cast %swap3A_38 : vector<16xf32> to vector<16xf32>
    %swap3A_40 = vector.shape_cast %broadcast_in_dim3A_1 : vector<16xf32> to vector<16xf32>
    tpu.vector_store %arg13[%swap3A_37], %swap3A_40 {strides = array<i32>} : memref<768xf32, #tpu.memory_space<vmem>>, vector<16xf32>,
    %swap3A_41 = arith.constant 160 : index
    %swap3A_42 = tpu.vector_load %arg13[%swap3A_41] {strides = array<i32>} : memref<768xf32, #tpu.memory_space<vmem>>, vector<16xf32>,
    %swap3A_43 = vector.shape_cast %swap3A_42 : vector<16xf32> to vector<16xf32>
    %swap3A_44 = vector.shape_cast %broadcast_in_dim3A_1 : vector<16xf32> to vector<16xf32>
    tpu.vector_store %arg13[%swap3A_41], %swap3A_44 {strides = array<i32>} : memref<768xf32, #tpu.memory_space<vmem>>, vector<16xf32>,
    %swap3A_45 = arith.constant 176 : index
    %swap3A_46 = tpu.vector_load %arg13[%swap3A_45] {strides = array<i32>} : memref<768xf32, #tpu.memory_space<vmem>>, vector<16xf32>,
    %swap3A_47 = vector.shape_cast %swap3A_46 : vector<16xf32> to vector<16xf32>
    %swap3A_48 = vector.shape_cast %broadcast_in_dim3A_1 : vector<16xf32> to vector<16xf32>
    tpu.vector_store %arg13[%swap3A_45], %swap3A_48 {strides = array<i32>} : memref<768xf32, #tpu.memory_space<vmem>>, vector<16xf32>,
    %swap3A_49 = arith.constant 192 : index
    %swap3A_50 = tpu.vector_load %arg13[%swap3A_49] {strides = array<i32>} : memref<768xf32, #tpu.memory_space<vmem>>, vector<16xf32>,
    %swap3A_51 = vector.shape_cast %swap3A_50 : vector<16xf32> to vector<16xf32>
    %swap3A_52 = vector.shape_cast %broadcast_in_dim3A_1 : vector<16xf32> to vector<16xf32>
    tpu.vector_store %arg13[%swap3A_49], %swap3A_52 {strides = array<i32>} : memref<768xf32, #tpu.memory_space<vmem>>, vector<16xf32>,
    %swap3A_53 = arith.constant 208 : index
    %swap3A_54 = tpu.vector_load %arg13[%swap3A_53] {strides = array<i32>} : memref<768xf32, #tpu.memory_space<vmem>>, vector<16xf32>,
    %swap3A_55 = vector.shape_cast %swap3A_54 : vector<16xf32> to vector<16xf32>
    %swap3A_56 = vector.shape_cast %broadcast_in_dim3A_1 : vector<16xf32> to vector<16xf32>
    tpu.vector_store %arg13[%swap3A_53], %swap3A_56 {strides = array<i32>} : memref<768xf32, #tpu.memory_space<vmem>>, vector<16xf32>,
    %swap3A_57 = arith.constant 224 : index
    %swap3A_58 = tpu.vector_load %arg13[%swap3A_57] {strides = array<i32>} : memref<768xf32, #tpu.memory_space<vmem>>, vector<16xf32>,
    %swap3A_59 = vector.shape_cast %swap3A_58 : vector<16xf32> to vector<16xf32>
    %swap3A_60 = vector.shape_cast %broadcast_in_dim3A_1 : vector<16xf32> to vector<16xf32>
    tpu.vector_store %arg13[%swap3A_57], %swap3A_60 {strides = array<i32>} : memref<768xf32, #tpu.memory_space<vmem>>, vector<16xf32>,
    %swap3A_61 = arith.constant 240 : index
    %swap3A_62 = tpu.vector_load %arg13[%swap3A_61] {strides = array<i32>} : memref<768xf32, #tpu.memory_space<vmem>>, vector<16xf32>,
    %swap3A_63 = vector.shape_cast %swap3A_62 : vector<16xf32> to vector<16xf32>
    %swap3A_64 = vector.shape_cast %broadcast_in_dim3A_1 : vector<16xf32> to vector<16xf32>
    tpu.vector_store %arg13[%swap3A_61], %swap3A_64 {strides = array<i32>} : memref<768xf32, #tpu.memory_space<vmem>>, vector<16xf32>,
    %swap3A_65 = arith.constant 256 : index
    %swap3A_66 = tpu.vector_load %arg13[%swap3A_65] {strides = array<i32>} : memref<768xf32, #tpu.memory_space<vmem>>, vector<16xf32>,
    %swap3A_67 = vector.shape_cast %swap3A_66 : vector<16xf32> to vector<16xf32>
    %swap3A_68 = vector.shape_cast %broadcast_in_dim3A_1 : vector<16xf32> to vector<16xf32>
    tpu.vector_store %arg13[%swap3A_65], %swap3A_68 {strides = array<i32>} : memref<768xf32, #tpu.memory_space<vmem>>, vector<16xf32>,
    %swap3A_69 = arith.constant 272 : index
    %swap3A_70 = tpu.vector_load %arg13[%swap3A_69] {strides = array<i32>} : memref<768xf32, #tpu.memory_space<vmem>>, vector<16xf32>,
    %swap3A_71 = vector.shape_cast %swap3A_70 : vector<16xf32> to vector<16xf32>
    %swap3A_72 = vector.shape_cast %broadcast_in_dim3A_1 : vector<16xf32> to vector<16xf32>
    tpu.vector_store %arg13[%swap3A_69], %swap3A_72 {strides = array<i32>} : memref<768xf32, #tpu.memory_space<vmem>>, vector<16xf32>,
    %swap3A_73 = arith.constant 288 : index
    %swap3A_74 = tpu.vector_load %arg13[%swap3A_73] {strides = array<i32>} : memref<768xf32, #tpu.memory_space<vmem>>, vector<16xf32>,
    %swap3A_75 = vector.shape_cast %swap3A_74 : vector<16xf32> to vector<16xf32>
    %swap3A_76 = vector.shape_cast %broadcast_in_dim3A_1 : vector<16xf32> to vector<16xf32>
    tpu.vector_store %arg13[%swap3A_73], %swap3A_76 {strides = array<i32>} : memref<768xf32, #tpu.memory_space<vmem>>, vector<16xf32>,
    %swap3A_77 = arith.constant 304 : index
    %swap3A_78 = tpu.vector_load %arg13[%swap3A_77] {strides = array<i32>} : memref<768xf32, #tpu.memory_space<vmem>>, vector<16xf32>,
    %swap3A_79 = vector.shape_cast %swap3A_78 : vector<16xf32> to vector<16xf32>
    %swap3A_80 = vector.shape_cast %broadcast_in_dim3A_1 : vector<16xf32> to vector<16xf32>
    tpu.vector_store %arg13[%swap3A_77], %swap3A_80 {strides = array<i32>} : memref<768xf32, #tpu.memory_space<vmem>>, vector<16xf32>,
    %swap3A_81 = arith.constant 320 : index
    %swap3A_82 = tpu.vector_load %arg13[%swap3A_81] {strides = array<i32>} : memref<768xf32, #tpu.memory_space<vmem>>, vector<16xf32>,
    %swap3A_83 = vector.shape_cast %swap3A_82 : vector<16xf32> to vector<16xf32>
    %swap3A_84 = vector.shape_cast %broadcast_in_dim3A_1 : vector<16xf32> to vector<16xf32>
    tpu.vector_store %arg13[%swap3A_81], %swap3A_84 {strides = array<i32>} : memref<768xf32, #tpu.memory_space<vmem>>, vector<16xf32>,
    %swap3A_85 = arith.constant 336 : index
    %swap3A_86 = tpu.vector_load %arg13[%swap3A_85] {strides = array<i32>} : memref<768xf32, #tpu.memory_space<vmem>>, vector<16xf32>,
    %swap3A_87 = vector.shape_cast %swap3A_86 : vector<16xf32> to vector<16xf32>
    %swap3A_88 = vector.shape_cast %broadcast_in_dim3A_1 : vector<16xf32> to vector<16xf32>
    tpu.vector_store %arg13[%swap3A_85], %swap3A_88 {strides = array<i32>} : memref<768xf32, #tpu.memory_space<vmem>>, vector<16xf32>,
    %swap3A_89 = arith.constant 352 : index
    %swap3A_90 = tpu.vector_load %arg13[%swap3A_89] {strides = array<i32>} : memref<768xf32, #tpu.memory_space<vmem>>, vector<16xf32>,
    %swap3A_91 = vector.shape_cast %swap3A_90 : vector<16xf32> to vector<16xf32>
    %swap3A_92 = vector.shape_cast %broadcast_in_dim3A_1 : vector<16xf32> to vector<16xf32>
    tpu.vector_store %arg13[%swap3A_89], %swap3A_92 {strides = array<i32>} : memref<768xf32, #tpu.memory_space<vmem>>, vector<16xf32>,
    %swap3A_93 = arith.constant 368 : index
    %swap3A_94 = tpu.vector_load %arg13[%swap3A_93] {strides = array<i32>} : memref<768xf32, #tpu.memory_space<vmem>>, vector<16xf32>,
    %swap3A_95 = vector.shape_cast %swap3A_94 : vector<16xf32> to vector<16xf32>
    %swap3A_96 = vector.shape_cast %broadcast_in_dim3A_1 : vector<16xf32> to vector<16xf32>
    tpu.vector_store %arg13[%swap3A_93], %swap3A_96 {strides = array<i32>} : memref<768xf32, #tpu.memory_space<vmem>>, vector<16xf32>,
    %swap3A_97 = arith.constant 384 : index
    %swap3A_98 = tpu.vector_load %arg13[%swap3A_97] {strides = array<i32>} : memref<768xf32, #tpu.memory_space<vmem>>, vector<16xf32>,
    %swap3A_99 = vector.shape_cast %swap3A_98 : vector<16xf32> to vector<16xf32>
    %swap3A_100 = vector.shape_cast %broadcast_in_dim3A_1 : vector<16xf32> to vector<16xf32>
    tpu.vector_store %arg13[%swap3A_97], %swap3A_100 {strides = array<i32>} : memref<768xf32, #tpu.memory_space<vmem>>, vector<16xf32>,
    %swap3A_101 = arith.constant 400 : index
    %swap3A_102 = tpu.vector_load %arg13[%swap3A_101] {strides = array<i32>} : memref<768xf32, #tpu.memory_space<vmem>>, vector<16xf32>,
    %swap3A_103 = vector.shape_cast %swap3A_102 : vector<16xf32> to vector<16xf32>
    %swap3A_104 = vector.shape_cast %broadcast_in_dim3A_1 : vector<16xf32> to vector<16xf32>
    tpu.vector_store %arg13[%swap3A_101], %swap3A_104 {strides = array<i32>} : memref<768xf32, #tpu.memory_space<vmem>>, vector<16xf32>,
    %swap3A_105 = arith.constant 416 : index
    %swap3A_106 = tpu.vector_load %arg13[%swap3A_105] {strides = array<i32>} : memref<768xf32, #tpu.memory_space<vmem>>, vector<16xf32>,
    %swap3A_107 = vector.shape_cast %swap3A_106 : vector<16xf32> to vector<16xf32>
    %swap3A_108 = vector.shape_cast %broadcast_in_dim3A_1 : vector<16xf32> to vector<16xf32>
    tpu.vector_store %arg13[%swap3A_105], %swap3A_108 {strides = array<i32>} : memref<768xf32, #tpu.memory_space<vmem>>, vector<16xf32>,
    %swap3A_109 = arith.constant 432 : index
    %swap3A_110 = tpu.vector_load %arg13[%swap3A_109] {strides = array<i32>} : memref<768xf32, #tpu.memory_space<vmem>>, vector<16xf32>,
    %swap3A_111 = vector.shape_cast %swap3A_110 : vector<16xf32> to vector<16xf32>
    %swap3A_112 = vector.shape_cast %broadcast_in_dim3A_1 : vector<16xf32> to vector<16xf32>
    tpu.vector_store %arg13[%swap3A_109], %swap3A_112 {strides = array<i32>} : memref<768xf32, #tpu.memory_space<vmem>>, vector<16xf32>,
    %swap3A_113 = arith.constant 448 : index
    %swap3A_114 = tpu.vector_load %arg13[%swap3A_113] {strides = array<i32>} : memref<768xf32, #tpu.memory_space<vmem>>, vector<16xf32>,
    %swap3A_115 = vector.shape_cast %swap3A_114 : vector<16xf32> to vector<16xf32>
    %swap3A_116 = vector.shape_cast %broadcast_in_dim3A_1 : vector<16xf32> to vector<16xf32>
    tpu.vector_store %arg13[%swap3A_113], %swap3A_116 {strides = array<i32>} : memref<768xf32, #tpu.memory_space<vmem>>, vector<16xf32>,
    %swap3A_117 = arith.constant 464 : index
    %swap3A_118 = tpu.vector_load %arg13[%swap3A_117] {strides = array<i32>} : memref<768xf32, #tpu.memory_space<vmem>>, vector<16xf32>,
    %swap3A_119 = vector.shape_cast %swap3A_118 : vector<16xf32> to vector<16xf32>
    %swap3A_120 = vector.shape_cast %broadcast_in_dim3A_1 : vector<16xf32> to vector<16xf32>
    tpu.vector_store %arg13[%swap3A_117], %swap3A_120 {strides = array<i32>} : memref<768xf32, #tpu.memory_space<vmem>>, vector<16xf32>,
    %swap3A_121 = arith.constant 480 : index
    %swap3A_122 = tpu.vector_load %arg13[%swap3A_121] {strides = array<i32>} : memref<768xf32, #tpu.memory_space<vmem>>, vector<16xf32>,
    %swap3A_123 = vector.shape_cast %swap3A_122 : vector<16xf32> to vector<16xf32>
    %swap3A_124 = vector.shape_cast %broadcast_in_dim3A_1 : vector<16xf32> to vector<16xf32>
    tpu.vector_store %arg13[%swap3A_121], %swap3A_124 {strides = array<i32>} : memref<768xf32, #tpu.memory_space<vmem>>, vector<16xf32>,
    %swap3A_125 = arith.constant 496 : index
    %swap3A_126 = tpu.vector_load %arg13[%swap3A_125] {strides = array<i32>} : memref<768xf32, #tpu.memory_space<vmem>>, vector<16xf32>,
    %swap3A_127 = vector.shape_cast %swap3A_126 : vector<16xf32> to vector<16xf32>
    %swap3A_128 = vector.shape_cast %broadcast_in_dim3A_1 : vector<16xf32> to vector<16xf32>
    tpu.vector_store %arg13[%swap3A_125], %swap3A_128 {strides = array<i32>} : memref<768xf32, #tpu.memory_space<vmem>>, vector<16xf32>,
    %swap3A_129 = arith.constant 512 : index
    %swap3A_130 = tpu.vector_load %arg13[%swap3A_129] {strides = array<i32>} : memref<768xf32, #tpu.memory_space<vmem>>, vector<16xf32>,
    %swap3A_131 = vector.shape_cast %swap3A_130 : vector<16xf32> to vector<16xf32>
    %swap3A_132 = vector.shape_cast %broadcast_in_dim3A_1 : vector<16xf32> to vector<16xf32>
    tpu.vector_store %arg13[%swap3A_129], %swap3A_132 {strides = array<i32>} : memref<768xf32, #tpu.memory_space<vmem>>, vector<16xf32>,
    %swap3A_133 = arith.constant 528 : index
    %swap3A_134 = tpu.vector_load %arg13[%swap3A_133] {strides = array<i32>} : memref<768xf32, #tpu.memory_space<vmem>>, vector<16xf32>,
    %swap3A_135 = vector.shape_cast %swap3A_134 : vector<16xf32> to vector<16xf32>
    %swap3A_136 = vector.shape_cast %broadcast_in_dim3A_1 : vector<16xf32> to vector<16xf32>
    tpu.vector_store %arg13[%swap3A_133], %swap3A_136 {strides = array<i32>} : memref<768xf32, #tpu.memory_space<vmem>>, vector<16xf32>,
    %swap3A_137 = arith.constant 544 : index
    %swap3A_138 = tpu.vector_load %arg13[%swap3A_137] {strides = array<i32>} : memref<768xf32, #tpu.memory_space<vmem>>, vector<16xf32>,
    %swap3A_139 = vector.shape_cast %swap3A_138 : vector<16xf32> to vector<16xf32>
    %swap3A_140 = vector.shape_cast %broadcast_in_dim3A_1 : vector<16xf32> to vector<16xf32>
    tpu.vector_store %arg13[%swap3A_137], %swap3A_140 {strides = array<i32>} : memref<768xf32, #tpu.memory_space<vmem>>, vector<16xf32>,
    %swap3A_141 = arith.constant 560 : index
    %swap3A_142 = tpu.vector_load %arg13[%swap3A_141] {strides = array<i32>} : memref<768xf32, #tpu.memory_space<vmem>>, vector<16xf32>,
    %swap3A_143 = vector.shape_cast %swap3A_142 : vector<16xf32> to vector<16xf32>
    %swap3A_144 = vector.shape_cast %broadcast_in_dim3A_1 : vector<16xf32> to vector<16xf32>
    tpu.vector_store %arg13[%swap3A_141], %swap3A_144 {strides = array<i32>} : memref<768xf32, #tpu.memory_space<vmem>>, vector<16xf32>,
    %swap3A_145 = arith.constant 576 : index
    %swap3A_146 = tpu.vector_load %arg13[%swap3A_145] {strides = array<i32>} : memref<768xf32, #tpu.memory_space<vmem>>, vector<16xf32>,
    %swap3A_147 = vector.shape_cast %swap3A_146 : vector<16xf32> to vector<16xf32>
    %swap3A_148 = vector.shape_cast %broadcast_in_dim3A_1 : vector<16xf32> to vector<16xf32>
    tpu.vector_store %arg13[%swap3A_145], %swap3A_148 {strides = array<i32>} : memref<768xf32, #tpu.memory_space<vmem>>, vector<16xf32>,
    %swap3A_149 = arith.constant 592 : index
    %swap3A_150 = tpu.vector_load %arg13[%swap3A_149] {strides = array<i32>} : memref<768xf32, #tpu.memory_space<vmem>>, vector<16xf32>,
    %swap3A_151 = vector.shape_cast %swap3A_150 : vector<16xf32> to vector<16xf32>
    %swap3A_152 = vector.shape_cast %broadcast_in_dim3A_1 : vector<16xf32> to vector<16xf32>
    tpu.vector_store %arg13[%swap3A_149], %swap3A_152 {strides = array<i32>} : memref<768xf32, #tpu.memory_space<vmem>>, vector<16xf32>,
    %swap3A_153 = arith.constant 608 : index
    %swap3A_154 = tpu.vector_load %arg13[%swap3A_153] {strides = array<i32>} : memref<768xf32, #tpu.memory_space<vmem>>, vector<16xf32>,
    %swap3A_155 = vector.shape_cast %swap3A_154 : vector<16xf32> to vector<16xf32>
    %swap3A_156 = vector.shape_cast %broadcast_in_dim3A_1 : vector<16xf32> to vector<16xf32>
    tpu.vector_store %arg13[%swap3A_153], %swap3A_156 {strides = array<i32>} : memref<768xf32, #tpu.memory_space<vmem>>, vector<16xf32>,
    %swap3A_157 = arith.constant 624 : index
    %swap3A_158 = tpu.vector_load %arg13[%swap3A_157] {strides = array<i32>} : memref<768xf32, #tpu.memory_space<vmem>>, vector<16xf32>,
    %swap3A_159 = vector.shape_cast %swap3A_158 : vector<16xf32> to vector<16xf32>
    %swap3A_160 = vector.shape_cast %broadcast_in_dim3A_1 : vector<16xf32> to vector<16xf32>
    tpu.vector_store %arg13[%swap3A_157], %swap3A_160 {strides = array<i32>} : memref<768xf32, #tpu.memory_space<vmem>>, vector<16xf32>,
    %swap3A_161 = arith.constant 640 : index
    %swap3A_162 = tpu.vector_load %arg13[%swap3A_161] {strides = array<i32>} : memref<768xf32, #tpu.memory_space<vmem>>, vector<16xf32>,
    %swap3A_163 = vector.shape_cast %swap3A_162 : vector<16xf32> to vector<16xf32>
    %swap3A_164 = vector.shape_cast %broadcast_in_dim3A_1 : vector<16xf32> to vector<16xf32>
    tpu.vector_store %arg13[%swap3A_161], %swap3A_164 {strides = array<i32>} : memref<768xf32, #tpu.memory_space<vmem>>, vector<16xf32>,
    %swap3A_165 = arith.constant 656 : index
    %swap3A_166 = tpu.vector_load %arg13[%swap3A_165] {strides = array<i32>} : memref<768xf32, #tpu.memory_space<vmem>>, vector<16xf32>,
    %swap3A_167 = vector.shape_cast %swap3A_166 : vector<16xf32> to vector<16xf32>
    %swap3A_168 = vector.shape_cast %broadcast_in_dim3A_1 : vector<16xf32> to vector<16xf32>
    tpu.vector_store %arg13[%swap3A_165], %swap3A_168 {strides = array<i32>} : memref<768xf32, #tpu.memory_space<vmem>>, vector<16xf32>,
    %swap3A_169 = arith.constant 672 : index
    %swap3A_170 = tpu.vector_load %arg13[%swap3A_169] {strides = array<i32>} : memref<768xf32, #tpu.memory_space<vmem>>, vector<16xf32>,
    %swap3A_171 = vector.shape_cast %swap3A_170 : vector<16xf32> to vector<16xf32>
    %swap3A_172 = vector.shape_cast %broadcast_in_dim3A_1 : vector<16xf32> to vector<16xf32>
    tpu.vector_store %arg13[%swap3A_169], %swap3A_172 {strides = array<i32>} : memref<768xf32, #tpu.memory_space<vmem>>, vector<16xf32>,
    %swap3A_173 = arith.constant 688 : index
    %swap3A_174 = tpu.vector_load %arg13[%swap3A_173] {strides = array<i32>} : memref<768xf32, #tpu.memory_space<vmem>>, vector<16xf32>,
    %swap3A_175 = vector.shape_cast %swap3A_174 : vector<16xf32> to vector<16xf32>
    %swap3A_176 = vector.shape_cast %broadcast_in_dim3A_1 : vector<16xf32> to vector<16xf32>
    tpu.vector_store %arg13[%swap3A_173], %swap3A_176 {strides = array<i32>} : memref<768xf32, #tpu.memory_space<vmem>>, vector<16xf32>,
    %swap3A_177 = arith.constant 704 : index
    %swap3A_178 = tpu.vector_load %arg13[%swap3A_177] {strides = array<i32>} : memref<768xf32, #tpu.memory_space<vmem>>, vector<16xf32>,
    %swap3A_179 = vector.shape_cast %swap3A_178 : vector<16xf32> to vector<16xf32>
    %swap3A_180 = vector.shape_cast %broadcast_in_dim3A_1 : vector<16xf32> to vector<16xf32>
    tpu.vector_store %arg13[%swap3A_177], %swap3A_180 {strides = array<i32>} : memref<768xf32, #tpu.memory_space<vmem>>, vector<16xf32>,
    %swap3A_181 = arith.constant 720 : index
    %swap3A_182 = tpu.vector_load %arg13[%swap3A_181] {strides = array<i32>} : memref<768xf32, #tpu.memory_space<vmem>>, vector<16xf32>,
    %swap3A_183 = vector.shape_cast %swap3A_182 : vector<16xf32> to vector<16xf32>
    %swap3A_184 = vector.shape_cast %broadcast_in_dim3A_1 : vector<16xf32> to vector<16xf32>
    tpu.vector_store %arg13[%swap3A_181], %swap3A_184 {strides = array<i32>} : memref<768xf32, #tpu.memory_space<vmem>>, vector<16xf32>,
    %swap3A_185 = arith.constant 736 : index
    %swap3A_186 = tpu.vector_load %arg13[%swap3A_185] {strides = array<i32>} : memref<768xf32, #tpu.memory_space<vmem>>, vector<16xf32>,
    %swap3A_187 = vector.shape_cast %swap3A_186 : vector<16xf32> to vector<16xf32>
    %swap3A_188 = vector.shape_cast %broadcast_in_dim3A_1 : vector<16xf32> to vector<16xf32>
    tpu.vector_store %arg13[%swap3A_185], %swap3A_188 {strides = array<i32>} : memref<768xf32, #tpu.memory_space<vmem>>, vector<16xf32>,
    %swap3A_189 = arith.constant 752 : index
    %swap3A_190 = tpu.vector_load %arg13[%swap3A_189] {strides = array<i32>} : memref<768xf32, #tpu.memory_space<vmem>>, vector<16xf32>,
    %swap3A_191 = vector.shape_cast %swap3A_190 : vector<16xf32> to vector<16xf32>
    %swap3A_192 = vector.shape_cast %broadcast_in_dim3A_1 : vector<16xf32> to vector<16xf32>
    tpu.vector_store %arg13[%swap3A_189], %swap3A_192 {strides = array<i32>} : memref<768xf32, #tpu.memory_space<vmem>>, vector<16xf32>,
    %scan3A = arith.constant 0 : i32
    %scan3A_193 = arith.constant 0 : i32
    %scan3A_194 = arith.constant 10 : i32
    %scan3A_195 = arith.addi %scan3A_193, %scan3A_194 : i32
    %scan3A_196 = arith.constant 1 : i32
    %scan3A_197 = scf.for %scan3A_199 = %scan3A_193 to %scan3A_195 step %scan3A_196 iter_args(%scan3A_200 = %scan3A) -> (i32)  : i32 {
      %mul3A_201 = arith.constant 100000 : i32
      %mul3A_202 = arith.muli %add3A, %mul3A_201 : i32
      %mul3A_203 = arith.constant 10000 : i32
      %mul3A_204 = arith.muli %scan3A_199, %mul3A_203 : i32
      %add3A_205 = arith.addi %mul3A_202, %mul3A_204 : i32
      %multiple_of3A = tpu.assume_multiple %add3A_205, 8 : i32
      "tpu.region"() ({
        %run_scoped3A = tpu.sem_alloc : memref<!tpu.dma_semaphore, #tpu.memory_space<semaphore_mem>>
        %dma_start3A = tpu.memref_slice %arg5[%multiple_of3A] : memref<3200000xi32, #tpu.memory_space<hbm>> -> memref<16xi32, #tpu.memory_space<hbm>>
        %dma_start3A_221 = tpu.memref_slice %arg5[%multiple_of3A] : memref<3200000xi32, #tpu.memory_space<hbm>> -> memref<16xi32, #tpu.memory_space<hbm>>
        tpu.enqueue_dma source(%dma_start3A_221 : memref<16xi32, #tpu.memory_space<hbm>>) target(%arg11 : memref<16xi32, #tpu.memory_space<vmem>>) target_semaphore(%run_scoped3A : memref<!tpu.dma_semaphore, #tpu.memory_space<semaphore_mem>>)
        %dma_wait3A = tpu.memref_slice %arg5[%multiple_of3A] : memref<3200000xi32, #tpu.memory_space<hbm>> -> memref<16xi32, #tpu.memory_space<hbm>>
        %dma_wait3A_222 = tpu.memref_slice %arg5[%multiple_of3A] : memref<3200000xi32, #tpu.memory_space<hbm>> -> memref<16xi32, #tpu.memory_space<hbm>>
        tpu.wait_dma2 semaphore(%run_scoped3A : memref<!tpu.dma_semaphore, #tpu.memory_space<semaphore_mem>>) src(%dma_wait3A_222 : memref<16xi32, #tpu.memory_space<hbm>>) dst(%arg11 : memref<16xi32, #tpu.memory_space<vmem>>)
        tpu.yield
      }) : () -> ()
      %add3A_206 = arith.constant 10000 : i32
      %add3A_207 = arith.addi %multiple_of3A, %add3A_206 : i32
      %sub3A = arith.constant 16 : i32
      %sub3A_208 = arith.subi %add3A_207, %sub3A : i32
      "tpu.region"() ({
        %run_scoped3A = tpu.sem_alloc : memref<!tpu.dma_semaphore, #tpu.memory_space<semaphore_mem>>
        %dma_start3A = tpu.memref_slice %arg5[%sub3A_208] : memref<3200000xi32, #tpu.memory_space<hbm>> -> memref<16xi32, #tpu.memory_space<hbm>>
        %dma_start3A_221 = tpu.memref_slice %arg5[%sub3A_208] : memref<3200000xi32, #tpu.memory_space<hbm>> -> memref<16xi32, #tpu.memory_space<hbm>>
        tpu.enqueue_dma source(%dma_start3A_221 : memref<16xi32, #tpu.memory_space<hbm>>) target(%arg12 : memref<16xi32, #tpu.memory_space<vmem>>) target_semaphore(%run_scoped3A : memref<!tpu.dma_semaphore, #tpu.memory_space<semaphore_mem>>)
        %dma_wait3A = tpu.memref_slice %arg5[%sub3A_208] : memref<3200000xi32, #tpu.memory_space<hbm>> -> memref<16xi32, #tpu.memory_space<hbm>>
        %dma_wait3A_222 = tpu.memref_slice %arg5[%sub3A_208] : memref<3200000xi32, #tpu.memory_space<hbm>> -> memref<16xi32, #tpu.memory_space<hbm>>
        tpu.wait_dma2 semaphore(%run_scoped3A : memref<!tpu.dma_semaphore, #tpu.memory_space<semaphore_mem>>) src(%dma_wait3A_222 : memref<16xi32, #tpu.memory_space<hbm>>) dst(%arg12 : memref<16xi32, #tpu.memory_space<vmem>>)
        tpu.yield
      }) : () -> ()
      "tpu.region"() ({
        %run_scoped3A = tpu.sem_alloc : memref<!tpu.dma_semaphore, #tpu.memory_space<semaphore_mem>>
        %dma_start3A = tpu.memref_slice %arg2[%multiple_of3A] : memref<3200000xf32, #tpu.memory_space<hbm>> -> memref<10000xf32, #tpu.memory_space<hbm>>
        %dma_start3A_221 = tpu.memref_slice %arg2[%multiple_of3A] : memref<3200000xf32, #tpu.memory_space<hbm>> -> memref<10000xf32, #tpu.memory_space<hbm>>
        tpu.enqueue_dma source(%dma_start3A_221 : memref<10000xf32, #tpu.memory_space<hbm>>) target(%arg7 : memref<10000xf32, #tpu.memory_space<vmem>>) target_semaphore(%run_scoped3A : memref<!tpu.dma_semaphore, #tpu.memory_space<semaphore_mem>>)
        %dma_wait3A = tpu.memref_slice %arg2[%multiple_of3A] : memref<3200000xf32, #tpu.memory_space<hbm>> -> memref<10000xf32, #tpu.memory_space<hbm>>
        %dma_wait3A_222 = tpu.memref_slice %arg2[%multiple_of3A] : memref<3200000xf32, #tpu.memory_space<hbm>> -> memref<10000xf32, #tpu.memory_space<hbm>>
        tpu.wait_dma2 semaphore(%run_scoped3A : memref<!tpu.dma_semaphore, #tpu.memory_space<semaphore_mem>>) src(%dma_wait3A_222 : memref<10000xf32, #tpu.memory_space<hbm>>) dst(%arg7 : memref<10000xf32, #tpu.memory_space<vmem>>)
        tpu.yield
      }) : () -> ()
      "tpu.region"() ({
        %run_scoped3A = tpu.sem_alloc : memref<!tpu.dma_semaphore, #tpu.memory_space<semaphore_mem>>
        %dma_start3A = tpu.memref_slice %arg3[%multiple_of3A] : memref<3200000xf32, #tpu.memory_space<hbm>> -> memref<10000xf32, #tpu.memory_space<hbm>>
        %dma_start3A_221 = tpu.memref_slice %arg3[%multiple_of3A] : memref<3200000xf32, #tpu.memory_space<hbm>> -> memref<10000xf32, #tpu.memory_space<hbm>>
        tpu.enqueue_dma source(%dma_start3A_221 : memref<10000xf32, #tpu.memory_space<hbm>>) target(%arg8 : memref<10000xf32, #tpu.memory_space<vmem>>) target_semaphore(%run_scoped3A : memref<!tpu.dma_semaphore, #tpu.memory_space<semaphore_mem>>)
        %dma_wait3A = tpu.memref_slice %arg3[%multiple_of3A] : memref<3200000xf32, #tpu.memory_space<hbm>> -> memref<10000xf32, #tpu.memory_space<hbm>>
        %dma_wait3A_222 = tpu.memref_slice %arg3[%multiple_of3A] : memref<3200000xf32, #tpu.memory_space<hbm>> -> memref<10000xf32, #tpu.memory_space<hbm>>
        tpu.wait_dma2 semaphore(%run_scoped3A : memref<!tpu.dma_semaphore, #tpu.memory_space<semaphore_mem>>) src(%dma_wait3A_222 : memref<10000xf32, #tpu.memory_space<hbm>>) dst(%arg8 : memref<10000xf32, #tpu.memory_space<vmem>>)
        tpu.yield
      }) : () -> ()
      "tpu.region"() ({
        %run_scoped3A = tpu.sem_alloc : memref<!tpu.dma_semaphore, #tpu.memory_space<semaphore_mem>>
        %dma_start3A = tpu.memref_slice %arg4[%multiple_of3A] : memref<3200000xf32, #tpu.memory_space<hbm>> -> memref<10000xf32, #tpu.memory_space<hbm>>
        %dma_start3A_221 = tpu.memref_slice %arg4[%multiple_of3A] : memref<3200000xf32, #tpu.memory_space<hbm>> -> memref<10000xf32, #tpu.memory_space<hbm>>
        tpu.enqueue_dma source(%dma_start3A_221 : memref<10000xf32, #tpu.memory_space<hbm>>) target(%arg9 : memref<10000xf32, #tpu.memory_space<vmem>>) target_semaphore(%run_scoped3A : memref<!tpu.dma_semaphore, #tpu.memory_space<semaphore_mem>>)
        %dma_wait3A = tpu.memref_slice %arg4[%multiple_of3A] : memref<3200000xf32, #tpu.memory_space<hbm>> -> memref<10000xf32, #tpu.memory_space<hbm>>
        %dma_wait3A_222 = tpu.memref_slice %arg4[%multiple_of3A] : memref<3200000xf32, #tpu.memory_space<hbm>> -> memref<10000xf32, #tpu.memory_space<hbm>>
        tpu.wait_dma2 semaphore(%run_scoped3A : memref<!tpu.dma_semaphore, #tpu.memory_space<semaphore_mem>>) src(%dma_wait3A_222 : memref<10000xf32, #tpu.memory_space<hbm>>) dst(%arg9 : memref<10000xf32, #tpu.memory_space<vmem>>)
        tpu.yield
      }) : () -> ()
      %get3A = arith.constant 0 : index
      %get3A_209 = tpu.vector_load %arg11[%get3A] {strides = array<i32>} : memref<16xi32, #tpu.memory_space<vmem>>, vector<16xi32>,
      %get3A_210 = vector.shape_cast %get3A_209 : vector<16xi32> to vector<16xi32>
      %slice3A = vector.extract_strided_slice %get3A_210 {offsets = [0], sizes = [1], strides = [1]} : vector<16xi32> to vector<1xi32>
      %squeeze3A = vector.extract %slice3A[0] : i32 from vector<1xi32>
      %get3A_211 = arith.constant 0 : index
      %get3A_212 = tpu.vector_load %arg12[%get3A_211] {strides = array<i32>} : memref<16xi32, #tpu.memory_space<vmem>>, vector<16xi32>,
      %get3A_213 = vector.shape_cast %get3A_212 : vector<16xi32> to vector<16xi32>
      %slice3A_214 = vector.extract_strided_slice %get3A_213 {offsets = [15], sizes = [1], strides = [1]} : vector<16xi32> to vector<1xi32>
      %squeeze3A_215 = vector.extract %slice3A_214[0] : i32 from vector<1xi32>
      %eq3A = arith.cmpi eq, %squeeze3A, %squeeze3A_215 : i32
      %convert_element_type3A = arith.extui %eq3A : i1 to i32
      %cond3A = arith.constant 0 : i32
      %cond3A_216 = arith.cmpi ne, %convert_element_type3A, %cond3A : i32
      scf.if %cond3A_216 {
        %scan3A_221 = arith.constant 0 : i32
        %scan3A_222 = arith.constant 25 : i32
        %scan3A_223 = arith.addi %scan3A_221, %scan3A_222 : i32
        %scan3A_224 = arith.constant 1 : i32
        %scan3A_225:3 = scf.for %scan3A_262 = %scan3A_221 to %scan3A_223 step %scan3A_224 iter_args(%scan3A_263 = %broadcast_in_dim3A_1, %scan3A_264 = %broadcast_in_dim3A_1, %scan3A_265 = %broadcast_in_dim3A_1) -> (vector<16xf32>, vector<16xf32>, vector<16xf32>)  : i32 {
          %mul3A_266 = arith.constant 400 : i32
          %mul3A_267 = arith.muli %scan3A_262, %mul3A_266 : i32
          %add3A_268 = arith.constant 0 : i32
          %add3A_269 = arith.addi %mul3A_267, %add3A_268 : i32
          %get3A_270 = arith.index_cast %add3A_269 : i32 to index
          %get3A_271 = tpu.vector_load %arg7[%get3A_270] {strides = array<i32>} : memref<10000xf32, #tpu.memory_space<vmem>>, vector<16xf32>,
          %get3A_272 = vector.shape_cast %get3A_271 : vector<16xf32> to vector<16xf32>
          %max3A_273 = arith.maximumf %scan3A_263, %get3A_272 : vector<16xf32>
          %add3A_274 = arith.constant 0 : i32
          %add3A_275 = arith.addi %mul3A_267, %add3A_274 : i32
          %get3A_276 = arith.index_cast %add3A_275 : i32 to index
          %get3A_277 = tpu.vector_load %arg8[%get3A_276] {strides = array<i32>} : memref<10000xf32, #tpu.memory_space<vmem>>, vector<16xf32>,
          %get3A_278 = vector.shape_cast %get3A_277 : vector<16xf32> to vector<16xf32>
          %max3A_279 = arith.maximumf %scan3A_264, %get3A_278 : vector<16xf32>
          %add3A_280 = arith.constant 0 : i32
          %add3A_281 = arith.addi %mul3A_267, %add3A_280 : i32
          %get3A_282 = arith.index_cast %add3A_281 : i32 to index
          %get3A_283 = tpu.vector_load %arg9[%get3A_282] {strides = array<i32>} : memref<10000xf32, #tpu.memory_space<vmem>>, vector<16xf32>,
          %get3A_284 = vector.shape_cast %get3A_283 : vector<16xf32> to vector<16xf32>
          %max3A_285 = arith.maximumf %scan3A_265, %get3A_284 : vector<16xf32>
          %add3A_286 = arith.constant 16 : i32
          %add3A_287 = arith.addi %mul3A_267, %add3A_286 : i32
          %get3A_288 = arith.index_cast %add3A_287 : i32 to index
          %get3A_289 = tpu.vector_load %arg7[%get3A_288] {strides = array<i32>} : memref<10000xf32, #tpu.memory_space<vmem>>, vector<16xf32>,
          %get3A_290 = vector.shape_cast %get3A_289 : vector<16xf32> to vector<16xf32>
          %max3A_291 = arith.maximumf %max3A_273, %get3A_290 : vector<16xf32>
          %add3A_292 = arith.constant 16 : i32
          %add3A_293 = arith.addi %mul3A_267, %add3A_292 : i32
          %get3A_294 = arith.index_cast %add3A_293 : i32 to index
          %get3A_295 = tpu.vector_load %arg8[%get3A_294] {strides = array<i32>} : memref<10000xf32, #tpu.memory_space<vmem>>, vector<16xf32>,
          %get3A_296 = vector.shape_cast %get3A_295 : vector<16xf32> to vector<16xf32>
          %max3A_297 = arith.maximumf %max3A_279, %get3A_296 : vector<16xf32>
          %add3A_298 = arith.constant 16 : i32
          %add3A_299 = arith.addi %mul3A_267, %add3A_298 : i32
          %get3A_300 = arith.index_cast %add3A_299 : i32 to index
          %get3A_301 = tpu.vector_load %arg9[%get3A_300] {strides = array<i32>} : memref<10000xf32, #tpu.memory_space<vmem>>, vector<16xf32>,
          %get3A_302 = vector.shape_cast %get3A_301 : vector<16xf32> to vector<16xf32>
          %max3A_303 = arith.maximumf %max3A_285, %get3A_302 : vector<16xf32>
          %add3A_304 = arith.constant 32 : i32
          %add3A_305 = arith.addi %mul3A_267, %add3A_304 : i32
          %get3A_306 = arith.index_cast %add3A_305 : i32 to index
          %get3A_307 = tpu.vector_load %arg7[%get3A_306] {strides = array<i32>} : memref<10000xf32, #tpu.memory_space<vmem>>, vector<16xf32>,
          %get3A_308 = vector.shape_cast %get3A_307 : vector<16xf32> to vector<16xf32>
          %max3A_309 = arith.maximumf %max3A_291, %get3A_308 : vector<16xf32>
          %add3A_310 = arith.constant 32 : i32
          %add3A_311 = arith.addi %mul3A_267, %add3A_310 : i32
          %get3A_312 = arith.index_cast %add3A_311 : i32 to index
          %get3A_313 = tpu.vector_load %arg8[%get3A_312] {strides = array<i32>} : memref<10000xf32, #tpu.memory_space<vmem>>, vector<16xf32>,
          %get3A_314 = vector.shape_cast %get3A_313 : vector<16xf32> to vector<16xf32>
          %max3A_315 = arith.maximumf %max3A_297, %get3A_314 : vector<16xf32>
          %add3A_316 = arith.constant 32 : i32
          %add3A_317 = arith.addi %mul3A_267, %add3A_316 : i32
          %get3A_318 = arith.index_cast %add3A_317 : i32 to index
          %get3A_319 = tpu.vector_load %arg9[%get3A_318] {strides = array<i32>} : memref<10000xf32, #tpu.memory_space<vmem>>, vector<16xf32>,
          %get3A_320 = vector.shape_cast %get3A_319 : vector<16xf32> to vector<16xf32>
          %max3A_321 = arith.maximumf %max3A_303, %get3A_320 : vector<16xf32>
          %add3A_322 = arith.constant 48 : i32
          %add3A_323 = arith.addi %mul3A_267, %add3A_322 : i32
          %get3A_324 = arith.index_cast %add3A_323 : i32 to index
          %get3A_325 = tpu.vector_load %arg7[%get3A_324] {strides = array<i32>} : memref<10000xf32, #tpu.memory_space<vmem>>, vector<16xf32>,
          %get3A_326 = vector.shape_cast %get3A_325 : vector<16xf32> to vector<16xf32>
          %max3A_327 = arith.maximumf %max3A_309, %get3A_326 : vector<16xf32>
          %add3A_328 = arith.constant 48 : i32
          %add3A_329 = arith.addi %mul3A_267, %add3A_328 : i32
          %get3A_330 = arith.index_cast %add3A_329 : i32 to index
          %get3A_331 = tpu.vector_load %arg8[%get3A_330] {strides = array<i32>} : memref<10000xf32, #tpu.memory_space<vmem>>, vector<16xf32>,
          %get3A_332 = vector.shape_cast %get3A_331 : vector<16xf32> to vector<16xf32>
          %max3A_333 = arith.maximumf %max3A_315, %get3A_332 : vector<16xf32>
          %add3A_334 = arith.constant 48 : i32
          %add3A_335 = arith.addi %mul3A_267, %add3A_334 : i32
          %get3A_336 = arith.index_cast %add3A_335 : i32 to index
          %get3A_337 = tpu.vector_load %arg9[%get3A_336] {strides = array<i32>} : memref<10000xf32, #tpu.memory_space<vmem>>, vector<16xf32>,
          %get3A_338 = vector.shape_cast %get3A_337 : vector<16xf32> to vector<16xf32>
          %max3A_339 = arith.maximumf %max3A_321, %get3A_338 : vector<16xf32>
          %add3A_340 = arith.constant 64 : i32
          %add3A_341 = arith.addi %mul3A_267, %add3A_340 : i32
          %get3A_342 = arith.index_cast %add3A_341 : i32 to index
          %get3A_343 = tpu.vector_load %arg7[%get3A_342] {strides = array<i32>} : memref<10000xf32, #tpu.memory_space<vmem>>, vector<16xf32>,
          %get3A_344 = vector.shape_cast %get3A_343 : vector<16xf32> to vector<16xf32>
          %max3A_345 = arith.maximumf %max3A_327, %get3A_344 : vector<16xf32>
          %add3A_346 = arith.constant 64 : i32
          %add3A_347 = arith.addi %mul3A_267, %add3A_346 : i32
          %get3A_348 = arith.index_cast %add3A_347 : i32 to index
          %get3A_349 = tpu.vector_load %arg8[%get3A_348] {strides = array<i32>} : memref<10000xf32, #tpu.memory_space<vmem>>, vector<16xf32>,
          %get3A_350 = vector.shape_cast %get3A_349 : vector<16xf32> to vector<16xf32>
          %max3A_351 = arith.maximumf %max3A_333, %get3A_350 : vector<16xf32>
          %add3A_352 = arith.constant 64 : i32
          %add3A_353 = arith.addi %mul3A_267, %add3A_352 : i32
          %get3A_354 = arith.index_cast %add3A_353 : i32 to index
          %get3A_355 = tpu.vector_load %arg9[%get3A_354] {strides = array<i32>} : memref<10000xf32, #tpu.memory_space<vmem>>, vector<16xf32>,
          %get3A_356 = vector.shape_cast %get3A_355 : vector<16xf32> to vector<16xf32>
          %max3A_357 = arith.maximumf %max3A_339, %get3A_356 : vector<16xf32>
          %add3A_358 = arith.constant 80 : i32
          %add3A_359 = arith.addi %mul3A_267, %add3A_358 : i32
          %get3A_360 = arith.index_cast %add3A_359 : i32 to index
          %get3A_361 = tpu.vector_load %arg7[%get3A_360] {strides = array<i32>} : memref<10000xf32, #tpu.memory_space<vmem>>, vector<16xf32>,
          %get3A_362 = vector.shape_cast %get3A_361 : vector<16xf32> to vector<16xf32>
          %max3A_363 = arith.maximumf %max3A_345, %get3A_362 : vector<16xf32>
          %add3A_364 = arith.constant 80 : i32
          %add3A_365 = arith.addi %mul3A_267, %add3A_364 : i32
          %get3A_366 = arith.index_cast %add3A_365 : i32 to index
          %get3A_367 = tpu.vector_load %arg8[%get3A_366] {strides = array<i32>} : memref<10000xf32, #tpu.memory_space<vmem>>, vector<16xf32>,
          %get3A_368 = vector.shape_cast %get3A_367 : vector<16xf32> to vector<16xf32>
          %max3A_369 = arith.maximumf %max3A_351, %get3A_368 : vector<16xf32>
          %add3A_370 = arith.constant 80 : i32
          %add3A_371 = arith.addi %mul3A_267, %add3A_370 : i32
          %get3A_372 = arith.index_cast %add3A_371 : i32 to index
          %get3A_373 = tpu.vector_load %arg9[%get3A_372] {strides = array<i32>} : memref<10000xf32, #tpu.memory_space<vmem>>, vector<16xf32>,
          %get3A_374 = vector.shape_cast %get3A_373 : vector<16xf32> to vector<16xf32>
          %max3A_375 = arith.maximumf %max3A_357, %get3A_374 : vector<16xf32>
          %add3A_376 = arith.constant 96 : i32
          %add3A_377 = arith.addi %mul3A_267, %add3A_376 : i32
          %get3A_378 = arith.index_cast %add3A_377 : i32 to index
          %get3A_379 = tpu.vector_load %arg7[%get3A_378] {strides = array<i32>} : memref<10000xf32, #tpu.memory_space<vmem>>, vector<16xf32>,
          %get3A_380 = vector.shape_cast %get3A_379 : vector<16xf32> to vector<16xf32>
          %max3A_381 = arith.maximumf %max3A_363, %get3A_380 : vector<16xf32>
          %add3A_382 = arith.constant 96 : i32
          %add3A_383 = arith.addi %mul3A_267, %add3A_382 : i32
          %get3A_384 = arith.index_cast %add3A_383 : i32 to index
          %get3A_385 = tpu.vector_load %arg8[%get3A_384] {strides = array<i32>} : memref<10000xf32, #tpu.memory_space<vmem>>, vector<16xf32>,
          %get3A_386 = vector.shape_cast %get3A_385 : vector<16xf32> to vector<16xf32>
          %max3A_387 = arith.maximumf %max3A_369, %get3A_386 : vector<16xf32>
          %add3A_388 = arith.constant 96 : i32
          %add3A_389 = arith.addi %mul3A_267, %add3A_388 : i32
          %get3A_390 = arith.index_cast %add3A_389 : i32 to index
          %get3A_391 = tpu.vector_load %arg9[%get3A_390] {strides = array<i32>} : memref<10000xf32, #tpu.memory_space<vmem>>, vector<16xf32>,
          %get3A_392 = vector.shape_cast %get3A_391 : vector<16xf32> to vector<16xf32>
          %max3A_393 = arith.maximumf %max3A_375, %get3A_392 : vector<16xf32>
          %add3A_394 = arith.constant 112 : i32
          %add3A_395 = arith.addi %mul3A_267, %add3A_394 : i32
          %get3A_396 = arith.index_cast %add3A_395 : i32 to index
          %get3A_397 = tpu.vector_load %arg7[%get3A_396] {strides = array<i32>} : memref<10000xf32, #tpu.memory_space<vmem>>, vector<16xf32>,
          %get3A_398 = vector.shape_cast %get3A_397 : vector<16xf32> to vector<16xf32>
          %max3A_399 = arith.maximumf %max3A_381, %get3A_398 : vector<16xf32>
          %add3A_400 = arith.constant 112 : i32
          %add3A_401 = arith.addi %mul3A_267, %add3A_400 : i32
          %get3A_402 = arith.index_cast %add3A_401 : i32 to index
          %get3A_403 = tpu.vector_load %arg8[%get3A_402] {strides = array<i32>} : memref<10000xf32, #tpu.memory_space<vmem>>, vector<16xf32>,
          %get3A_404 = vector.shape_cast %get3A_403 : vector<16xf32> to vector<16xf32>
          %max3A_405 = arith.maximumf %max3A_387, %get3A_404 : vector<16xf32>
          %add3A_406 = arith.constant 112 : i32
          %add3A_407 = arith.addi %mul3A_267, %add3A_406 : i32
          %get3A_408 = arith.index_cast %add3A_407 : i32 to index
          %get3A_409 = tpu.vector_load %arg9[%get3A_408] {strides = array<i32>} : memref<10000xf32, #tpu.memory_space<vmem>>, vector<16xf32>,
          %get3A_410 = vector.shape_cast %get3A_409 : vector<16xf32> to vector<16xf32>
          %max3A_411 = arith.maximumf %max3A_393, %get3A_410 : vector<16xf32>
          %add3A_412 = arith.constant 128 : i32
          %add3A_413 = arith.addi %mul3A_267, %add3A_412 : i32
          %get3A_414 = arith.index_cast %add3A_413 : i32 to index
          %get3A_415 = tpu.vector_load %arg7[%get3A_414] {strides = array<i32>} : memref<10000xf32, #tpu.memory_space<vmem>>, vector<16xf32>,
          %get3A_416 = vector.shape_cast %get3A_415 : vector<16xf32> to vector<16xf32>
          %max3A_417 = arith.maximumf %max3A_399, %get3A_416 : vector<16xf32>
          %add3A_418 = arith.constant 128 : i32
          %add3A_419 = arith.addi %mul3A_267, %add3A_418 : i32
          %get3A_420 = arith.index_cast %add3A_419 : i32 to index
          %get3A_421 = tpu.vector_load %arg8[%get3A_420] {strides = array<i32>} : memref<10000xf32, #tpu.memory_space<vmem>>, vector<16xf32>,
          %get3A_422 = vector.shape_cast %get3A_421 : vector<16xf32> to vector<16xf32>
          %max3A_423 = arith.maximumf %max3A_405, %get3A_422 : vector<16xf32>
          %add3A_424 = arith.constant 128 : i32
          %add3A_425 = arith.addi %mul3A_267, %add3A_424 : i32
          %get3A_426 = arith.index_cast %add3A_425 : i32 to index
          %get3A_427 = tpu.vector_load %arg9[%get3A_426] {strides = array<i32>} : memref<10000xf32, #tpu.memory_space<vmem>>, vector<16xf32>,
          %get3A_428 = vector.shape_cast %get3A_427 : vector<16xf32> to vector<16xf32>
          %max3A_429 = arith.maximumf %max3A_411, %get3A_428 : vector<16xf32>
          %add3A_430 = arith.constant 144 : i32
          %add3A_431 = arith.addi %mul3A_267, %add3A_430 : i32
          %get3A_432 = arith.index_cast %add3A_431 : i32 to index
          %get3A_433 = tpu.vector_load %arg7[%get3A_432] {strides = array<i32>} : memref<10000xf32, #tpu.memory_space<vmem>>, vector<16xf32>,
          %get3A_434 = vector.shape_cast %get3A_433 : vector<16xf32> to vector<16xf32>
          %max3A_435 = arith.maximumf %max3A_417, %get3A_434 : vector<16xf32>
          %add3A_436 = arith.constant 144 : i32
          %add3A_437 = arith.addi %mul3A_267, %add3A_436 : i32
          %get3A_438 = arith.index_cast %add3A_437 : i32 to index
          %get3A_439 = tpu.vector_load %arg8[%get3A_438] {strides = array<i32>} : memref<10000xf32, #tpu.memory_space<vmem>>, vector<16xf32>,
          %get3A_440 = vector.shape_cast %get3A_439 : vector<16xf32> to vector<16xf32>
          %max3A_441 = arith.maximumf %max3A_423, %get3A_440 : vector<16xf32>
          %add3A_442 = arith.constant 144 : i32
          %add3A_443 = arith.addi %mul3A_267, %add3A_442 : i32
          %get3A_444 = arith.index_cast %add3A_443 : i32 to index
          %get3A_445 = tpu.vector_load %arg9[%get3A_444] {strides = array<i32>} : memref<10000xf32, #tpu.memory_space<vmem>>, vector<16xf32>,
          %get3A_446 = vector.shape_cast %get3A_445 : vector<16xf32> to vector<16xf32>
          %max3A_447 = arith.maximumf %max3A_429, %get3A_446 : vector<16xf32>
          %add3A_448 = arith.constant 160 : i32
          %add3A_449 = arith.addi %mul3A_267, %add3A_448 : i32
          %get3A_450 = arith.index_cast %add3A_449 : i32 to index
          %get3A_451 = tpu.vector_load %arg7[%get3A_450] {strides = array<i32>} : memref<10000xf32, #tpu.memory_space<vmem>>, vector<16xf32>,
          %get3A_452 = vector.shape_cast %get3A_451 : vector<16xf32> to vector<16xf32>
          %max3A_453 = arith.maximumf %max3A_435, %get3A_452 : vector<16xf32>
          %add3A_454 = arith.constant 160 : i32
          %add3A_455 = arith.addi %mul3A_267, %add3A_454 : i32
          %get3A_456 = arith.index_cast %add3A_455 : i32 to index
          %get3A_457 = tpu.vector_load %arg8[%get3A_456] {strides = array<i32>} : memref<10000xf32, #tpu.memory_space<vmem>>, vector<16xf32>,
          %get3A_458 = vector.shape_cast %get3A_457 : vector<16xf32> to vector<16xf32>
          %max3A_459 = arith.maximumf %max3A_441, %get3A_458 : vector<16xf32>
          %add3A_460 = arith.constant 160 : i32
          %add3A_461 = arith.addi %mul3A_267, %add3A_460 : i32
          %get3A_462 = arith.index_cast %add3A_461 : i32 to index
          %get3A_463 = tpu.vector_load %arg9[%get3A_462] {strides = array<i32>} : memref<10000xf32, #tpu.memory_space<vmem>>, vector<16xf32>,
          %get3A_464 = vector.shape_cast %get3A_463 : vector<16xf32> to vector<16xf32>
          %max3A_465 = arith.maximumf %max3A_447, %get3A_464 : vector<16xf32>
          %add3A_466 = arith.constant 176 : i32
          %add3A_467 = arith.addi %mul3A_267, %add3A_466 : i32
          %get3A_468 = arith.index_cast %add3A_467 : i32 to index
          %get3A_469 = tpu.vector_load %arg7[%get3A_468] {strides = array<i32>} : memref<10000xf32, #tpu.memory_space<vmem>>, vector<16xf32>,
          %get3A_470 = vector.shape_cast %get3A_469 : vector<16xf32> to vector<16xf32>
          %max3A_471 = arith.maximumf %max3A_453, %get3A_470 : vector<16xf32>
          %add3A_472 = arith.constant 176 : i32
          %add3A_473 = arith.addi %mul3A_267, %add3A_472 : i32
          %get3A_474 = arith.index_cast %add3A_473 : i32 to index
          %get3A_475 = tpu.vector_load %arg8[%get3A_474] {strides = array<i32>} : memref<10000xf32, #tpu.memory_space<vmem>>, vector<16xf32>,
          %get3A_476 = vector.shape_cast %get3A_475 : vector<16xf32> to vector<16xf32>
          %max3A_477 = arith.maximumf %max3A_459, %get3A_476 : vector<16xf32>
          %add3A_478 = arith.constant 176 : i32
          %add3A_479 = arith.addi %mul3A_267, %add3A_478 : i32
          %get3A_480 = arith.index_cast %add3A_479 : i32 to index
          %get3A_481 = tpu.vector_load %arg9[%get3A_480] {strides = array<i32>} : memref<10000xf32, #tpu.memory_space<vmem>>, vector<16xf32>,
          %get3A_482 = vector.shape_cast %get3A_481 : vector<16xf32> to vector<16xf32>
          %max3A_483 = arith.maximumf %max3A_465, %get3A_482 : vector<16xf32>
          %add3A_484 = arith.constant 192 : i32
          %add3A_485 = arith.addi %mul3A_267, %add3A_484 : i32
          %get3A_486 = arith.index_cast %add3A_485 : i32 to index
          %get3A_487 = tpu.vector_load %arg7[%get3A_486] {strides = array<i32>} : memref<10000xf32, #tpu.memory_space<vmem>>, vector<16xf32>,
          %get3A_488 = vector.shape_cast %get3A_487 : vector<16xf32> to vector<16xf32>
          %max3A_489 = arith.maximumf %max3A_471, %get3A_488 : vector<16xf32>
          %add3A_490 = arith.constant 192 : i32
          %add3A_491 = arith.addi %mul3A_267, %add3A_490 : i32
          %get3A_492 = arith.index_cast %add3A_491 : i32 to index
          %get3A_493 = tpu.vector_load %arg8[%get3A_492] {strides = array<i32>} : memref<10000xf32, #tpu.memory_space<vmem>>, vector<16xf32>,
          %get3A_494 = vector.shape_cast %get3A_493 : vector<16xf32> to vector<16xf32>
          %max3A_495 = arith.maximumf %max3A_477, %get3A_494 : vector<16xf32>
          %add3A_496 = arith.constant 192 : i32
          %add3A_497 = arith.addi %mul3A_267, %add3A_496 : i32
          %get3A_498 = arith.index_cast %add3A_497 : i32 to index
          %get3A_499 = tpu.vector_load %arg9[%get3A_498] {strides = array<i32>} : memref<10000xf32, #tpu.memory_space<vmem>>, vector<16xf32>,
          %get3A_500 = vector.shape_cast %get3A_499 : vector<16xf32> to vector<16xf32>
          %max3A_501 = arith.maximumf %max3A_483, %get3A_500 : vector<16xf32>
          %add3A_502 = arith.constant 208 : i32
          %add3A_503 = arith.addi %mul3A_267, %add3A_502 : i32
          %get3A_504 = arith.index_cast %add3A_503 : i32 to index
          %get3A_505 = tpu.vector_load %arg7[%get3A_504] {strides = array<i32>} : memref<10000xf32, #tpu.memory_space<vmem>>, vector<16xf32>,
          %get3A_506 = vector.shape_cast %get3A_505 : vector<16xf32> to vector<16xf32>
          %max3A_507 = arith.maximumf %max3A_489, %get3A_506 : vector<16xf32>
          %add3A_508 = arith.constant 208 : i32
          %add3A_509 = arith.addi %mul3A_267, %add3A_508 : i32
          %get3A_510 = arith.index_cast %add3A_509 : i32 to index
          %get3A_511 = tpu.vector_load %arg8[%get3A_510] {strides = array<i32>} : memref<10000xf32, #tpu.memory_space<vmem>>, vector<16xf32>,
          %get3A_512 = vector.shape_cast %get3A_511 : vector<16xf32> to vector<16xf32>
          %max3A_513 = arith.maximumf %max3A_495, %get3A_512 : vector<16xf32>
          %add3A_514 = arith.constant 208 : i32
          %add3A_515 = arith.addi %mul3A_267, %add3A_514 : i32
          %get3A_516 = arith.index_cast %add3A_515 : i32 to index
          %get3A_517 = tpu.vector_load %arg9[%get3A_516] {strides = array<i32>} : memref<10000xf32, #tpu.memory_space<vmem>>, vector<16xf32>,
          %get3A_518 = vector.shape_cast %get3A_517 : vector<16xf32> to vector<16xf32>
          %max3A_519 = arith.maximumf %max3A_501, %get3A_518 : vector<16xf32>
          %add3A_520 = arith.constant 224 : i32
          %add3A_521 = arith.addi %mul3A_267, %add3A_520 : i32
          %get3A_522 = arith.index_cast %add3A_521 : i32 to index
          %get3A_523 = tpu.vector_load %arg7[%get3A_522] {strides = array<i32>} : memref<10000xf32, #tpu.memory_space<vmem>>, vector<16xf32>,
          %get3A_524 = vector.shape_cast %get3A_523 : vector<16xf32> to vector<16xf32>
          %max3A_525 = arith.maximumf %max3A_507, %get3A_524 : vector<16xf32>
          %add3A_526 = arith.constant 224 : i32
          %add3A_527 = arith.addi %mul3A_267, %add3A_526 : i32
          %get3A_528 = arith.index_cast %add3A_527 : i32 to index
          %get3A_529 = tpu.vector_load %arg8[%get3A_528] {strides = array<i32>} : memref<10000xf32, #tpu.memory_space<vmem>>, vector<16xf32>,
          %get3A_530 = vector.shape_cast %get3A_529 : vector<16xf32> to vector<16xf32>
          %max3A_531 = arith.maximumf %max3A_513, %get3A_530 : vector<16xf32>
          %add3A_532 = arith.constant 224 : i32
          %add3A_533 = arith.addi %mul3A_267, %add3A_532 : i32
          %get3A_534 = arith.index_cast %add3A_533 : i32 to index
          %get3A_535 = tpu.vector_load %arg9[%get3A_534] {strides = array<i32>} : memref<10000xf32, #tpu.memory_space<vmem>>, vector<16xf32>,
          %get3A_536 = vector.shape_cast %get3A_535 : vector<16xf32> to vector<16xf32>
          %max3A_537 = arith.maximumf %max3A_519, %get3A_536 : vector<16xf32>
          %add3A_538 = arith.constant 240 : i32
          %add3A_539 = arith.addi %mul3A_267, %add3A_538 : i32
          %get3A_540 = arith.index_cast %add3A_539 : i32 to index
          %get3A_541 = tpu.vector_load %arg7[%get3A_540] {strides = array<i32>} : memref<10000xf32, #tpu.memory_space<vmem>>, vector<16xf32>,
          %get3A_542 = vector.shape_cast %get3A_541 : vector<16xf32> to vector<16xf32>
          %max3A_543 = arith.maximumf %max3A_525, %get3A_542 : vector<16xf32>
          %add3A_544 = arith.constant 240 : i32
          %add3A_545 = arith.addi %mul3A_267, %add3A_544 : i32
          %get3A_546 = arith.index_cast %add3A_545 : i32 to index
          %get3A_547 = tpu.vector_load %arg8[%get3A_546] {strides = array<i32>} : memref<10000xf32, #tpu.memory_space<vmem>>, vector<16xf32>,
          %get3A_548 = vector.shape_cast %get3A_547 : vector<16xf32> to vector<16xf32>
          %max3A_549 = arith.maximumf %max3A_531, %get3A_548 : vector<16xf32>
          %add3A_550 = arith.constant 240 : i32
          %add3A_551 = arith.addi %mul3A_267, %add3A_550 : i32
          %get3A_552 = arith.index_cast %add3A_551 : i32 to index
          %get3A_553 = tpu.vector_load %arg9[%get3A_552] {strides = array<i32>} : memref<10000xf32, #tpu.memory_space<vmem>>, vector<16xf32>,
          %get3A_554 = vector.shape_cast %get3A_553 : vector<16xf32> to vector<16xf32>
          %max3A_555 = arith.maximumf %max3A_537, %get3A_554 : vector<16xf32>
          %add3A_556 = arith.constant 256 : i32
          %add3A_557 = arith.addi %mul3A_267, %add3A_556 : i32
          %get3A_558 = arith.index_cast %add3A_557 : i32 to index
          %get3A_559 = tpu.vector_load %arg7[%get3A_558] {strides = array<i32>} : memref<10000xf32, #tpu.memory_space<vmem>>, vector<16xf32>,
          %get3A_560 = vector.shape_cast %get3A_559 : vector<16xf32> to vector<16xf32>
          %max3A_561 = arith.maximumf %max3A_543, %get3A_560 : vector<16xf32>
          %add3A_562 = arith.constant 256 : i32
          %add3A_563 = arith.addi %mul3A_267, %add3A_562 : i32
          %get3A_564 = arith.index_cast %add3A_563 : i32 to index
          %get3A_565 = tpu.vector_load %arg8[%get3A_564] {strides = array<i32>} : memref<10000xf32, #tpu.memory_space<vmem>>, vector<16xf32>,
          %get3A_566 = vector.shape_cast %get3A_565 : vector<16xf32> to vector<16xf32>
          %max3A_567 = arith.maximumf %max3A_549, %get3A_566 : vector<16xf32>
          %add3A_568 = arith.constant 256 : i32
          %add3A_569 = arith.addi %mul3A_267, %add3A_568 : i32
          %get3A_570 = arith.index_cast %add3A_569 : i32 to index
          %get3A_571 = tpu.vector_load %arg9[%get3A_570] {strides = array<i32>} : memref<10000xf32, #tpu.memory_space<vmem>>, vector<16xf32>,
          %get3A_572 = vector.shape_cast %get3A_571 : vector<16xf32> to vector<16xf32>
          %max3A_573 = arith.maximumf %max3A_555, %get3A_572 : vector<16xf32>
          %add3A_574 = arith.constant 272 : i32
          %add3A_575 = arith.addi %mul3A_267, %add3A_574 : i32
          %get3A_576 = arith.index_cast %add3A_575 : i32 to index
          %get3A_577 = tpu.vector_load %arg7[%get3A_576] {strides = array<i32>} : memref<10000xf32, #tpu.memory_space<vmem>>, vector<16xf32>,
          %get3A_578 = vector.shape_cast %get3A_577 : vector<16xf32> to vector<16xf32>
          %max3A_579 = arith.maximumf %max3A_561, %get3A_578 : vector<16xf32>
          %add3A_580 = arith.constant 272 : i32
          %add3A_581 = arith.addi %mul3A_267, %add3A_580 : i32
          %get3A_582 = arith.index_cast %add3A_581 : i32 to index
          %get3A_583 = tpu.vector_load %arg8[%get3A_582] {strides = array<i32>} : memref<10000xf32, #tpu.memory_space<vmem>>, vector<16xf32>,
          %get3A_584 = vector.shape_cast %get3A_583 : vector<16xf32> to vector<16xf32>
          %max3A_585 = arith.maximumf %max3A_567, %get3A_584 : vector<16xf32>
          %add3A_586 = arith.constant 272 : i32
          %add3A_587 = arith.addi %mul3A_267, %add3A_586 : i32
          %get3A_588 = arith.index_cast %add3A_587 : i32 to index
          %get3A_589 = tpu.vector_load %arg9[%get3A_588] {strides = array<i32>} : memref<10000xf32, #tpu.memory_space<vmem>>, vector<16xf32>,
          %get3A_590 = vector.shape_cast %get3A_589 : vector<16xf32> to vector<16xf32>
          %max3A_591 = arith.maximumf %max3A_573, %get3A_590 : vector<16xf32>
          %add3A_592 = arith.constant 288 : i32
          %add3A_593 = arith.addi %mul3A_267, %add3A_592 : i32
          %get3A_594 = arith.index_cast %add3A_593 : i32 to index
          %get3A_595 = tpu.vector_load %arg7[%get3A_594] {strides = array<i32>} : memref<10000xf32, #tpu.memory_space<vmem>>, vector<16xf32>,
          %get3A_596 = vector.shape_cast %get3A_595 : vector<16xf32> to vector<16xf32>
          %max3A_597 = arith.maximumf %max3A_579, %get3A_596 : vector<16xf32>
          %add3A_598 = arith.constant 288 : i32
          %add3A_599 = arith.addi %mul3A_267, %add3A_598 : i32
          %get3A_600 = arith.index_cast %add3A_599 : i32 to index
          %get3A_601 = tpu.vector_load %arg8[%get3A_600] {strides = array<i32>} : memref<10000xf32, #tpu.memory_space<vmem>>, vector<16xf32>,
          %get3A_602 = vector.shape_cast %get3A_601 : vector<16xf32> to vector<16xf32>
          %max3A_603 = arith.maximumf %max3A_585, %get3A_602 : vector<16xf32>
          %add3A_604 = arith.constant 288 : i32
          %add3A_605 = arith.addi %mul3A_267, %add3A_604 : i32
          %get3A_606 = arith.index_cast %add3A_605 : i32 to index
          %get3A_607 = tpu.vector_load %arg9[%get3A_606] {strides = array<i32>} : memref<10000xf32, #tpu.memory_space<vmem>>, vector<16xf32>,
          %get3A_608 = vector.shape_cast %get3A_607 : vector<16xf32> to vector<16xf32>
          %max3A_609 = arith.maximumf %max3A_591, %get3A_608 : vector<16xf32>
          %add3A_610 = arith.constant 304 : i32
          %add3A_611 = arith.addi %mul3A_267, %add3A_610 : i32
          %get3A_612 = arith.index_cast %add3A_611 : i32 to index
          %get3A_613 = tpu.vector_load %arg7[%get3A_612] {strides = array<i32>} : memref<10000xf32, #tpu.memory_space<vmem>>, vector<16xf32>,
          %get3A_614 = vector.shape_cast %get3A_613 : vector<16xf32> to vector<16xf32>
          %max3A_615 = arith.maximumf %max3A_597, %get3A_614 : vector<16xf32>
          %add3A_616 = arith.constant 304 : i32
          %add3A_617 = arith.addi %mul3A_267, %add3A_616 : i32
          %get3A_618 = arith.index_cast %add3A_617 : i32 to index
          %get3A_619 = tpu.vector_load %arg8[%get3A_618] {strides = array<i32>} : memref<10000xf32, #tpu.memory_space<vmem>>, vector<16xf32>,
          %get3A_620 = vector.shape_cast %get3A_619 : vector<16xf32> to vector<16xf32>
          %max3A_621 = arith.maximumf %max3A_603, %get3A_620 : vector<16xf32>
          %add3A_622 = arith.constant 304 : i32
          %add3A_623 = arith.addi %mul3A_267, %add3A_622 : i32
          %get3A_624 = arith.index_cast %add3A_623 : i32 to index
          %get3A_625 = tpu.vector_load %arg9[%get3A_624] {strides = array<i32>} : memref<10000xf32, #tpu.memory_space<vmem>>, vector<16xf32>,
          %get3A_626 = vector.shape_cast %get3A_625 : vector<16xf32> to vector<16xf32>
          %max3A_627 = arith.maximumf %max3A_609, %get3A_626 : vector<16xf32>
          %add3A_628 = arith.constant 320 : i32
          %add3A_629 = arith.addi %mul3A_267, %add3A_628 : i32
          %get3A_630 = arith.index_cast %add3A_629 : i32 to index
          %get3A_631 = tpu.vector_load %arg7[%get3A_630] {strides = array<i32>} : memref<10000xf32, #tpu.memory_space<vmem>>, vector<16xf32>,
          %get3A_632 = vector.shape_cast %get3A_631 : vector<16xf32> to vector<16xf32>
          %max3A_633 = arith.maximumf %max3A_615, %get3A_632 : vector<16xf32>
          %add3A_634 = arith.constant 320 : i32
          %add3A_635 = arith.addi %mul3A_267, %add3A_634 : i32
          %get3A_636 = arith.index_cast %add3A_635 : i32 to index
          %get3A_637 = tpu.vector_load %arg8[%get3A_636] {strides = array<i32>} : memref<10000xf32, #tpu.memory_space<vmem>>, vector<16xf32>,
          %get3A_638 = vector.shape_cast %get3A_637 : vector<16xf32> to vector<16xf32>
          %max3A_639 = arith.maximumf %max3A_621, %get3A_638 : vector<16xf32>
          %add3A_640 = arith.constant 320 : i32
          %add3A_641 = arith.addi %mul3A_267, %add3A_640 : i32
          %get3A_642 = arith.index_cast %add3A_641 : i32 to index
          %get3A_643 = tpu.vector_load %arg9[%get3A_642] {strides = array<i32>} : memref<10000xf32, #tpu.memory_space<vmem>>, vector<16xf32>,
          %get3A_644 = vector.shape_cast %get3A_643 : vector<16xf32> to vector<16xf32>
          %max3A_645 = arith.maximumf %max3A_627, %get3A_644 : vector<16xf32>
          %add3A_646 = arith.constant 336 : i32
          %add3A_647 = arith.addi %mul3A_267, %add3A_646 : i32
          %get3A_648 = arith.index_cast %add3A_647 : i32 to index
          %get3A_649 = tpu.vector_load %arg7[%get3A_648] {strides = array<i32>} : memref<10000xf32, #tpu.memory_space<vmem>>, vector<16xf32>,
          %get3A_650 = vector.shape_cast %get3A_649 : vector<16xf32> to vector<16xf32>
          %max3A_651 = arith.maximumf %max3A_633, %get3A_650 : vector<16xf32>
          %add3A_652 = arith.constant 336 : i32
          %add3A_653 = arith.addi %mul3A_267, %add3A_652 : i32
          %get3A_654 = arith.index_cast %add3A_653 : i32 to index
          %get3A_655 = tpu.vector_load %arg8[%get3A_654] {strides = array<i32>} : memref<10000xf32, #tpu.memory_space<vmem>>, vector<16xf32>,
          %get3A_656 = vector.shape_cast %get3A_655 : vector<16xf32> to vector<16xf32>
          %max3A_657 = arith.maximumf %max3A_639, %get3A_656 : vector<16xf32>
          %add3A_658 = arith.constant 336 : i32
          %add3A_659 = arith.addi %mul3A_267, %add3A_658 : i32
          %get3A_660 = arith.index_cast %add3A_659 : i32 to index
          %get3A_661 = tpu.vector_load %arg9[%get3A_660] {strides = array<i32>} : memref<10000xf32, #tpu.memory_space<vmem>>, vector<16xf32>,
          %get3A_662 = vector.shape_cast %get3A_661 : vector<16xf32> to vector<16xf32>
          %max3A_663 = arith.maximumf %max3A_645, %get3A_662 : vector<16xf32>
          %add3A_664 = arith.constant 352 : i32
          %add3A_665 = arith.addi %mul3A_267, %add3A_664 : i32
          %get3A_666 = arith.index_cast %add3A_665 : i32 to index
          %get3A_667 = tpu.vector_load %arg7[%get3A_666] {strides = array<i32>} : memref<10000xf32, #tpu.memory_space<vmem>>, vector<16xf32>,
          %get3A_668 = vector.shape_cast %get3A_667 : vector<16xf32> to vector<16xf32>
          %max3A_669 = arith.maximumf %max3A_651, %get3A_668 : vector<16xf32>
          %add3A_670 = arith.constant 352 : i32
          %add3A_671 = arith.addi %mul3A_267, %add3A_670 : i32
          %get3A_672 = arith.index_cast %add3A_671 : i32 to index
          %get3A_673 = tpu.vector_load %arg8[%get3A_672] {strides = array<i32>} : memref<10000xf32, #tpu.memory_space<vmem>>, vector<16xf32>,
          %get3A_674 = vector.shape_cast %get3A_673 : vector<16xf32> to vector<16xf32>
          %max3A_675 = arith.maximumf %max3A_657, %get3A_674 : vector<16xf32>
          %add3A_676 = arith.constant 352 : i32
          %add3A_677 = arith.addi %mul3A_267, %add3A_676 : i32
          %get3A_678 = arith.index_cast %add3A_677 : i32 to index
          %get3A_679 = tpu.vector_load %arg9[%get3A_678] {strides = array<i32>} : memref<10000xf32, #tpu.memory_space<vmem>>, vector<16xf32>,
          %get3A_680 = vector.shape_cast %get3A_679 : vector<16xf32> to vector<16xf32>
          %max3A_681 = arith.maximumf %max3A_663, %get3A_680 : vector<16xf32>
          %add3A_682 = arith.constant 368 : i32
          %add3A_683 = arith.addi %mul3A_267, %add3A_682 : i32
          %get3A_684 = arith.index_cast %add3A_683 : i32 to index
          %get3A_685 = tpu.vector_load %arg7[%get3A_684] {strides = array<i32>} : memref<10000xf32, #tpu.memory_space<vmem>>, vector<16xf32>,
          %get3A_686 = vector.shape_cast %get3A_685 : vector<16xf32> to vector<16xf32>
          %max3A_687 = arith.maximumf %max3A_669, %get3A_686 : vector<16xf32>
          %add3A_688 = arith.constant 368 : i32
          %add3A_689 = arith.addi %mul3A_267, %add3A_688 : i32
          %get3A_690 = arith.index_cast %add3A_689 : i32 to index
          %get3A_691 = tpu.vector_load %arg8[%get3A_690] {strides = array<i32>} : memref<10000xf32, #tpu.memory_space<vmem>>, vector<16xf32>,
          %get3A_692 = vector.shape_cast %get3A_691 : vector<16xf32> to vector<16xf32>
          %max3A_693 = arith.maximumf %max3A_675, %get3A_692 : vector<16xf32>
          %add3A_694 = arith.constant 368 : i32
          %add3A_695 = arith.addi %mul3A_267, %add3A_694 : i32
          %get3A_696 = arith.index_cast %add3A_695 : i32 to index
          %get3A_697 = tpu.vector_load %arg9[%get3A_696] {strides = array<i32>} : memref<10000xf32, #tpu.memory_space<vmem>>, vector<16xf32>,
          %get3A_698 = vector.shape_cast %get3A_697 : vector<16xf32> to vector<16xf32>
          %max3A_699 = arith.maximumf %max3A_681, %get3A_698 : vector<16xf32>
          %add3A_700 = arith.constant 384 : i32
          %add3A_701 = arith.addi %mul3A_267, %add3A_700 : i32
          %get3A_702 = arith.index_cast %add3A_701 : i32 to index
          %get3A_703 = tpu.vector_load %arg7[%get3A_702] {strides = array<i32>} : memref<10000xf32, #tpu.memory_space<vmem>>, vector<16xf32>,
          %get3A_704 = vector.shape_cast %get3A_703 : vector<16xf32> to vector<16xf32>
          %max3A_705 = arith.maximumf %max3A_687, %get3A_704 : vector<16xf32>
          %add3A_706 = arith.constant 384 : i32
          %add3A_707 = arith.addi %mul3A_267, %add3A_706 : i32
          %get3A_708 = arith.index_cast %add3A_707 : i32 to index
          %get3A_709 = tpu.vector_load %arg8[%get3A_708] {strides = array<i32>} : memref<10000xf32, #tpu.memory_space<vmem>>, vector<16xf32>,
          %get3A_710 = vector.shape_cast %get3A_709 : vector<16xf32> to vector<16xf32>
          %max3A_711 = arith.maximumf %max3A_693, %get3A_710 : vector<16xf32>
          %add3A_712 = arith.constant 384 : i32
          %add3A_713 = arith.addi %mul3A_267, %add3A_712 : i32
          %get3A_714 = arith.index_cast %add3A_713 : i32 to index
          %get3A_715 = tpu.vector_load %arg9[%get3A_714] {strides = array<i32>} : memref<10000xf32, #tpu.memory_space<vmem>>, vector<16xf32>,
          %get3A_716 = vector.shape_cast %get3A_715 : vector<16xf32> to vector<16xf32>
          %max3A_717 = arith.maximumf %max3A_699, %get3A_716 : vector<16xf32>
          scf.yield %max3A_705, %max3A_711, %max3A_717 : vector<16xf32>, vector<16xf32>, vector<16xf32>
        }
        %scan3A_226 = arith.constant 25 : i32
        %mul3A_227 = arith.constant 48 : i32
        %mul3A_228 = arith.muli %squeeze3A, %mul3A_227 : i32
        %add3A_229 = arith.constant 0 : i32
        %add3A_230 = arith.addi %mul3A_228, %add3A_229 : i32
        %get3A_231 = arith.index_cast %add3A_230 : i32 to index
        %get3A_232 = tpu.vector_load %arg13[%get3A_231] {strides = array<i32>} : memref<768xf32, #tpu.memory_space<vmem>>, vector<16xf32>,
        %get3A_233 = vector.shape_cast %get3A_232 : vector<16xf32> to vector<16xf32>
        %max3A = arith.maximumf %get3A_233, %scan3A_225#0 : vector<16xf32>
        %swap3A_234 = arith.index_cast %add3A_230 : i32 to index
        %swap3A_235 = tpu.vector_load %arg13[%swap3A_234] {strides = array<i32>} : memref<768xf32, #tpu.memory_space<vmem>>, vector<16xf32>,
        %swap3A_236 = vector.shape_cast %swap3A_235 : vector<16xf32> to vector<16xf32>
        %swap3A_237 = vector.shape_cast %max3A : vector<16xf32> to vector<16xf32>
        tpu.vector_store %arg13[%swap3A_234], %swap3A_237 {strides = array<i32>} : memref<768xf32, #tpu.memory_space<vmem>>, vector<16xf32>,
        %mul3A_238 = arith.constant 48 : i32
        %mul3A_239 = arith.muli %squeeze3A, %mul3A_238 : i32
        %add3A_240 = arith.constant 16 : i32
        %add3A_241 = arith.addi %mul3A_239, %add3A_240 : i32
        %get3A_242 = arith.index_cast %add3A_241 : i32 to index
        %get3A_243 = tpu.vector_load %arg13[%get3A_242] {strides = array<i32>} : memref<768xf32, #tpu.memory_space<vmem>>, vector<16xf32>,
        %get3A_244 = vector.shape_cast %get3A_243 : vector<16xf32> to vector<16xf32>
        %max3A_245 = arith.maximumf %get3A_244, %scan3A_225#1 : vector<16xf32>
        %swap3A_246 = arith.index_cast %add3A_241 : i32 to index
        %swap3A_247 = tpu.vector_load %arg13[%swap3A_246] {strides = array<i32>} : memref<768xf32, #tpu.memory_space<vmem>>, vector<16xf32>,
        %swap3A_248 = vector.shape_cast %swap3A_247 : vector<16xf32> to vector<16xf32>
        %swap3A_249 = vector.shape_cast %max3A_245 : vector<16xf32> to vector<16xf32>
        tpu.vector_store %arg13[%swap3A_246], %swap3A_249 {strides = array<i32>} : memref<768xf32, #tpu.memory_space<vmem>>, vector<16xf32>,
        %mul3A_250 = arith.constant 48 : i32
        %mul3A_251 = arith.muli %squeeze3A, %mul3A_250 : i32
        %add3A_252 = arith.constant 32 : i32
        %add3A_253 = arith.addi %mul3A_251, %add3A_252 : i32
        %get3A_254 = arith.index_cast %add3A_253 : i32 to index
        %get3A_255 = tpu.vector_load %arg13[%get3A_254] {strides = array<i32>} : memref<768xf32, #tpu.memory_space<vmem>>, vector<16xf32>,
        %get3A_256 = vector.shape_cast %get3A_255 : vector<16xf32> to vector<16xf32>
        %max3A_257 = arith.maximumf %get3A_256, %scan3A_225#2 : vector<16xf32>
        %swap3A_258 = arith.index_cast %add3A_253 : i32 to index
        %swap3A_259 = tpu.vector_load %arg13[%swap3A_258] {strides = array<i32>} : memref<768xf32, #tpu.memory_space<vmem>>, vector<16xf32>,
        %swap3A_260 = vector.shape_cast %swap3A_259 : vector<16xf32> to vector<16xf32>
        %swap3A_261 = vector.shape_cast %max3A_257 : vector<16xf32> to vector<16xf32>
        tpu.vector_store %arg13[%swap3A_258], %swap3A_261 {strides = array<i32>} : memref<768xf32, #tpu.memory_space<vmem>>, vector<16xf32>,
      } else {
      }
      %ne3A = arith.cmpi ne, %squeeze3A, %squeeze3A_215 : i32
      %convert_element_type3A_217 = arith.extui %ne3A : i1 to i32
      %cond3A_218 = arith.constant 0 : i32
      %cond3A_219 = arith.cmpi ne, %convert_element_type3A_217, %cond3A_218 : i32
      scf.if %cond3A_219 {
        "tpu.region"() ({
          %run_scoped3A = tpu.sem_alloc : memref<!tpu.dma_semaphore, #tpu.memory_space<semaphore_mem>>
          %dma_start3A = tpu.memref_slice %arg5[%multiple_of3A] : memref<3200000xi32, #tpu.memory_space<hbm>> -> memref<10000xi32, #tpu.memory_space<hbm>>
          %dma_start3A_346 = tpu.memref_slice %arg5[%multiple_of3A] : memref<3200000xi32, #tpu.memory_space<hbm>> -> memref<10000xi32, #tpu.memory_space<hbm>>
          tpu.enqueue_dma source(%dma_start3A_346 : memref<10000xi32, #tpu.memory_space<hbm>>) target(%arg10 : memref<10000xi32, #tpu.memory_space<vmem>>) target_semaphore(%run_scoped3A : memref<!tpu.dma_semaphore, #tpu.memory_space<semaphore_mem>>)
          %dma_wait3A = tpu.memref_slice %arg5[%multiple_of3A] : memref<3200000xi32, #tpu.memory_space<hbm>> -> memref<10000xi32, #tpu.memory_space<hbm>>
          %dma_wait3A_347 = tpu.memref_slice %arg5[%multiple_of3A] : memref<3200000xi32, #tpu.memory_space<hbm>> -> memref<10000xi32, #tpu.memory_space<hbm>>
          tpu.wait_dma2 semaphore(%run_scoped3A : memref<!tpu.dma_semaphore, #tpu.memory_space<semaphore_mem>>) src(%dma_wait3A_347 : memref<10000xi32, #tpu.memory_space<hbm>>) dst(%arg10 : memref<10000xi32, #tpu.memory_space<vmem>>)
          tpu.yield
        }) : () -> ()
        %le3A = arith.constant 0 : i32
        %le3A_221 = arith.cmpi sle, %squeeze3A, %le3A : i32
        %ge3A = arith.constant 0 : i32
        %ge3A_222 = arith.cmpi sge, %squeeze3A_215, %ge3A : i32
        %and3A = arith.andi %le3A_221, %ge3A_222 : i1
        %convert_element_type3A_223 = arith.extui %and3A : i1 to i32
        %cond3A_224 = arith.constant 0 : i32
        %cond3A_225 = arith.cmpi ne, %convert_element_type3A_223, %cond3A_224 : i32
        scf.if %cond3A_225 {
          %scan3A_346 = arith.constant 0 : i32
          %scan3A_347 = arith.constant 625 : i32
          %scan3A_348 = arith.addi %scan3A_346, %scan3A_347 : i32
          %scan3A_349 = arith.constant 1 : i32
          %scan3A_350:3 = scf.for %scan3A_375 = %scan3A_346 to %scan3A_348 step %scan3A_349 iter_args(%scan3A_376 = %broadcast_in_dim3A_1, %scan3A_377 = %broadcast_in_dim3A_1, %scan3A_378 = %broadcast_in_dim3A_1) -> (vector<16xf32>, vector<16xf32>, vector<16xf32>)  : i32 {
            %mul3A_379 = arith.constant 16 : i32
            %mul3A_380 = arith.muli %scan3A_375, %mul3A_379 : i32
            %get3A_381 = arith.index_cast %mul3A_380 : i32 to index
            %get3A_382 = tpu.vector_load %arg10[%get3A_381] {strides = array<i32>} : memref<10000xi32, #tpu.memory_space<vmem>>, vector<16xi32>,
            %get3A_383 = vector.shape_cast %get3A_382 : vector<16xi32> to vector<16xi32>
            %eq3A_384 = arith.constant 0 : i32
            %eq3A_385 = vector.broadcast %eq3A_384 : i32 to vector<16xi32>
            %eq3A_386 = arith.cmpi eq, %get3A_383, %eq3A_385 : vector<16xi32>
            %mul3A_387 = arith.constant 16 : i32
            %mul3A_388 = arith.muli %scan3A_375, %mul3A_387 : i32
            %get3A_389 = arith.index_cast %mul3A_388 : i32 to index
            %get3A_390 = tpu.vector_load %arg7[%get3A_389] {strides = array<i32>} : memref<10000xf32, #tpu.memory_space<vmem>>, vector<16xf32>,
            %get3A_391 = vector.shape_cast %get3A_390 : vector<16xf32> to vector<16xf32>
            %jit3A = arith.constant 0xFF800000 : f32
            %broadcast_in_dim3A_392 = vector.broadcast %jit3A : f32 to vector<16xf32>
            %select_n3A = arith.select %eq3A_386, %get3A_391, %broadcast_in_dim3A_392 : vector<16xi1>, vector<16xf32>
            %max3A_393 = arith.maximumf %scan3A_376, %select_n3A : vector<16xf32>
            %mul3A_394 = arith.constant 16 : i32
            %mul3A_395 = arith.muli %scan3A_375, %mul3A_394 : i32
            %get3A_396 = arith.index_cast %mul3A_395 : i32 to index
            %get3A_397 = tpu.vector_load %arg8[%get3A_396] {strides = array<i32>} : memref<10000xf32, #tpu.memory_space<vmem>>, vector<16xf32>,
            %get3A_398 = vector.shape_cast %get3A_397 : vector<16xf32> to vector<16xf32>
            %jit3A_399 = arith.constant 0xFF800000 : f32
            %broadcast_in_dim3A_400 = vector.broadcast %jit3A_399 : f32 to vector<16xf32>
            %select_n3A_401 = arith.select %eq3A_386, %get3A_398, %broadcast_in_dim3A_400 : vector<16xi1>, vector<16xf32>
            %max3A_402 = arith.maximumf %scan3A_377, %select_n3A_401 : vector<16xf32>
            %mul3A_403 = arith.constant 16 : i32
            %mul3A_404 = arith.muli %scan3A_375, %mul3A_403 : i32
            %get3A_405 = arith.index_cast %mul3A_404 : i32 to index
            %get3A_406 = tpu.vector_load %arg9[%get3A_405] {strides = array<i32>} : memref<10000xf32, #tpu.memory_space<vmem>>, vector<16xf32>,
            %get3A_407 = vector.shape_cast %get3A_406 : vector<16xf32> to vector<16xf32>
            %jit3A_408 = arith.constant 0xFF800000 : f32
            %broadcast_in_dim3A_409 = vector.broadcast %jit3A_408 : f32 to vector<16xf32>
            %select_n3A_410 = arith.select %eq3A_386, %get3A_407, %broadcast_in_dim3A_409 : vector<16xi1>, vector<16xf32>
            %max3A_411 = arith.maximumf %scan3A_378, %select_n3A_410 : vector<16xf32>
            scf.yield %max3A_393, %max3A_402, %max3A_411 : vector<16xf32>, vector<16xf32>, vector<16xf32>
          }
          %scan3A_351 = arith.constant 625 : i32
          %get3A_352 = arith.constant 0 : index
          %get3A_353 = tpu.vector_load %arg13[%get3A_352] {strides = array<i32>} : memref<768xf32, #tpu.memory_space<vmem>>, vector<16xf32>,
          %get3A_354 = vector.shape_cast %get3A_353 : vector<16xf32> to vector<16xf32>
          %max3A = arith.maximumf %get3A_354, %scan3A_350#0 : vector<16xf32>
          %swap3A_355 = arith.constant 0 : index
          %swap3A_356 = tpu.vector_load %arg13[%swap3A_355] {strides = array<i32>} : memref<768xf32, #tpu.memory_space<vmem>>, vector<16xf32>,
          %swap3A_357 = vector.shape_cast %swap3A_356 : vector<16xf32> to vector<16xf32>
          %swap3A_358 = vector.shape_cast %max3A : vector<16xf32> to vector<16xf32>
          tpu.vector_store %arg13[%swap3A_355], %swap3A_358 {strides = array<i32>} : memref<768xf32, #tpu.memory_space<vmem>>, vector<16xf32>,
          %get3A_359 = arith.constant 16 : index
          %get3A_360 = tpu.vector_load %arg13[%get3A_359] {strides = array<i32>} : memref<768xf32, #tpu.memory_space<vmem>>, vector<16xf32>,
          %get3A_361 = vector.shape_cast %get3A_360 : vector<16xf32> to vector<16xf32>
          %max3A_362 = arith.maximumf %get3A_361, %scan3A_350#1 : vector<16xf32>
          %swap3A_363 = arith.constant 16 : index
          %swap3A_364 = tpu.vector_load %arg13[%swap3A_363] {strides = array<i32>} : memref<768xf32, #tpu.memory_space<vmem>>, vector<16xf32>,
          %swap3A_365 = vector.shape_cast %swap3A_364 : vector<16xf32> to vector<16xf32>
          %swap3A_366 = vector.shape_cast %max3A_362 : vector<16xf32> to vector<16xf32>
          tpu.vector_store %arg13[%swap3A_363], %swap3A_366 {strides = array<i32>} : memref<768xf32, #tpu.memory_space<vmem>>, vector<16xf32>,
          %get3A_367 = arith.constant 32 : index
          %get3A_368 = tpu.vector_load %arg13[%get3A_367] {strides = array<i32>} : memref<768xf32, #tpu.memory_space<vmem>>, vector<16xf32>,
          %get3A_369 = vector.shape_cast %get3A_368 : vector<16xf32> to vector<16xf32>
          %max3A_370 = arith.maximumf %get3A_369, %scan3A_350#2 : vector<16xf32>
          %swap3A_371 = arith.constant 32 : index
          %swap3A_372 = tpu.vector_load %arg13[%swap3A_371] {strides = array<i32>} : memref<768xf32, #tpu.memory_space<vmem>>, vector<16xf32>,
          %swap3A_373 = vector.shape_cast %swap3A_372 : vector<16xf32> to vector<16xf32>
          %swap3A_374 = vector.shape_cast %max3A_370 : vector<16xf32> to vector<16xf32>
          tpu.vector_store %arg13[%swap3A_371], %swap3A_374 {strides = array<i32>} : memref<768xf32, #tpu.memory_space<vmem>>, vector<16xf32>,
        } else {
        }
        %le3A_226 = arith.constant 1 : i32
        %le3A_227 = arith.cmpi sle, %squeeze3A, %le3A_226 : i32
        %ge3A_228 = arith.constant 1 : i32
        %ge3A_229 = arith.cmpi sge, %squeeze3A_215, %ge3A_228 : i32
        %and3A_230 = arith.andi %le3A_227, %ge3A_229 : i1
        %convert_element_type3A_231 = arith.extui %and3A_230 : i1 to i32
        %cond3A_232 = arith.constant 0 : i32
        %cond3A_233 = arith.cmpi ne, %convert_element_type3A_231, %cond3A_232 : i32
        scf.if %cond3A_233 {
          %scan3A_346 = arith.constant 0 : i32
          %scan3A_347 = arith.constant 625 : i32
          %scan3A_348 = arith.addi %scan3A_346, %scan3A_347 : i32
          %scan3A_349 = arith.constant 1 : i32
          %scan3A_350:3 = scf.for %scan3A_375 = %scan3A_346 to %scan3A_348 step %scan3A_349 iter_args(%scan3A_376 = %broadcast_in_dim3A_1, %scan3A_377 = %broadcast_in_dim3A_1, %scan3A_378 = %broadcast_in_dim3A_1) -> (vector<16xf32>, vector<16xf32>, vector<16xf32>)  : i32 {
            %mul3A_379 = arith.constant 16 : i32
            %mul3A_380 = arith.muli %scan3A_375, %mul3A_379 : i32
            %get3A_381 = arith.index_cast %mul3A_380 : i32 to index
            %get3A_382 = tpu.vector_load %arg10[%get3A_381] {strides = array<i32>} : memref<10000xi32, #tpu.memory_space<vmem>>, vector<16xi32>,
            %get3A_383 = vector.shape_cast %get3A_382 : vector<16xi32> to vector<16xi32>
            %eq3A_384 = arith.constant 1 : i32
            %eq3A_385 = vector.broadcast %eq3A_384 : i32 to vector<16xi32>
            %eq3A_386 = arith.cmpi eq, %get3A_383, %eq3A_385 : vector<16xi32>
            %mul3A_387 = arith.constant 16 : i32
            %mul3A_388 = arith.muli %scan3A_375, %mul3A_387 : i32
            %get3A_389 = arith.index_cast %mul3A_388 : i32 to index
            %get3A_390 = tpu.vector_load %arg7[%get3A_389] {strides = array<i32>} : memref<10000xf32, #tpu.memory_space<vmem>>, vector<16xf32>,
            %get3A_391 = vector.shape_cast %get3A_390 : vector<16xf32> to vector<16xf32>
            %jit3A = arith.constant 0xFF800000 : f32
            %broadcast_in_dim3A_392 = vector.broadcast %jit3A : f32 to vector<16xf32>
            %select_n3A = arith.select %eq3A_386, %get3A_391, %broadcast_in_dim3A_392 : vector<16xi1>, vector<16xf32>
            %max3A_393 = arith.maximumf %scan3A_376, %select_n3A : vector<16xf32>
            %mul3A_394 = arith.constant 16 : i32
            %mul3A_395 = arith.muli %scan3A_375, %mul3A_394 : i32
            %get3A_396 = arith.index_cast %mul3A_395 : i32 to index
            %get3A_397 = tpu.vector_load %arg8[%get3A_396] {strides = array<i32>} : memref<10000xf32, #tpu.memory_space<vmem>>, vector<16xf32>,
            %get3A_398 = vector.shape_cast %get3A_397 : vector<16xf32> to vector<16xf32>
            %jit3A_399 = arith.constant 0xFF800000 : f32
            %broadcast_in_dim3A_400 = vector.broadcast %jit3A_399 : f32 to vector<16xf32>
            %select_n3A_401 = arith.select %eq3A_386, %get3A_398, %broadcast_in_dim3A_400 : vector<16xi1>, vector<16xf32>
            %max3A_402 = arith.maximumf %scan3A_377, %select_n3A_401 : vector<16xf32>
            %mul3A_403 = arith.constant 16 : i32
            %mul3A_404 = arith.muli %scan3A_375, %mul3A_403 : i32
            %get3A_405 = arith.index_cast %mul3A_404 : i32 to index
            %get3A_406 = tpu.vector_load %arg9[%get3A_405] {strides = array<i32>} : memref<10000xf32, #tpu.memory_space<vmem>>, vector<16xf32>,
            %get3A_407 = vector.shape_cast %get3A_406 : vector<16xf32> to vector<16xf32>
            %jit3A_408 = arith.constant 0xFF800000 : f32
            %broadcast_in_dim3A_409 = vector.broadcast %jit3A_408 : f32 to vector<16xf32>
            %select_n3A_410 = arith.select %eq3A_386, %get3A_407, %broadcast_in_dim3A_409 : vector<16xi1>, vector<16xf32>
            %max3A_411 = arith.maximumf %scan3A_378, %select_n3A_410 : vector<16xf32>
            scf.yield %max3A_393, %max3A_402, %max3A_411 : vector<16xf32>, vector<16xf32>, vector<16xf32>
          }
          %scan3A_351 = arith.constant 625 : i32
          %get3A_352 = arith.constant 48 : index
          %get3A_353 = tpu.vector_load %arg13[%get3A_352] {strides = array<i32>} : memref<768xf32, #tpu.memory_space<vmem>>, vector<16xf32>,
          %get3A_354 = vector.shape_cast %get3A_353 : vector<16xf32> to vector<16xf32>
          %max3A = arith.maximumf %get3A_354, %scan3A_350#0 : vector<16xf32>
          %swap3A_355 = arith.constant 48 : index
          %swap3A_356 = tpu.vector_load %arg13[%swap3A_355] {strides = array<i32>} : memref<768xf32, #tpu.memory_space<vmem>>, vector<16xf32>,
          %swap3A_357 = vector.shape_cast %swap3A_356 : vector<16xf32> to vector<16xf32>
          %swap3A_358 = vector.shape_cast %max3A : vector<16xf32> to vector<16xf32>
          tpu.vector_store %arg13[%swap3A_355], %swap3A_358 {strides = array<i32>} : memref<768xf32, #tpu.memory_space<vmem>>, vector<16xf32>,
          %get3A_359 = arith.constant 64 : index
          %get3A_360 = tpu.vector_load %arg13[%get3A_359] {strides = array<i32>} : memref<768xf32, #tpu.memory_space<vmem>>, vector<16xf32>,
          %get3A_361 = vector.shape_cast %get3A_360 : vector<16xf32> to vector<16xf32>
          %max3A_362 = arith.maximumf %get3A_361, %scan3A_350#1 : vector<16xf32>
          %swap3A_363 = arith.constant 64 : index
          %swap3A_364 = tpu.vector_load %arg13[%swap3A_363] {strides = array<i32>} : memref<768xf32, #tpu.memory_space<vmem>>, vector<16xf32>,
          %swap3A_365 = vector.shape_cast %swap3A_364 : vector<16xf32> to vector<16xf32>
          %swap3A_366 = vector.shape_cast %max3A_362 : vector<16xf32> to vector<16xf32>
          tpu.vector_store %arg13[%swap3A_363], %swap3A_366 {strides = array<i32>} : memref<768xf32, #tpu.memory_space<vmem>>, vector<16xf32>,
          %get3A_367 = arith.constant 80 : index
          %get3A_368 = tpu.vector_load %arg13[%get3A_367] {strides = array<i32>} : memref<768xf32, #tpu.memory_space<vmem>>, vector<16xf32>,
          %get3A_369 = vector.shape_cast %get3A_368 : vector<16xf32> to vector<16xf32>
          %max3A_370 = arith.maximumf %get3A_369, %scan3A_350#2 : vector<16xf32>
          %swap3A_371 = arith.constant 80 : index
          %swap3A_372 = tpu.vector_load %arg13[%swap3A_371] {strides = array<i32>} : memref<768xf32, #tpu.memory_space<vmem>>, vector<16xf32>,
          %swap3A_373 = vector.shape_cast %swap3A_372 : vector<16xf32> to vector<16xf32>
          %swap3A_374 = vector.shape_cast %max3A_370 : vector<16xf32> to vector<16xf32>
          tpu.vector_store %arg13[%swap3A_371], %swap3A_374 {strides = array<i32>} : memref<768xf32, #tpu.memory_space<vmem>>, vector<16xf32>,
        } else {
        }
        %le3A_234 = arith.constant 2 : i32
        %le3A_235 = arith.cmpi sle, %squeeze3A, %le3A_234 : i32
        %ge3A_236 = arith.constant 2 : i32
        %ge3A_237 = arith.cmpi sge, %squeeze3A_215, %ge3A_236 : i32
        %and3A_238 = arith.andi %le3A_235, %ge3A_237 : i1
        %convert_element_type3A_239 = arith.extui %and3A_238 : i1 to i32
        %cond3A_240 = arith.constant 0 : i32
        %cond3A_241 = arith.cmpi ne, %convert_element_type3A_239, %cond3A_240 : i32
        scf.if %cond3A_241 {
          %scan3A_346 = arith.constant 0 : i32
          %scan3A_347 = arith.constant 625 : i32
          %scan3A_348 = arith.addi %scan3A_346, %scan3A_347 : i32
          %scan3A_349 = arith.constant 1 : i32
          %scan3A_350:3 = scf.for %scan3A_375 = %scan3A_346 to %scan3A_348 step %scan3A_349 iter_args(%scan3A_376 = %broadcast_in_dim3A_1, %scan3A_377 = %broadcast_in_dim3A_1, %scan3A_378 = %broadcast_in_dim3A_1) -> (vector<16xf32>, vector<16xf32>, vector<16xf32>)  : i32 {
            %mul3A_379 = arith.constant 16 : i32
            %mul3A_380 = arith.muli %scan3A_375, %mul3A_379 : i32
            %get3A_381 = arith.index_cast %mul3A_380 : i32 to index
            %get3A_382 = tpu.vector_load %arg10[%get3A_381] {strides = array<i32>} : memref<10000xi32, #tpu.memory_space<vmem>>, vector<16xi32>,
            %get3A_383 = vector.shape_cast %get3A_382 : vector<16xi32> to vector<16xi32>
            %eq3A_384 = arith.constant 2 : i32
            %eq3A_385 = vector.broadcast %eq3A_384 : i32 to vector<16xi32>
            %eq3A_386 = arith.cmpi eq, %get3A_383, %eq3A_385 : vector<16xi32>
            %mul3A_387 = arith.constant 16 : i32
            %mul3A_388 = arith.muli %scan3A_375, %mul3A_387 : i32
            %get3A_389 = arith.index_cast %mul3A_388 : i32 to index
            %get3A_390 = tpu.vector_load %arg7[%get3A_389] {strides = array<i32>} : memref<10000xf32, #tpu.memory_space<vmem>>, vector<16xf32>,
            %get3A_391 = vector.shape_cast %get3A_390 : vector<16xf32> to vector<16xf32>
            %jit3A = arith.constant 0xFF800000 : f32
            %broadcast_in_dim3A_392 = vector.broadcast %jit3A : f32 to vector<16xf32>
            %select_n3A = arith.select %eq3A_386, %get3A_391, %broadcast_in_dim3A_392 : vector<16xi1>, vector<16xf32>
            %max3A_393 = arith.maximumf %scan3A_376, %select_n3A : vector<16xf32>
            %mul3A_394 = arith.constant 16 : i32
            %mul3A_395 = arith.muli %scan3A_375, %mul3A_394 : i32
            %get3A_396 = arith.index_cast %mul3A_395 : i32 to index
            %get3A_397 = tpu.vector_load %arg8[%get3A_396] {strides = array<i32>} : memref<10000xf32, #tpu.memory_space<vmem>>, vector<16xf32>,
            %get3A_398 = vector.shape_cast %get3A_397 : vector<16xf32> to vector<16xf32>
            %jit3A_399 = arith.constant 0xFF800000 : f32
            %broadcast_in_dim3A_400 = vector.broadcast %jit3A_399 : f32 to vector<16xf32>
            %select_n3A_401 = arith.select %eq3A_386, %get3A_398, %broadcast_in_dim3A_400 : vector<16xi1>, vector<16xf32>
            %max3A_402 = arith.maximumf %scan3A_377, %select_n3A_401 : vector<16xf32>
            %mul3A_403 = arith.constant 16 : i32
            %mul3A_404 = arith.muli %scan3A_375, %mul3A_403 : i32
            %get3A_405 = arith.index_cast %mul3A_404 : i32 to index
            %get3A_406 = tpu.vector_load %arg9[%get3A_405] {strides = array<i32>} : memref<10000xf32, #tpu.memory_space<vmem>>, vector<16xf32>,
            %get3A_407 = vector.shape_cast %get3A_406 : vector<16xf32> to vector<16xf32>
            %jit3A_408 = arith.constant 0xFF800000 : f32
            %broadcast_in_dim3A_409 = vector.broadcast %jit3A_408 : f32 to vector<16xf32>
            %select_n3A_410 = arith.select %eq3A_386, %get3A_407, %broadcast_in_dim3A_409 : vector<16xi1>, vector<16xf32>
            %max3A_411 = arith.maximumf %scan3A_378, %select_n3A_410 : vector<16xf32>
            scf.yield %max3A_393, %max3A_402, %max3A_411 : vector<16xf32>, vector<16xf32>, vector<16xf32>
          }
          %scan3A_351 = arith.constant 625 : i32
          %get3A_352 = arith.constant 96 : index
          %get3A_353 = tpu.vector_load %arg13[%get3A_352] {strides = array<i32>} : memref<768xf32, #tpu.memory_space<vmem>>, vector<16xf32>,
          %get3A_354 = vector.shape_cast %get3A_353 : vector<16xf32> to vector<16xf32>
          %max3A = arith.maximumf %get3A_354, %scan3A_350#0 : vector<16xf32>
          %swap3A_355 = arith.constant 96 : index
          %swap3A_356 = tpu.vector_load %arg13[%swap3A_355] {strides = array<i32>} : memref<768xf32, #tpu.memory_space<vmem>>, vector<16xf32>,
          %swap3A_357 = vector.shape_cast %swap3A_356 : vector<16xf32> to vector<16xf32>
          %swap3A_358 = vector.shape_cast %max3A : vector<16xf32> to vector<16xf32>
          tpu.vector_store %arg13[%swap3A_355], %swap3A_358 {strides = array<i32>} : memref<768xf32, #tpu.memory_space<vmem>>, vector<16xf32>,
          %get3A_359 = arith.constant 112 : index
          %get3A_360 = tpu.vector_load %arg13[%get3A_359] {strides = array<i32>} : memref<768xf32, #tpu.memory_space<vmem>>, vector<16xf32>,
          %get3A_361 = vector.shape_cast %get3A_360 : vector<16xf32> to vector<16xf32>
          %max3A_362 = arith.maximumf %get3A_361, %scan3A_350#1 : vector<16xf32>
          %swap3A_363 = arith.constant 112 : index
          %swap3A_364 = tpu.vector_load %arg13[%swap3A_363] {strides = array<i32>} : memref<768xf32, #tpu.memory_space<vmem>>, vector<16xf32>,
          %swap3A_365 = vector.shape_cast %swap3A_364 : vector<16xf32> to vector<16xf32>
          %swap3A_366 = vector.shape_cast %max3A_362 : vector<16xf32> to vector<16xf32>
          tpu.vector_store %arg13[%swap3A_363], %swap3A_366 {strides = array<i32>} : memref<768xf32, #tpu.memory_space<vmem>>, vector<16xf32>,
          %get3A_367 = arith.constant 128 : index
          %get3A_368 = tpu.vector_load %arg13[%get3A_367] {strides = array<i32>} : memref<768xf32, #tpu.memory_space<vmem>>, vector<16xf32>,
          %get3A_369 = vector.shape_cast %get3A_368 : vector<16xf32> to vector<16xf32>
          %max3A_370 = arith.maximumf %get3A_369, %scan3A_350#2 : vector<16xf32>
          %swap3A_371 = arith.constant 128 : index
          %swap3A_372 = tpu.vector_load %arg13[%swap3A_371] {strides = array<i32>} : memref<768xf32, #tpu.memory_space<vmem>>, vector<16xf32>,
          %swap3A_373 = vector.shape_cast %swap3A_372 : vector<16xf32> to vector<16xf32>
          %swap3A_374 = vector.shape_cast %max3A_370 : vector<16xf32> to vector<16xf32>
          tpu.vector_store %arg13[%swap3A_371], %swap3A_374 {strides = array<i32>} : memref<768xf32, #tpu.memory_space<vmem>>, vector<16xf32>,
        } else {
        }
        %le3A_242 = arith.constant 3 : i32
        %le3A_243 = arith.cmpi sle, %squeeze3A, %le3A_242 : i32
        %ge3A_244 = arith.constant 3 : i32
        %ge3A_245 = arith.cmpi sge, %squeeze3A_215, %ge3A_244 : i32
        %and3A_246 = arith.andi %le3A_243, %ge3A_245 : i1
        %convert_element_type3A_247 = arith.extui %and3A_246 : i1 to i32
        %cond3A_248 = arith.constant 0 : i32
        %cond3A_249 = arith.cmpi ne, %convert_element_type3A_247, %cond3A_248 : i32
        scf.if %cond3A_249 {
          %scan3A_346 = arith.constant 0 : i32
          %scan3A_347 = arith.constant 625 : i32
          %scan3A_348 = arith.addi %scan3A_346, %scan3A_347 : i32
          %scan3A_349 = arith.constant 1 : i32
          %scan3A_350:3 = scf.for %scan3A_375 = %scan3A_346 to %scan3A_348 step %scan3A_349 iter_args(%scan3A_376 = %broadcast_in_dim3A_1, %scan3A_377 = %broadcast_in_dim3A_1, %scan3A_378 = %broadcast_in_dim3A_1) -> (vector<16xf32>, vector<16xf32>, vector<16xf32>)  : i32 {
            %mul3A_379 = arith.constant 16 : i32
            %mul3A_380 = arith.muli %scan3A_375, %mul3A_379 : i32
            %get3A_381 = arith.index_cast %mul3A_380 : i32 to index
            %get3A_382 = tpu.vector_load %arg10[%get3A_381] {strides = array<i32>} : memref<10000xi32, #tpu.memory_space<vmem>>, vector<16xi32>,
            %get3A_383 = vector.shape_cast %get3A_382 : vector<16xi32> to vector<16xi32>
            %eq3A_384 = arith.constant 3 : i32
            %eq3A_385 = vector.broadcast %eq3A_384 : i32 to vector<16xi32>
            %eq3A_386 = arith.cmpi eq, %get3A_383, %eq3A_385 : vector<16xi32>
            %mul3A_387 = arith.constant 16 : i32
            %mul3A_388 = arith.muli %scan3A_375, %mul3A_387 : i32
            %get3A_389 = arith.index_cast %mul3A_388 : i32 to index
            %get3A_390 = tpu.vector_load %arg7[%get3A_389] {strides = array<i32>} : memref<10000xf32, #tpu.memory_space<vmem>>, vector<16xf32>,
            %get3A_391 = vector.shape_cast %get3A_390 : vector<16xf32> to vector<16xf32>
            %jit3A = arith.constant 0xFF800000 : f32
            %broadcast_in_dim3A_392 = vector.broadcast %jit3A : f32 to vector<16xf32>
            %select_n3A = arith.select %eq3A_386, %get3A_391, %broadcast_in_dim3A_392 : vector<16xi1>, vector<16xf32>
            %max3A_393 = arith.maximumf %scan3A_376, %select_n3A : vector<16xf32>
            %mul3A_394 = arith.constant 16 : i32
            %mul3A_395 = arith.muli %scan3A_375, %mul3A_394 : i32
            %get3A_396 = arith.index_cast %mul3A_395 : i32 to index
            %get3A_397 = tpu.vector_load %arg8[%get3A_396] {strides = array<i32>} : memref<10000xf32, #tpu.memory_space<vmem>>, vector<16xf32>,
            %get3A_398 = vector.shape_cast %get3A_397 : vector<16xf32> to vector<16xf32>
            %jit3A_399 = arith.constant 0xFF800000 : f32
            %broadcast_in_dim3A_400 = vector.broadcast %jit3A_399 : f32 to vector<16xf32>
            %select_n3A_401 = arith.select %eq3A_386, %get3A_398, %broadcast_in_dim3A_400 : vector<16xi1>, vector<16xf32>
            %max3A_402 = arith.maximumf %scan3A_377, %select_n3A_401 : vector<16xf32>
            %mul3A_403 = arith.constant 16 : i32
            %mul3A_404 = arith.muli %scan3A_375, %mul3A_403 : i32
            %get3A_405 = arith.index_cast %mul3A_404 : i32 to index
            %get3A_406 = tpu.vector_load %arg9[%get3A_405] {strides = array<i32>} : memref<10000xf32, #tpu.memory_space<vmem>>, vector<16xf32>,
            %get3A_407 = vector.shape_cast %get3A_406 : vector<16xf32> to vector<16xf32>
            %jit3A_408 = arith.constant 0xFF800000 : f32
            %broadcast_in_dim3A_409 = vector.broadcast %jit3A_408 : f32 to vector<16xf32>
            %select_n3A_410 = arith.select %eq3A_386, %get3A_407, %broadcast_in_dim3A_409 : vector<16xi1>, vector<16xf32>
            %max3A_411 = arith.maximumf %scan3A_378, %select_n3A_410 : vector<16xf32>
            scf.yield %max3A_393, %max3A_402, %max3A_411 : vector<16xf32>, vector<16xf32>, vector<16xf32>
          }
          %scan3A_351 = arith.constant 625 : i32
          %get3A_352 = arith.constant 144 : index
          %get3A_353 = tpu.vector_load %arg13[%get3A_352] {strides = array<i32>} : memref<768xf32, #tpu.memory_space<vmem>>, vector<16xf32>,
          %get3A_354 = vector.shape_cast %get3A_353 : vector<16xf32> to vector<16xf32>
          %max3A = arith.maximumf %get3A_354, %scan3A_350#0 : vector<16xf32>
          %swap3A_355 = arith.constant 144 : index
          %swap3A_356 = tpu.vector_load %arg13[%swap3A_355] {strides = array<i32>} : memref<768xf32, #tpu.memory_space<vmem>>, vector<16xf32>,
          %swap3A_357 = vector.shape_cast %swap3A_356 : vector<16xf32> to vector<16xf32>
          %swap3A_358 = vector.shape_cast %max3A : vector<16xf32> to vector<16xf32>
          tpu.vector_store %arg13[%swap3A_355], %swap3A_358 {strides = array<i32>} : memref<768xf32, #tpu.memory_space<vmem>>, vector<16xf32>,
          %get3A_359 = arith.constant 160 : index
          %get3A_360 = tpu.vector_load %arg13[%get3A_359] {strides = array<i32>} : memref<768xf32, #tpu.memory_space<vmem>>, vector<16xf32>,
          %get3A_361 = vector.shape_cast %get3A_360 : vector<16xf32> to vector<16xf32>
          %max3A_362 = arith.maximumf %get3A_361, %scan3A_350#1 : vector<16xf32>
          %swap3A_363 = arith.constant 160 : index
          %swap3A_364 = tpu.vector_load %arg13[%swap3A_363] {strides = array<i32>} : memref<768xf32, #tpu.memory_space<vmem>>, vector<16xf32>,
          %swap3A_365 = vector.shape_cast %swap3A_364 : vector<16xf32> to vector<16xf32>
          %swap3A_366 = vector.shape_cast %max3A_362 : vector<16xf32> to vector<16xf32>
          tpu.vector_store %arg13[%swap3A_363], %swap3A_366 {strides = array<i32>} : memref<768xf32, #tpu.memory_space<vmem>>, vector<16xf32>,
          %get3A_367 = arith.constant 176 : index
          %get3A_368 = tpu.vector_load %arg13[%get3A_367] {strides = array<i32>} : memref<768xf32, #tpu.memory_space<vmem>>, vector<16xf32>,
          %get3A_369 = vector.shape_cast %get3A_368 : vector<16xf32> to vector<16xf32>
          %max3A_370 = arith.maximumf %get3A_369, %scan3A_350#2 : vector<16xf32>
          %swap3A_371 = arith.constant 176 : index
          %swap3A_372 = tpu.vector_load %arg13[%swap3A_371] {strides = array<i32>} : memref<768xf32, #tpu.memory_space<vmem>>, vector<16xf32>,
          %swap3A_373 = vector.shape_cast %swap3A_372 : vector<16xf32> to vector<16xf32>
          %swap3A_374 = vector.shape_cast %max3A_370 : vector<16xf32> to vector<16xf32>
          tpu.vector_store %arg13[%swap3A_371], %swap3A_374 {strides = array<i32>} : memref<768xf32, #tpu.memory_space<vmem>>, vector<16xf32>,
        } else {
        }
        %le3A_250 = arith.constant 4 : i32
        %le3A_251 = arith.cmpi sle, %squeeze3A, %le3A_250 : i32
        %ge3A_252 = arith.constant 4 : i32
        %ge3A_253 = arith.cmpi sge, %squeeze3A_215, %ge3A_252 : i32
        %and3A_254 = arith.andi %le3A_251, %ge3A_253 : i1
        %convert_element_type3A_255 = arith.extui %and3A_254 : i1 to i32
        %cond3A_256 = arith.constant 0 : i32
        %cond3A_257 = arith.cmpi ne, %convert_element_type3A_255, %cond3A_256 : i32
        scf.if %cond3A_257 {
          %scan3A_346 = arith.constant 0 : i32
          %scan3A_347 = arith.constant 625 : i32
          %scan3A_348 = arith.addi %scan3A_346, %scan3A_347 : i32
          %scan3A_349 = arith.constant 1 : i32
          %scan3A_350:3 = scf.for %scan3A_375 = %scan3A_346 to %scan3A_348 step %scan3A_349 iter_args(%scan3A_376 = %broadcast_in_dim3A_1, %scan3A_377 = %broadcast_in_dim3A_1, %scan3A_378 = %broadcast_in_dim3A_1) -> (vector<16xf32>, vector<16xf32>, vector<16xf32>)  : i32 {
            %mul3A_379 = arith.constant 16 : i32
            %mul3A_380 = arith.muli %scan3A_375, %mul3A_379 : i32
            %get3A_381 = arith.index_cast %mul3A_380 : i32 to index
            %get3A_382 = tpu.vector_load %arg10[%get3A_381] {strides = array<i32>} : memref<10000xi32, #tpu.memory_space<vmem>>, vector<16xi32>,
            %get3A_383 = vector.shape_cast %get3A_382 : vector<16xi32> to vector<16xi32>
            %eq3A_384 = arith.constant 4 : i32
            %eq3A_385 = vector.broadcast %eq3A_384 : i32 to vector<16xi32>
            %eq3A_386 = arith.cmpi eq, %get3A_383, %eq3A_385 : vector<16xi32>
            %mul3A_387 = arith.constant 16 : i32
            %mul3A_388 = arith.muli %scan3A_375, %mul3A_387 : i32
            %get3A_389 = arith.index_cast %mul3A_388 : i32 to index
            %get3A_390 = tpu.vector_load %arg7[%get3A_389] {strides = array<i32>} : memref<10000xf32, #tpu.memory_space<vmem>>, vector<16xf32>,
            %get3A_391 = vector.shape_cast %get3A_390 : vector<16xf32> to vector<16xf32>
            %jit3A = arith.constant 0xFF800000 : f32
            %broadcast_in_dim3A_392 = vector.broadcast %jit3A : f32 to vector<16xf32>
            %select_n3A = arith.select %eq3A_386, %get3A_391, %broadcast_in_dim3A_392 : vector<16xi1>, vector<16xf32>
            %max3A_393 = arith.maximumf %scan3A_376, %select_n3A : vector<16xf32>
            %mul3A_394 = arith.constant 16 : i32
            %mul3A_395 = arith.muli %scan3A_375, %mul3A_394 : i32
            %get3A_396 = arith.index_cast %mul3A_395 : i32 to index
            %get3A_397 = tpu.vector_load %arg8[%get3A_396] {strides = array<i32>} : memref<10000xf32, #tpu.memory_space<vmem>>, vector<16xf32>,
            %get3A_398 = vector.shape_cast %get3A_397 : vector<16xf32> to vector<16xf32>
            %jit3A_399 = arith.constant 0xFF800000 : f32
            %broadcast_in_dim3A_400 = vector.broadcast %jit3A_399 : f32 to vector<16xf32>
            %select_n3A_401 = arith.select %eq3A_386, %get3A_398, %broadcast_in_dim3A_400 : vector<16xi1>, vector<16xf32>
            %max3A_402 = arith.maximumf %scan3A_377, %select_n3A_401 : vector<16xf32>
            %mul3A_403 = arith.constant 16 : i32
            %mul3A_404 = arith.muli %scan3A_375, %mul3A_403 : i32
            %get3A_405 = arith.index_cast %mul3A_404 : i32 to index
            %get3A_406 = tpu.vector_load %arg9[%get3A_405] {strides = array<i32>} : memref<10000xf32, #tpu.memory_space<vmem>>, vector<16xf32>,
            %get3A_407 = vector.shape_cast %get3A_406 : vector<16xf32> to vector<16xf32>
            %jit3A_408 = arith.constant 0xFF800000 : f32
            %broadcast_in_dim3A_409 = vector.broadcast %jit3A_408 : f32 to vector<16xf32>
            %select_n3A_410 = arith.select %eq3A_386, %get3A_407, %broadcast_in_dim3A_409 : vector<16xi1>, vector<16xf32>
            %max3A_411 = arith.maximumf %scan3A_378, %select_n3A_410 : vector<16xf32>
            scf.yield %max3A_393, %max3A_402, %max3A_411 : vector<16xf32>, vector<16xf32>, vector<16xf32>
          }
          %scan3A_351 = arith.constant 625 : i32
          %get3A_352 = arith.constant 192 : index
          %get3A_353 = tpu.vector_load %arg13[%get3A_352] {strides = array<i32>} : memref<768xf32, #tpu.memory_space<vmem>>, vector<16xf32>,
          %get3A_354 = vector.shape_cast %get3A_353 : vector<16xf32> to vector<16xf32>
          %max3A = arith.maximumf %get3A_354, %scan3A_350#0 : vector<16xf32>
          %swap3A_355 = arith.constant 192 : index
          %swap3A_356 = tpu.vector_load %arg13[%swap3A_355] {strides = array<i32>} : memref<768xf32, #tpu.memory_space<vmem>>, vector<16xf32>,
          %swap3A_357 = vector.shape_cast %swap3A_356 : vector<16xf32> to vector<16xf32>
          %swap3A_358 = vector.shape_cast %max3A : vector<16xf32> to vector<16xf32>
          tpu.vector_store %arg13[%swap3A_355], %swap3A_358 {strides = array<i32>} : memref<768xf32, #tpu.memory_space<vmem>>, vector<16xf32>,
          %get3A_359 = arith.constant 208 : index
          %get3A_360 = tpu.vector_load %arg13[%get3A_359] {strides = array<i32>} : memref<768xf32, #tpu.memory_space<vmem>>, vector<16xf32>,
          %get3A_361 = vector.shape_cast %get3A_360 : vector<16xf32> to vector<16xf32>
          %max3A_362 = arith.maximumf %get3A_361, %scan3A_350#1 : vector<16xf32>
          %swap3A_363 = arith.constant 208 : index
          %swap3A_364 = tpu.vector_load %arg13[%swap3A_363] {strides = array<i32>} : memref<768xf32, #tpu.memory_space<vmem>>, vector<16xf32>,
          %swap3A_365 = vector.shape_cast %swap3A_364 : vector<16xf32> to vector<16xf32>
          %swap3A_366 = vector.shape_cast %max3A_362 : vector<16xf32> to vector<16xf32>
          tpu.vector_store %arg13[%swap3A_363], %swap3A_366 {strides = array<i32>} : memref<768xf32, #tpu.memory_space<vmem>>, vector<16xf32>,
          %get3A_367 = arith.constant 224 : index
          %get3A_368 = tpu.vector_load %arg13[%get3A_367] {strides = array<i32>} : memref<768xf32, #tpu.memory_space<vmem>>, vector<16xf32>,
          %get3A_369 = vector.shape_cast %get3A_368 : vector<16xf32> to vector<16xf32>
          %max3A_370 = arith.maximumf %get3A_369, %scan3A_350#2 : vector<16xf32>
          %swap3A_371 = arith.constant 224 : index
          %swap3A_372 = tpu.vector_load %arg13[%swap3A_371] {strides = array<i32>} : memref<768xf32, #tpu.memory_space<vmem>>, vector<16xf32>,
          %swap3A_373 = vector.shape_cast %swap3A_372 : vector<16xf32> to vector<16xf32>
          %swap3A_374 = vector.shape_cast %max3A_370 : vector<16xf32> to vector<16xf32>
          tpu.vector_store %arg13[%swap3A_371], %swap3A_374 {strides = array<i32>} : memref<768xf32, #tpu.memory_space<vmem>>, vector<16xf32>,
        } else {
        }
        %le3A_258 = arith.constant 5 : i32
        %le3A_259 = arith.cmpi sle, %squeeze3A, %le3A_258 : i32
        %ge3A_260 = arith.constant 5 : i32
        %ge3A_261 = arith.cmpi sge, %squeeze3A_215, %ge3A_260 : i32
        %and3A_262 = arith.andi %le3A_259, %ge3A_261 : i1
        %convert_element_type3A_263 = arith.extui %and3A_262 : i1 to i32
        %cond3A_264 = arith.constant 0 : i32
        %cond3A_265 = arith.cmpi ne, %convert_element_type3A_263, %cond3A_264 : i32
        scf.if %cond3A_265 {
          %scan3A_346 = arith.constant 0 : i32
          %scan3A_347 = arith.constant 625 : i32
          %scan3A_348 = arith.addi %scan3A_346, %scan3A_347 : i32
          %scan3A_349 = arith.constant 1 : i32
          %scan3A_350:3 = scf.for %scan3A_375 = %scan3A_346 to %scan3A_348 step %scan3A_349 iter_args(%scan3A_376 = %broadcast_in_dim3A_1, %scan3A_377 = %broadcast_in_dim3A_1, %scan3A_378 = %broadcast_in_dim3A_1) -> (vector<16xf32>, vector<16xf32>, vector<16xf32>)  : i32 {
            %mul3A_379 = arith.constant 16 : i32
            %mul3A_380 = arith.muli %scan3A_375, %mul3A_379 : i32
            %get3A_381 = arith.index_cast %mul3A_380 : i32 to index
            %get3A_382 = tpu.vector_load %arg10[%get3A_381] {strides = array<i32>} : memref<10000xi32, #tpu.memory_space<vmem>>, vector<16xi32>,
            %get3A_383 = vector.shape_cast %get3A_382 : vector<16xi32> to vector<16xi32>
            %eq3A_384 = arith.constant 5 : i32
            %eq3A_385 = vector.broadcast %eq3A_384 : i32 to vector<16xi32>
            %eq3A_386 = arith.cmpi eq, %get3A_383, %eq3A_385 : vector<16xi32>
            %mul3A_387 = arith.constant 16 : i32
            %mul3A_388 = arith.muli %scan3A_375, %mul3A_387 : i32
            %get3A_389 = arith.index_cast %mul3A_388 : i32 to index
            %get3A_390 = tpu.vector_load %arg7[%get3A_389] {strides = array<i32>} : memref<10000xf32, #tpu.memory_space<vmem>>, vector<16xf32>,
            %get3A_391 = vector.shape_cast %get3A_390 : vector<16xf32> to vector<16xf32>
            %jit3A = arith.constant 0xFF800000 : f32
            %broadcast_in_dim3A_392 = vector.broadcast %jit3A : f32 to vector<16xf32>
            %select_n3A = arith.select %eq3A_386, %get3A_391, %broadcast_in_dim3A_392 : vector<16xi1>, vector<16xf32>
            %max3A_393 = arith.maximumf %scan3A_376, %select_n3A : vector<16xf32>
            %mul3A_394 = arith.constant 16 : i32
            %mul3A_395 = arith.muli %scan3A_375, %mul3A_394 : i32
            %get3A_396 = arith.index_cast %mul3A_395 : i32 to index
            %get3A_397 = tpu.vector_load %arg8[%get3A_396] {strides = array<i32>} : memref<10000xf32, #tpu.memory_space<vmem>>, vector<16xf32>,
            %get3A_398 = vector.shape_cast %get3A_397 : vector<16xf32> to vector<16xf32>
            %jit3A_399 = arith.constant 0xFF800000 : f32
            %broadcast_in_dim3A_400 = vector.broadcast %jit3A_399 : f32 to vector<16xf32>
            %select_n3A_401 = arith.select %eq3A_386, %get3A_398, %broadcast_in_dim3A_400 : vector<16xi1>, vector<16xf32>
            %max3A_402 = arith.maximumf %scan3A_377, %select_n3A_401 : vector<16xf32>
            %mul3A_403 = arith.constant 16 : i32
            %mul3A_404 = arith.muli %scan3A_375, %mul3A_403 : i32
            %get3A_405 = arith.index_cast %mul3A_404 : i32 to index
            %get3A_406 = tpu.vector_load %arg9[%get3A_405] {strides = array<i32>} : memref<10000xf32, #tpu.memory_space<vmem>>, vector<16xf32>,
            %get3A_407 = vector.shape_cast %get3A_406 : vector<16xf32> to vector<16xf32>
            %jit3A_408 = arith.constant 0xFF800000 : f32
            %broadcast_in_dim3A_409 = vector.broadcast %jit3A_408 : f32 to vector<16xf32>
            %select_n3A_410 = arith.select %eq3A_386, %get3A_407, %broadcast_in_dim3A_409 : vector<16xi1>, vector<16xf32>
            %max3A_411 = arith.maximumf %scan3A_378, %select_n3A_410 : vector<16xf32>
            scf.yield %max3A_393, %max3A_402, %max3A_411 : vector<16xf32>, vector<16xf32>, vector<16xf32>
          }
          %scan3A_351 = arith.constant 625 : i32
          %get3A_352 = arith.constant 240 : index
          %get3A_353 = tpu.vector_load %arg13[%get3A_352] {strides = array<i32>} : memref<768xf32, #tpu.memory_space<vmem>>, vector<16xf32>,
          %get3A_354 = vector.shape_cast %get3A_353 : vector<16xf32> to vector<16xf32>
          %max3A = arith.maximumf %get3A_354, %scan3A_350#0 : vector<16xf32>
          %swap3A_355 = arith.constant 240 : index
          %swap3A_356 = tpu.vector_load %arg13[%swap3A_355] {strides = array<i32>} : memref<768xf32, #tpu.memory_space<vmem>>, vector<16xf32>,
          %swap3A_357 = vector.shape_cast %swap3A_356 : vector<16xf32> to vector<16xf32>
          %swap3A_358 = vector.shape_cast %max3A : vector<16xf32> to vector<16xf32>
          tpu.vector_store %arg13[%swap3A_355], %swap3A_358 {strides = array<i32>} : memref<768xf32, #tpu.memory_space<vmem>>, vector<16xf32>,
          %get3A_359 = arith.constant 256 : index
          %get3A_360 = tpu.vector_load %arg13[%get3A_359] {strides = array<i32>} : memref<768xf32, #tpu.memory_space<vmem>>, vector<16xf32>,
          %get3A_361 = vector.shape_cast %get3A_360 : vector<16xf32> to vector<16xf32>
          %max3A_362 = arith.maximumf %get3A_361, %scan3A_350#1 : vector<16xf32>
          %swap3A_363 = arith.constant 256 : index
          %swap3A_364 = tpu.vector_load %arg13[%swap3A_363] {strides = array<i32>} : memref<768xf32, #tpu.memory_space<vmem>>, vector<16xf32>,
          %swap3A_365 = vector.shape_cast %swap3A_364 : vector<16xf32> to vector<16xf32>
          %swap3A_366 = vector.shape_cast %max3A_362 : vector<16xf32> to vector<16xf32>
          tpu.vector_store %arg13[%swap3A_363], %swap3A_366 {strides = array<i32>} : memref<768xf32, #tpu.memory_space<vmem>>, vector<16xf32>,
          %get3A_367 = arith.constant 272 : index
          %get3A_368 = tpu.vector_load %arg13[%get3A_367] {strides = array<i32>} : memref<768xf32, #tpu.memory_space<vmem>>, vector<16xf32>,
          %get3A_369 = vector.shape_cast %get3A_368 : vector<16xf32> to vector<16xf32>
          %max3A_370 = arith.maximumf %get3A_369, %scan3A_350#2 : vector<16xf32>
          %swap3A_371 = arith.constant 272 : index
          %swap3A_372 = tpu.vector_load %arg13[%swap3A_371] {strides = array<i32>} : memref<768xf32, #tpu.memory_space<vmem>>, vector<16xf32>,
          %swap3A_373 = vector.shape_cast %swap3A_372 : vector<16xf32> to vector<16xf32>
          %swap3A_374 = vector.shape_cast %max3A_370 : vector<16xf32> to vector<16xf32>
          tpu.vector_store %arg13[%swap3A_371], %swap3A_374 {strides = array<i32>} : memref<768xf32, #tpu.memory_space<vmem>>, vector<16xf32>,
        } else {
        }
        %le3A_266 = arith.constant 6 : i32
        %le3A_267 = arith.cmpi sle, %squeeze3A, %le3A_266 : i32
        %ge3A_268 = arith.constant 6 : i32
        %ge3A_269 = arith.cmpi sge, %squeeze3A_215, %ge3A_268 : i32
        %and3A_270 = arith.andi %le3A_267, %ge3A_269 : i1
        %convert_element_type3A_271 = arith.extui %and3A_270 : i1 to i32
        %cond3A_272 = arith.constant 0 : i32
        %cond3A_273 = arith.cmpi ne, %convert_element_type3A_271, %cond3A_272 : i32
        scf.if %cond3A_273 {
          %scan3A_346 = arith.constant 0 : i32
          %scan3A_347 = arith.constant 625 : i32
          %scan3A_348 = arith.addi %scan3A_346, %scan3A_347 : i32
          %scan3A_349 = arith.constant 1 : i32
          %scan3A_350:3 = scf.for %scan3A_375 = %scan3A_346 to %scan3A_348 step %scan3A_349 iter_args(%scan3A_376 = %broadcast_in_dim3A_1, %scan3A_377 = %broadcast_in_dim3A_1, %scan3A_378 = %broadcast_in_dim3A_1) -> (vector<16xf32>, vector<16xf32>, vector<16xf32>)  : i32 {
            %mul3A_379 = arith.constant 16 : i32
            %mul3A_380 = arith.muli %scan3A_375, %mul3A_379 : i32
            %get3A_381 = arith.index_cast %mul3A_380 : i32 to index
            %get3A_382 = tpu.vector_load %arg10[%get3A_381] {strides = array<i32>} : memref<10000xi32, #tpu.memory_space<vmem>>, vector<16xi32>,
            %get3A_383 = vector.shape_cast %get3A_382 : vector<16xi32> to vector<16xi32>
            %eq3A_384 = arith.constant 6 : i32
            %eq3A_385 = vector.broadcast %eq3A_384 : i32 to vector<16xi32>
            %eq3A_386 = arith.cmpi eq, %get3A_383, %eq3A_385 : vector<16xi32>
            %mul3A_387 = arith.constant 16 : i32
            %mul3A_388 = arith.muli %scan3A_375, %mul3A_387 : i32
            %get3A_389 = arith.index_cast %mul3A_388 : i32 to index
            %get3A_390 = tpu.vector_load %arg7[%get3A_389] {strides = array<i32>} : memref<10000xf32, #tpu.memory_space<vmem>>, vector<16xf32>,
            %get3A_391 = vector.shape_cast %get3A_390 : vector<16xf32> to vector<16xf32>
            %jit3A = arith.constant 0xFF800000 : f32
            %broadcast_in_dim3A_392 = vector.broadcast %jit3A : f32 to vector<16xf32>
            %select_n3A = arith.select %eq3A_386, %get3A_391, %broadcast_in_dim3A_392 : vector<16xi1>, vector<16xf32>
            %max3A_393 = arith.maximumf %scan3A_376, %select_n3A : vector<16xf32>
            %mul3A_394 = arith.constant 16 : i32
            %mul3A_395 = arith.muli %scan3A_375, %mul3A_394 : i32
            %get3A_396 = arith.index_cast %mul3A_395 : i32 to index
            %get3A_397 = tpu.vector_load %arg8[%get3A_396] {strides = array<i32>} : memref<10000xf32, #tpu.memory_space<vmem>>, vector<16xf32>,
            %get3A_398 = vector.shape_cast %get3A_397 : vector<16xf32> to vector<16xf32>
            %jit3A_399 = arith.constant 0xFF800000 : f32
            %broadcast_in_dim3A_400 = vector.broadcast %jit3A_399 : f32 to vector<16xf32>
            %select_n3A_401 = arith.select %eq3A_386, %get3A_398, %broadcast_in_dim3A_400 : vector<16xi1>, vector<16xf32>
            %max3A_402 = arith.maximumf %scan3A_377, %select_n3A_401 : vector<16xf32>
            %mul3A_403 = arith.constant 16 : i32
            %mul3A_404 = arith.muli %scan3A_375, %mul3A_403 : i32
            %get3A_405 = arith.index_cast %mul3A_404 : i32 to index
            %get3A_406 = tpu.vector_load %arg9[%get3A_405] {strides = array<i32>} : memref<10000xf32, #tpu.memory_space<vmem>>, vector<16xf32>,
            %get3A_407 = vector.shape_cast %get3A_406 : vector<16xf32> to vector<16xf32>
            %jit3A_408 = arith.constant 0xFF800000 : f32
            %broadcast_in_dim3A_409 = vector.broadcast %jit3A_408 : f32 to vector<16xf32>
            %select_n3A_410 = arith.select %eq3A_386, %get3A_407, %broadcast_in_dim3A_409 : vector<16xi1>, vector<16xf32>
            %max3A_411 = arith.maximumf %scan3A_378, %select_n3A_410 : vector<16xf32>
            scf.yield %max3A_393, %max3A_402, %max3A_411 : vector<16xf32>, vector<16xf32>, vector<16xf32>
          }
          %scan3A_351 = arith.constant 625 : i32
          %get3A_352 = arith.constant 288 : index
          %get3A_353 = tpu.vector_load %arg13[%get3A_352] {strides = array<i32>} : memref<768xf32, #tpu.memory_space<vmem>>, vector<16xf32>,
          %get3A_354 = vector.shape_cast %get3A_353 : vector<16xf32> to vector<16xf32>
          %max3A = arith.maximumf %get3A_354, %scan3A_350#0 : vector<16xf32>
          %swap3A_355 = arith.constant 288 : index
          %swap3A_356 = tpu.vector_load %arg13[%swap3A_355] {strides = array<i32>} : memref<768xf32, #tpu.memory_space<vmem>>, vector<16xf32>,
          %swap3A_357 = vector.shape_cast %swap3A_356 : vector<16xf32> to vector<16xf32>
          %swap3A_358 = vector.shape_cast %max3A : vector<16xf32> to vector<16xf32>
          tpu.vector_store %arg13[%swap3A_355], %swap3A_358 {strides = array<i32>} : memref<768xf32, #tpu.memory_space<vmem>>, vector<16xf32>,
          %get3A_359 = arith.constant 304 : index
          %get3A_360 = tpu.vector_load %arg13[%get3A_359] {strides = array<i32>} : memref<768xf32, #tpu.memory_space<vmem>>, vector<16xf32>,
          %get3A_361 = vector.shape_cast %get3A_360 : vector<16xf32> to vector<16xf32>
          %max3A_362 = arith.maximumf %get3A_361, %scan3A_350#1 : vector<16xf32>
          %swap3A_363 = arith.constant 304 : index
          %swap3A_364 = tpu.vector_load %arg13[%swap3A_363] {strides = array<i32>} : memref<768xf32, #tpu.memory_space<vmem>>, vector<16xf32>,
          %swap3A_365 = vector.shape_cast %swap3A_364 : vector<16xf32> to vector<16xf32>
          %swap3A_366 = vector.shape_cast %max3A_362 : vector<16xf32> to vector<16xf32>
          tpu.vector_store %arg13[%swap3A_363], %swap3A_366 {strides = array<i32>} : memref<768xf32, #tpu.memory_space<vmem>>, vector<16xf32>,
          %get3A_367 = arith.constant 320 : index
          %get3A_368 = tpu.vector_load %arg13[%get3A_367] {strides = array<i32>} : memref<768xf32, #tpu.memory_space<vmem>>, vector<16xf32>,
          %get3A_369 = vector.shape_cast %get3A_368 : vector<16xf32> to vector<16xf32>
          %max3A_370 = arith.maximumf %get3A_369, %scan3A_350#2 : vector<16xf32>
          %swap3A_371 = arith.constant 320 : index
          %swap3A_372 = tpu.vector_load %arg13[%swap3A_371] {strides = array<i32>} : memref<768xf32, #tpu.memory_space<vmem>>, vector<16xf32>,
          %swap3A_373 = vector.shape_cast %swap3A_372 : vector<16xf32> to vector<16xf32>
          %swap3A_374 = vector.shape_cast %max3A_370 : vector<16xf32> to vector<16xf32>
          tpu.vector_store %arg13[%swap3A_371], %swap3A_374 {strides = array<i32>} : memref<768xf32, #tpu.memory_space<vmem>>, vector<16xf32>,
        } else {
        }
        %le3A_274 = arith.constant 7 : i32
        %le3A_275 = arith.cmpi sle, %squeeze3A, %le3A_274 : i32
        %ge3A_276 = arith.constant 7 : i32
        %ge3A_277 = arith.cmpi sge, %squeeze3A_215, %ge3A_276 : i32
        %and3A_278 = arith.andi %le3A_275, %ge3A_277 : i1
        %convert_element_type3A_279 = arith.extui %and3A_278 : i1 to i32
        %cond3A_280 = arith.constant 0 : i32
        %cond3A_281 = arith.cmpi ne, %convert_element_type3A_279, %cond3A_280 : i32
        scf.if %cond3A_281 {
          %scan3A_346 = arith.constant 0 : i32
          %scan3A_347 = arith.constant 625 : i32
          %scan3A_348 = arith.addi %scan3A_346, %scan3A_347 : i32
          %scan3A_349 = arith.constant 1 : i32
          %scan3A_350:3 = scf.for %scan3A_375 = %scan3A_346 to %scan3A_348 step %scan3A_349 iter_args(%scan3A_376 = %broadcast_in_dim3A_1, %scan3A_377 = %broadcast_in_dim3A_1, %scan3A_378 = %broadcast_in_dim3A_1) -> (vector<16xf32>, vector<16xf32>, vector<16xf32>)  : i32 {
            %mul3A_379 = arith.constant 16 : i32
            %mul3A_380 = arith.muli %scan3A_375, %mul3A_379 : i32
            %get3A_381 = arith.index_cast %mul3A_380 : i32 to index
            %get3A_382 = tpu.vector_load %arg10[%get3A_381] {strides = array<i32>} : memref<10000xi32, #tpu.memory_space<vmem>>, vector<16xi32>,
            %get3A_383 = vector.shape_cast %get3A_382 : vector<16xi32> to vector<16xi32>
            %eq3A_384 = arith.constant 7 : i32
            %eq3A_385 = vector.broadcast %eq3A_384 : i32 to vector<16xi32>
            %eq3A_386 = arith.cmpi eq, %get3A_383, %eq3A_385 : vector<16xi32>
            %mul3A_387 = arith.constant 16 : i32
            %mul3A_388 = arith.muli %scan3A_375, %mul3A_387 : i32
            %get3A_389 = arith.index_cast %mul3A_388 : i32 to index
            %get3A_390 = tpu.vector_load %arg7[%get3A_389] {strides = array<i32>} : memref<10000xf32, #tpu.memory_space<vmem>>, vector<16xf32>,
            %get3A_391 = vector.shape_cast %get3A_390 : vector<16xf32> to vector<16xf32>
            %jit3A = arith.constant 0xFF800000 : f32
            %broadcast_in_dim3A_392 = vector.broadcast %jit3A : f32 to vector<16xf32>
            %select_n3A = arith.select %eq3A_386, %get3A_391, %broadcast_in_dim3A_392 : vector<16xi1>, vector<16xf32>
            %max3A_393 = arith.maximumf %scan3A_376, %select_n3A : vector<16xf32>
            %mul3A_394 = arith.constant 16 : i32
            %mul3A_395 = arith.muli %scan3A_375, %mul3A_394 : i32
            %get3A_396 = arith.index_cast %mul3A_395 : i32 to index
            %get3A_397 = tpu.vector_load %arg8[%get3A_396] {strides = array<i32>} : memref<10000xf32, #tpu.memory_space<vmem>>, vector<16xf32>,
            %get3A_398 = vector.shape_cast %get3A_397 : vector<16xf32> to vector<16xf32>
            %jit3A_399 = arith.constant 0xFF800000 : f32
            %broadcast_in_dim3A_400 = vector.broadcast %jit3A_399 : f32 to vector<16xf32>
            %select_n3A_401 = arith.select %eq3A_386, %get3A_398, %broadcast_in_dim3A_400 : vector<16xi1>, vector<16xf32>
            %max3A_402 = arith.maximumf %scan3A_377, %select_n3A_401 : vector<16xf32>
            %mul3A_403 = arith.constant 16 : i32
            %mul3A_404 = arith.muli %scan3A_375, %mul3A_403 : i32
            %get3A_405 = arith.index_cast %mul3A_404 : i32 to index
            %get3A_406 = tpu.vector_load %arg9[%get3A_405] {strides = array<i32>} : memref<10000xf32, #tpu.memory_space<vmem>>, vector<16xf32>,
            %get3A_407 = vector.shape_cast %get3A_406 : vector<16xf32> to vector<16xf32>
            %jit3A_408 = arith.constant 0xFF800000 : f32
            %broadcast_in_dim3A_409 = vector.broadcast %jit3A_408 : f32 to vector<16xf32>
            %select_n3A_410 = arith.select %eq3A_386, %get3A_407, %broadcast_in_dim3A_409 : vector<16xi1>, vector<16xf32>
            %max3A_411 = arith.maximumf %scan3A_378, %select_n3A_410 : vector<16xf32>
            scf.yield %max3A_393, %max3A_402, %max3A_411 : vector<16xf32>, vector<16xf32>, vector<16xf32>
          }
          %scan3A_351 = arith.constant 625 : i32
          %get3A_352 = arith.constant 336 : index
          %get3A_353 = tpu.vector_load %arg13[%get3A_352] {strides = array<i32>} : memref<768xf32, #tpu.memory_space<vmem>>, vector<16xf32>,
          %get3A_354 = vector.shape_cast %get3A_353 : vector<16xf32> to vector<16xf32>
          %max3A = arith.maximumf %get3A_354, %scan3A_350#0 : vector<16xf32>
          %swap3A_355 = arith.constant 336 : index
          %swap3A_356 = tpu.vector_load %arg13[%swap3A_355] {strides = array<i32>} : memref<768xf32, #tpu.memory_space<vmem>>, vector<16xf32>,
          %swap3A_357 = vector.shape_cast %swap3A_356 : vector<16xf32> to vector<16xf32>
          %swap3A_358 = vector.shape_cast %max3A : vector<16xf32> to vector<16xf32>
          tpu.vector_store %arg13[%swap3A_355], %swap3A_358 {strides = array<i32>} : memref<768xf32, #tpu.memory_space<vmem>>, vector<16xf32>,
          %get3A_359 = arith.constant 352 : index
          %get3A_360 = tpu.vector_load %arg13[%get3A_359] {strides = array<i32>} : memref<768xf32, #tpu.memory_space<vmem>>, vector<16xf32>,
          %get3A_361 = vector.shape_cast %get3A_360 : vector<16xf32> to vector<16xf32>
          %max3A_362 = arith.maximumf %get3A_361, %scan3A_350#1 : vector<16xf32>
          %swap3A_363 = arith.constant 352 : index
          %swap3A_364 = tpu.vector_load %arg13[%swap3A_363] {strides = array<i32>} : memref<768xf32, #tpu.memory_space<vmem>>, vector<16xf32>,
          %swap3A_365 = vector.shape_cast %swap3A_364 : vector<16xf32> to vector<16xf32>
          %swap3A_366 = vector.shape_cast %max3A_362 : vector<16xf32> to vector<16xf32>
          tpu.vector_store %arg13[%swap3A_363], %swap3A_366 {strides = array<i32>} : memref<768xf32, #tpu.memory_space<vmem>>, vector<16xf32>,
          %get3A_367 = arith.constant 368 : index
          %get3A_368 = tpu.vector_load %arg13[%get3A_367] {strides = array<i32>} : memref<768xf32, #tpu.memory_space<vmem>>, vector<16xf32>,
          %get3A_369 = vector.shape_cast %get3A_368 : vector<16xf32> to vector<16xf32>
          %max3A_370 = arith.maximumf %get3A_369, %scan3A_350#2 : vector<16xf32>
          %swap3A_371 = arith.constant 368 : index
          %swap3A_372 = tpu.vector_load %arg13[%swap3A_371] {strides = array<i32>} : memref<768xf32, #tpu.memory_space<vmem>>, vector<16xf32>,
          %swap3A_373 = vector.shape_cast %swap3A_372 : vector<16xf32> to vector<16xf32>
          %swap3A_374 = vector.shape_cast %max3A_370 : vector<16xf32> to vector<16xf32>
          tpu.vector_store %arg13[%swap3A_371], %swap3A_374 {strides = array<i32>} : memref<768xf32, #tpu.memory_space<vmem>>, vector<16xf32>,
        } else {
        }
        %le3A_282 = arith.constant 8 : i32
        %le3A_283 = arith.cmpi sle, %squeeze3A, %le3A_282 : i32
        %ge3A_284 = arith.constant 8 : i32
        %ge3A_285 = arith.cmpi sge, %squeeze3A_215, %ge3A_284 : i32
        %and3A_286 = arith.andi %le3A_283, %ge3A_285 : i1
        %convert_element_type3A_287 = arith.extui %and3A_286 : i1 to i32
        %cond3A_288 = arith.constant 0 : i32
        %cond3A_289 = arith.cmpi ne, %convert_element_type3A_287, %cond3A_288 : i32
        scf.if %cond3A_289 {
          %scan3A_346 = arith.constant 0 : i32
          %scan3A_347 = arith.constant 625 : i32
          %scan3A_348 = arith.addi %scan3A_346, %scan3A_347 : i32
          %scan3A_349 = arith.constant 1 : i32
          %scan3A_350:3 = scf.for %scan3A_375 = %scan3A_346 to %scan3A_348 step %scan3A_349 iter_args(%scan3A_376 = %broadcast_in_dim3A_1, %scan3A_377 = %broadcast_in_dim3A_1, %scan3A_378 = %broadcast_in_dim3A_1) -> (vector<16xf32>, vector<16xf32>, vector<16xf32>)  : i32 {
            %mul3A_379 = arith.constant 16 : i32
            %mul3A_380 = arith.muli %scan3A_375, %mul3A_379 : i32
            %get3A_381 = arith.index_cast %mul3A_380 : i32 to index
            %get3A_382 = tpu.vector_load %arg10[%get3A_381] {strides = array<i32>} : memref<10000xi32, #tpu.memory_space<vmem>>, vector<16xi32>,
            %get3A_383 = vector.shape_cast %get3A_382 : vector<16xi32> to vector<16xi32>
            %eq3A_384 = arith.constant 8 : i32
            %eq3A_385 = vector.broadcast %eq3A_384 : i32 to vector<16xi32>
            %eq3A_386 = arith.cmpi eq, %get3A_383, %eq3A_385 : vector<16xi32>
            %mul3A_387 = arith.constant 16 : i32
            %mul3A_388 = arith.muli %scan3A_375, %mul3A_387 : i32
            %get3A_389 = arith.index_cast %mul3A_388 : i32 to index
            %get3A_390 = tpu.vector_load %arg7[%get3A_389] {strides = array<i32>} : memref<10000xf32, #tpu.memory_space<vmem>>, vector<16xf32>,
            %get3A_391 = vector.shape_cast %get3A_390 : vector<16xf32> to vector<16xf32>
            %jit3A = arith.constant 0xFF800000 : f32
            %broadcast_in_dim3A_392 = vector.broadcast %jit3A : f32 to vector<16xf32>
            %select_n3A = arith.select %eq3A_386, %get3A_391, %broadcast_in_dim3A_392 : vector<16xi1>, vector<16xf32>
            %max3A_393 = arith.maximumf %scan3A_376, %select_n3A : vector<16xf32>
            %mul3A_394 = arith.constant 16 : i32
            %mul3A_395 = arith.muli %scan3A_375, %mul3A_394 : i32
            %get3A_396 = arith.index_cast %mul3A_395 : i32 to index
            %get3A_397 = tpu.vector_load %arg8[%get3A_396] {strides = array<i32>} : memref<10000xf32, #tpu.memory_space<vmem>>, vector<16xf32>,
            %get3A_398 = vector.shape_cast %get3A_397 : vector<16xf32> to vector<16xf32>
            %jit3A_399 = arith.constant 0xFF800000 : f32
            %broadcast_in_dim3A_400 = vector.broadcast %jit3A_399 : f32 to vector<16xf32>
            %select_n3A_401 = arith.select %eq3A_386, %get3A_398, %broadcast_in_dim3A_400 : vector<16xi1>, vector<16xf32>
            %max3A_402 = arith.maximumf %scan3A_377, %select_n3A_401 : vector<16xf32>
            %mul3A_403 = arith.constant 16 : i32
            %mul3A_404 = arith.muli %scan3A_375, %mul3A_403 : i32
            %get3A_405 = arith.index_cast %mul3A_404 : i32 to index
            %get3A_406 = tpu.vector_load %arg9[%get3A_405] {strides = array<i32>} : memref<10000xf32, #tpu.memory_space<vmem>>, vector<16xf32>,
            %get3A_407 = vector.shape_cast %get3A_406 : vector<16xf32> to vector<16xf32>
            %jit3A_408 = arith.constant 0xFF800000 : f32
            %broadcast_in_dim3A_409 = vector.broadcast %jit3A_408 : f32 to vector<16xf32>
            %select_n3A_410 = arith.select %eq3A_386, %get3A_407, %broadcast_in_dim3A_409 : vector<16xi1>, vector<16xf32>
            %max3A_411 = arith.maximumf %scan3A_378, %select_n3A_410 : vector<16xf32>
            scf.yield %max3A_393, %max3A_402, %max3A_411 : vector<16xf32>, vector<16xf32>, vector<16xf32>
          }
          %scan3A_351 = arith.constant 625 : i32
          %get3A_352 = arith.constant 384 : index
          %get3A_353 = tpu.vector_load %arg13[%get3A_352] {strides = array<i32>} : memref<768xf32, #tpu.memory_space<vmem>>, vector<16xf32>,
          %get3A_354 = vector.shape_cast %get3A_353 : vector<16xf32> to vector<16xf32>
          %max3A = arith.maximumf %get3A_354, %scan3A_350#0 : vector<16xf32>
          %swap3A_355 = arith.constant 384 : index
          %swap3A_356 = tpu.vector_load %arg13[%swap3A_355] {strides = array<i32>} : memref<768xf32, #tpu.memory_space<vmem>>, vector<16xf32>,
          %swap3A_357 = vector.shape_cast %swap3A_356 : vector<16xf32> to vector<16xf32>
          %swap3A_358 = vector.shape_cast %max3A : vector<16xf32> to vector<16xf32>
          tpu.vector_store %arg13[%swap3A_355], %swap3A_358 {strides = array<i32>} : memref<768xf32, #tpu.memory_space<vmem>>, vector<16xf32>,
          %get3A_359 = arith.constant 400 : index
          %get3A_360 = tpu.vector_load %arg13[%get3A_359] {strides = array<i32>} : memref<768xf32, #tpu.memory_space<vmem>>, vector<16xf32>,
          %get3A_361 = vector.shape_cast %get3A_360 : vector<16xf32> to vector<16xf32>
          %max3A_362 = arith.maximumf %get3A_361, %scan3A_350#1 : vector<16xf32>
          %swap3A_363 = arith.constant 400 : index
          %swap3A_364 = tpu.vector_load %arg13[%swap3A_363] {strides = array<i32>} : memref<768xf32, #tpu.memory_space<vmem>>, vector<16xf32>,
          %swap3A_365 = vector.shape_cast %swap3A_364 : vector<16xf32> to vector<16xf32>
          %swap3A_366 = vector.shape_cast %max3A_362 : vector<16xf32> to vector<16xf32>
          tpu.vector_store %arg13[%swap3A_363], %swap3A_366 {strides = array<i32>} : memref<768xf32, #tpu.memory_space<vmem>>, vector<16xf32>,
          %get3A_367 = arith.constant 416 : index
          %get3A_368 = tpu.vector_load %arg13[%get3A_367] {strides = array<i32>} : memref<768xf32, #tpu.memory_space<vmem>>, vector<16xf32>,
          %get3A_369 = vector.shape_cast %get3A_368 : vector<16xf32> to vector<16xf32>
          %max3A_370 = arith.maximumf %get3A_369, %scan3A_350#2 : vector<16xf32>
          %swap3A_371 = arith.constant 416 : index
          %swap3A_372 = tpu.vector_load %arg13[%swap3A_371] {strides = array<i32>} : memref<768xf32, #tpu.memory_space<vmem>>, vector<16xf32>,
          %swap3A_373 = vector.shape_cast %swap3A_372 : vector<16xf32> to vector<16xf32>
          %swap3A_374 = vector.shape_cast %max3A_370 : vector<16xf32> to vector<16xf32>
          tpu.vector_store %arg13[%swap3A_371], %swap3A_374 {strides = array<i32>} : memref<768xf32, #tpu.memory_space<vmem>>, vector<16xf32>,
        } else {
        }
        %le3A_290 = arith.constant 9 : i32
        %le3A_291 = arith.cmpi sle, %squeeze3A, %le3A_290 : i32
        %ge3A_292 = arith.constant 9 : i32
        %ge3A_293 = arith.cmpi sge, %squeeze3A_215, %ge3A_292 : i32
        %and3A_294 = arith.andi %le3A_291, %ge3A_293 : i1
        %convert_element_type3A_295 = arith.extui %and3A_294 : i1 to i32
        %cond3A_296 = arith.constant 0 : i32
        %cond3A_297 = arith.cmpi ne, %convert_element_type3A_295, %cond3A_296 : i32
        scf.if %cond3A_297 {
          %scan3A_346 = arith.constant 0 : i32
          %scan3A_347 = arith.constant 625 : i32
          %scan3A_348 = arith.addi %scan3A_346, %scan3A_347 : i32
          %scan3A_349 = arith.constant 1 : i32
          %scan3A_350:3 = scf.for %scan3A_375 = %scan3A_346 to %scan3A_348 step %scan3A_349 iter_args(%scan3A_376 = %broadcast_in_dim3A_1, %scan3A_377 = %broadcast_in_dim3A_1, %scan3A_378 = %broadcast_in_dim3A_1) -> (vector<16xf32>, vector<16xf32>, vector<16xf32>)  : i32 {
            %mul3A_379 = arith.constant 16 : i32
            %mul3A_380 = arith.muli %scan3A_375, %mul3A_379 : i32
            %get3A_381 = arith.index_cast %mul3A_380 : i32 to index
            %get3A_382 = tpu.vector_load %arg10[%get3A_381] {strides = array<i32>} : memref<10000xi32, #tpu.memory_space<vmem>>, vector<16xi32>,
            %get3A_383 = vector.shape_cast %get3A_382 : vector<16xi32> to vector<16xi32>
            %eq3A_384 = arith.constant 9 : i32
            %eq3A_385 = vector.broadcast %eq3A_384 : i32 to vector<16xi32>
            %eq3A_386 = arith.cmpi eq, %get3A_383, %eq3A_385 : vector<16xi32>
            %mul3A_387 = arith.constant 16 : i32
            %mul3A_388 = arith.muli %scan3A_375, %mul3A_387 : i32
            %get3A_389 = arith.index_cast %mul3A_388 : i32 to index
            %get3A_390 = tpu.vector_load %arg7[%get3A_389] {strides = array<i32>} : memref<10000xf32, #tpu.memory_space<vmem>>, vector<16xf32>,
            %get3A_391 = vector.shape_cast %get3A_390 : vector<16xf32> to vector<16xf32>
            %jit3A = arith.constant 0xFF800000 : f32
            %broadcast_in_dim3A_392 = vector.broadcast %jit3A : f32 to vector<16xf32>
            %select_n3A = arith.select %eq3A_386, %get3A_391, %broadcast_in_dim3A_392 : vector<16xi1>, vector<16xf32>
            %max3A_393 = arith.maximumf %scan3A_376, %select_n3A : vector<16xf32>
            %mul3A_394 = arith.constant 16 : i32
            %mul3A_395 = arith.muli %scan3A_375, %mul3A_394 : i32
            %get3A_396 = arith.index_cast %mul3A_395 : i32 to index
            %get3A_397 = tpu.vector_load %arg8[%get3A_396] {strides = array<i32>} : memref<10000xf32, #tpu.memory_space<vmem>>, vector<16xf32>,
            %get3A_398 = vector.shape_cast %get3A_397 : vector<16xf32> to vector<16xf32>
            %jit3A_399 = arith.constant 0xFF800000 : f32
            %broadcast_in_dim3A_400 = vector.broadcast %jit3A_399 : f32 to vector<16xf32>
            %select_n3A_401 = arith.select %eq3A_386, %get3A_398, %broadcast_in_dim3A_400 : vector<16xi1>, vector<16xf32>
            %max3A_402 = arith.maximumf %scan3A_377, %select_n3A_401 : vector<16xf32>
            %mul3A_403 = arith.constant 16 : i32
            %mul3A_404 = arith.muli %scan3A_375, %mul3A_403 : i32
            %get3A_405 = arith.index_cast %mul3A_404 : i32 to index
            %get3A_406 = tpu.vector_load %arg9[%get3A_405] {strides = array<i32>} : memref<10000xf32, #tpu.memory_space<vmem>>, vector<16xf32>,
            %get3A_407 = vector.shape_cast %get3A_406 : vector<16xf32> to vector<16xf32>
            %jit3A_408 = arith.constant 0xFF800000 : f32
            %broadcast_in_dim3A_409 = vector.broadcast %jit3A_408 : f32 to vector<16xf32>
            %select_n3A_410 = arith.select %eq3A_386, %get3A_407, %broadcast_in_dim3A_409 : vector<16xi1>, vector<16xf32>
            %max3A_411 = arith.maximumf %scan3A_378, %select_n3A_410 : vector<16xf32>
            scf.yield %max3A_393, %max3A_402, %max3A_411 : vector<16xf32>, vector<16xf32>, vector<16xf32>
          }
          %scan3A_351 = arith.constant 625 : i32
          %get3A_352 = arith.constant 432 : index
          %get3A_353 = tpu.vector_load %arg13[%get3A_352] {strides = array<i32>} : memref<768xf32, #tpu.memory_space<vmem>>, vector<16xf32>,
          %get3A_354 = vector.shape_cast %get3A_353 : vector<16xf32> to vector<16xf32>
          %max3A = arith.maximumf %get3A_354, %scan3A_350#0 : vector<16xf32>
          %swap3A_355 = arith.constant 432 : index
          %swap3A_356 = tpu.vector_load %arg13[%swap3A_355] {strides = array<i32>} : memref<768xf32, #tpu.memory_space<vmem>>, vector<16xf32>,
          %swap3A_357 = vector.shape_cast %swap3A_356 : vector<16xf32> to vector<16xf32>
          %swap3A_358 = vector.shape_cast %max3A : vector<16xf32> to vector<16xf32>
          tpu.vector_store %arg13[%swap3A_355], %swap3A_358 {strides = array<i32>} : memref<768xf32, #tpu.memory_space<vmem>>, vector<16xf32>,
          %get3A_359 = arith.constant 448 : index
          %get3A_360 = tpu.vector_load %arg13[%get3A_359] {strides = array<i32>} : memref<768xf32, #tpu.memory_space<vmem>>, vector<16xf32>,
          %get3A_361 = vector.shape_cast %get3A_360 : vector<16xf32> to vector<16xf32>
          %max3A_362 = arith.maximumf %get3A_361, %scan3A_350#1 : vector<16xf32>
          %swap3A_363 = arith.constant 448 : index
          %swap3A_364 = tpu.vector_load %arg13[%swap3A_363] {strides = array<i32>} : memref<768xf32, #tpu.memory_space<vmem>>, vector<16xf32>,
          %swap3A_365 = vector.shape_cast %swap3A_364 : vector<16xf32> to vector<16xf32>
          %swap3A_366 = vector.shape_cast %max3A_362 : vector<16xf32> to vector<16xf32>
          tpu.vector_store %arg13[%swap3A_363], %swap3A_366 {strides = array<i32>} : memref<768xf32, #tpu.memory_space<vmem>>, vector<16xf32>,
          %get3A_367 = arith.constant 464 : index
          %get3A_368 = tpu.vector_load %arg13[%get3A_367] {strides = array<i32>} : memref<768xf32, #tpu.memory_space<vmem>>, vector<16xf32>,
          %get3A_369 = vector.shape_cast %get3A_368 : vector<16xf32> to vector<16xf32>
          %max3A_370 = arith.maximumf %get3A_369, %scan3A_350#2 : vector<16xf32>
          %swap3A_371 = arith.constant 464 : index
          %swap3A_372 = tpu.vector_load %arg13[%swap3A_371] {strides = array<i32>} : memref<768xf32, #tpu.memory_space<vmem>>, vector<16xf32>,
          %swap3A_373 = vector.shape_cast %swap3A_372 : vector<16xf32> to vector<16xf32>
          %swap3A_374 = vector.shape_cast %max3A_370 : vector<16xf32> to vector<16xf32>
          tpu.vector_store %arg13[%swap3A_371], %swap3A_374 {strides = array<i32>} : memref<768xf32, #tpu.memory_space<vmem>>, vector<16xf32>,
        } else {
        }
        %le3A_298 = arith.constant 10 : i32
        %le3A_299 = arith.cmpi sle, %squeeze3A, %le3A_298 : i32
        %ge3A_300 = arith.constant 10 : i32
        %ge3A_301 = arith.cmpi sge, %squeeze3A_215, %ge3A_300 : i32
        %and3A_302 = arith.andi %le3A_299, %ge3A_301 : i1
        %convert_element_type3A_303 = arith.extui %and3A_302 : i1 to i32
        %cond3A_304 = arith.constant 0 : i32
        %cond3A_305 = arith.cmpi ne, %convert_element_type3A_303, %cond3A_304 : i32
        scf.if %cond3A_305 {
          %scan3A_346 = arith.constant 0 : i32
          %scan3A_347 = arith.constant 625 : i32
          %scan3A_348 = arith.addi %scan3A_346, %scan3A_347 : i32
          %scan3A_349 = arith.constant 1 : i32
          %scan3A_350:3 = scf.for %scan3A_375 = %scan3A_346 to %scan3A_348 step %scan3A_349 iter_args(%scan3A_376 = %broadcast_in_dim3A_1, %scan3A_377 = %broadcast_in_dim3A_1, %scan3A_378 = %broadcast_in_dim3A_1) -> (vector<16xf32>, vector<16xf32>, vector<16xf32>)  : i32 {
            %mul3A_379 = arith.constant 16 : i32
            %mul3A_380 = arith.muli %scan3A_375, %mul3A_379 : i32
            %get3A_381 = arith.index_cast %mul3A_380 : i32 to index
            %get3A_382 = tpu.vector_load %arg10[%get3A_381] {strides = array<i32>} : memref<10000xi32, #tpu.memory_space<vmem>>, vector<16xi32>,
            %get3A_383 = vector.shape_cast %get3A_382 : vector<16xi32> to vector<16xi32>
            %eq3A_384 = arith.constant 10 : i32
            %eq3A_385 = vector.broadcast %eq3A_384 : i32 to vector<16xi32>
            %eq3A_386 = arith.cmpi eq, %get3A_383, %eq3A_385 : vector<16xi32>
            %mul3A_387 = arith.constant 16 : i32
            %mul3A_388 = arith.muli %scan3A_375, %mul3A_387 : i32
            %get3A_389 = arith.index_cast %mul3A_388 : i32 to index
            %get3A_390 = tpu.vector_load %arg7[%get3A_389] {strides = array<i32>} : memref<10000xf32, #tpu.memory_space<vmem>>, vector<16xf32>,
            %get3A_391 = vector.shape_cast %get3A_390 : vector<16xf32> to vector<16xf32>
            %jit3A = arith.constant 0xFF800000 : f32
            %broadcast_in_dim3A_392 = vector.broadcast %jit3A : f32 to vector<16xf32>
            %select_n3A = arith.select %eq3A_386, %get3A_391, %broadcast_in_dim3A_392 : vector<16xi1>, vector<16xf32>
            %max3A_393 = arith.maximumf %scan3A_376, %select_n3A : vector<16xf32>
            %mul3A_394 = arith.constant 16 : i32
            %mul3A_395 = arith.muli %scan3A_375, %mul3A_394 : i32
            %get3A_396 = arith.index_cast %mul3A_395 : i32 to index
            %get3A_397 = tpu.vector_load %arg8[%get3A_396] {strides = array<i32>} : memref<10000xf32, #tpu.memory_space<vmem>>, vector<16xf32>,
            %get3A_398 = vector.shape_cast %get3A_397 : vector<16xf32> to vector<16xf32>
            %jit3A_399 = arith.constant 0xFF800000 : f32
            %broadcast_in_dim3A_400 = vector.broadcast %jit3A_399 : f32 to vector<16xf32>
            %select_n3A_401 = arith.select %eq3A_386, %get3A_398, %broadcast_in_dim3A_400 : vector<16xi1>, vector<16xf32>
            %max3A_402 = arith.maximumf %scan3A_377, %select_n3A_401 : vector<16xf32>
            %mul3A_403 = arith.constant 16 : i32
            %mul3A_404 = arith.muli %scan3A_375, %mul3A_403 : i32
            %get3A_405 = arith.index_cast %mul3A_404 : i32 to index
            %get3A_406 = tpu.vector_load %arg9[%get3A_405] {strides = array<i32>} : memref<10000xf32, #tpu.memory_space<vmem>>, vector<16xf32>,
            %get3A_407 = vector.shape_cast %get3A_406 : vector<16xf32> to vector<16xf32>
            %jit3A_408 = arith.constant 0xFF800000 : f32
            %broadcast_in_dim3A_409 = vector.broadcast %jit3A_408 : f32 to vector<16xf32>
            %select_n3A_410 = arith.select %eq3A_386, %get3A_407, %broadcast_in_dim3A_409 : vector<16xi1>, vector<16xf32>
            %max3A_411 = arith.maximumf %scan3A_378, %select_n3A_410 : vector<16xf32>
            scf.yield %max3A_393, %max3A_402, %max3A_411 : vector<16xf32>, vector<16xf32>, vector<16xf32>
          }
          %scan3A_351 = arith.constant 625 : i32
          %get3A_352 = arith.constant 480 : index
          %get3A_353 = tpu.vector_load %arg13[%get3A_352] {strides = array<i32>} : memref<768xf32, #tpu.memory_space<vmem>>, vector<16xf32>,
          %get3A_354 = vector.shape_cast %get3A_353 : vector<16xf32> to vector<16xf32>
          %max3A = arith.maximumf %get3A_354, %scan3A_350#0 : vector<16xf32>
          %swap3A_355 = arith.constant 480 : index
          %swap3A_356 = tpu.vector_load %arg13[%swap3A_355] {strides = array<i32>} : memref<768xf32, #tpu.memory_space<vmem>>, vector<16xf32>,
          %swap3A_357 = vector.shape_cast %swap3A_356 : vector<16xf32> to vector<16xf32>
          %swap3A_358 = vector.shape_cast %max3A : vector<16xf32> to vector<16xf32>
          tpu.vector_store %arg13[%swap3A_355], %swap3A_358 {strides = array<i32>} : memref<768xf32, #tpu.memory_space<vmem>>, vector<16xf32>,
          %get3A_359 = arith.constant 496 : index
          %get3A_360 = tpu.vector_load %arg13[%get3A_359] {strides = array<i32>} : memref<768xf32, #tpu.memory_space<vmem>>, vector<16xf32>,
          %get3A_361 = vector.shape_cast %get3A_360 : vector<16xf32> to vector<16xf32>
          %max3A_362 = arith.maximumf %get3A_361, %scan3A_350#1 : vector<16xf32>
          %swap3A_363 = arith.constant 496 : index
          %swap3A_364 = tpu.vector_load %arg13[%swap3A_363] {strides = array<i32>} : memref<768xf32, #tpu.memory_space<vmem>>, vector<16xf32>,
          %swap3A_365 = vector.shape_cast %swap3A_364 : vector<16xf32> to vector<16xf32>
          %swap3A_366 = vector.shape_cast %max3A_362 : vector<16xf32> to vector<16xf32>
          tpu.vector_store %arg13[%swap3A_363], %swap3A_366 {strides = array<i32>} : memref<768xf32, #tpu.memory_space<vmem>>, vector<16xf32>,
          %get3A_367 = arith.constant 512 : index
          %get3A_368 = tpu.vector_load %arg13[%get3A_367] {strides = array<i32>} : memref<768xf32, #tpu.memory_space<vmem>>, vector<16xf32>,
          %get3A_369 = vector.shape_cast %get3A_368 : vector<16xf32> to vector<16xf32>
          %max3A_370 = arith.maximumf %get3A_369, %scan3A_350#2 : vector<16xf32>
          %swap3A_371 = arith.constant 512 : index
          %swap3A_372 = tpu.vector_load %arg13[%swap3A_371] {strides = array<i32>} : memref<768xf32, #tpu.memory_space<vmem>>, vector<16xf32>,
          %swap3A_373 = vector.shape_cast %swap3A_372 : vector<16xf32> to vector<16xf32>
          %swap3A_374 = vector.shape_cast %max3A_370 : vector<16xf32> to vector<16xf32>
          tpu.vector_store %arg13[%swap3A_371], %swap3A_374 {strides = array<i32>} : memref<768xf32, #tpu.memory_space<vmem>>, vector<16xf32>,
        } else {
        }
        %le3A_306 = arith.constant 11 : i32
        %le3A_307 = arith.cmpi sle, %squeeze3A, %le3A_306 : i32
        %ge3A_308 = arith.constant 11 : i32
        %ge3A_309 = arith.cmpi sge, %squeeze3A_215, %ge3A_308 : i32
        %and3A_310 = arith.andi %le3A_307, %ge3A_309 : i1
        %convert_element_type3A_311 = arith.extui %and3A_310 : i1 to i32
        %cond3A_312 = arith.constant 0 : i32
        %cond3A_313 = arith.cmpi ne, %convert_element_type3A_311, %cond3A_312 : i32
        scf.if %cond3A_313 {
          %scan3A_346 = arith.constant 0 : i32
          %scan3A_347 = arith.constant 625 : i32
          %scan3A_348 = arith.addi %scan3A_346, %scan3A_347 : i32
          %scan3A_349 = arith.constant 1 : i32
          %scan3A_350:3 = scf.for %scan3A_375 = %scan3A_346 to %scan3A_348 step %scan3A_349 iter_args(%scan3A_376 = %broadcast_in_dim3A_1, %scan3A_377 = %broadcast_in_dim3A_1, %scan3A_378 = %broadcast_in_dim3A_1) -> (vector<16xf32>, vector<16xf32>, vector<16xf32>)  : i32 {
            %mul3A_379 = arith.constant 16 : i32
            %mul3A_380 = arith.muli %scan3A_375, %mul3A_379 : i32
            %get3A_381 = arith.index_cast %mul3A_380 : i32 to index
            %get3A_382 = tpu.vector_load %arg10[%get3A_381] {strides = array<i32>} : memref<10000xi32, #tpu.memory_space<vmem>>, vector<16xi32>,
            %get3A_383 = vector.shape_cast %get3A_382 : vector<16xi32> to vector<16xi32>
            %eq3A_384 = arith.constant 11 : i32
            %eq3A_385 = vector.broadcast %eq3A_384 : i32 to vector<16xi32>
            %eq3A_386 = arith.cmpi eq, %get3A_383, %eq3A_385 : vector<16xi32>
            %mul3A_387 = arith.constant 16 : i32
            %mul3A_388 = arith.muli %scan3A_375, %mul3A_387 : i32
            %get3A_389 = arith.index_cast %mul3A_388 : i32 to index
            %get3A_390 = tpu.vector_load %arg7[%get3A_389] {strides = array<i32>} : memref<10000xf32, #tpu.memory_space<vmem>>, vector<16xf32>,
            %get3A_391 = vector.shape_cast %get3A_390 : vector<16xf32> to vector<16xf32>
            %jit3A = arith.constant 0xFF800000 : f32
            %broadcast_in_dim3A_392 = vector.broadcast %jit3A : f32 to vector<16xf32>
            %select_n3A = arith.select %eq3A_386, %get3A_391, %broadcast_in_dim3A_392 : vector<16xi1>, vector<16xf32>
            %max3A_393 = arith.maximumf %scan3A_376, %select_n3A : vector<16xf32>
            %mul3A_394 = arith.constant 16 : i32
            %mul3A_395 = arith.muli %scan3A_375, %mul3A_394 : i32
            %get3A_396 = arith.index_cast %mul3A_395 : i32 to index
            %get3A_397 = tpu.vector_load %arg8[%get3A_396] {strides = array<i32>} : memref<10000xf32, #tpu.memory_space<vmem>>, vector<16xf32>,
            %get3A_398 = vector.shape_cast %get3A_397 : vector<16xf32> to vector<16xf32>
            %jit3A_399 = arith.constant 0xFF800000 : f32
            %broadcast_in_dim3A_400 = vector.broadcast %jit3A_399 : f32 to vector<16xf32>
            %select_n3A_401 = arith.select %eq3A_386, %get3A_398, %broadcast_in_dim3A_400 : vector<16xi1>, vector<16xf32>
            %max3A_402 = arith.maximumf %scan3A_377, %select_n3A_401 : vector<16xf32>
            %mul3A_403 = arith.constant 16 : i32
            %mul3A_404 = arith.muli %scan3A_375, %mul3A_403 : i32
            %get3A_405 = arith.index_cast %mul3A_404 : i32 to index
            %get3A_406 = tpu.vector_load %arg9[%get3A_405] {strides = array<i32>} : memref<10000xf32, #tpu.memory_space<vmem>>, vector<16xf32>,
            %get3A_407 = vector.shape_cast %get3A_406 : vector<16xf32> to vector<16xf32>
            %jit3A_408 = arith.constant 0xFF800000 : f32
            %broadcast_in_dim3A_409 = vector.broadcast %jit3A_408 : f32 to vector<16xf32>
            %select_n3A_410 = arith.select %eq3A_386, %get3A_407, %broadcast_in_dim3A_409 : vector<16xi1>, vector<16xf32>
            %max3A_411 = arith.maximumf %scan3A_378, %select_n3A_410 : vector<16xf32>
            scf.yield %max3A_393, %max3A_402, %max3A_411 : vector<16xf32>, vector<16xf32>, vector<16xf32>
          }
          %scan3A_351 = arith.constant 625 : i32
          %get3A_352 = arith.constant 528 : index
          %get3A_353 = tpu.vector_load %arg13[%get3A_352] {strides = array<i32>} : memref<768xf32, #tpu.memory_space<vmem>>, vector<16xf32>,
          %get3A_354 = vector.shape_cast %get3A_353 : vector<16xf32> to vector<16xf32>
          %max3A = arith.maximumf %get3A_354, %scan3A_350#0 : vector<16xf32>
          %swap3A_355 = arith.constant 528 : index
          %swap3A_356 = tpu.vector_load %arg13[%swap3A_355] {strides = array<i32>} : memref<768xf32, #tpu.memory_space<vmem>>, vector<16xf32>,
          %swap3A_357 = vector.shape_cast %swap3A_356 : vector<16xf32> to vector<16xf32>
          %swap3A_358 = vector.shape_cast %max3A : vector<16xf32> to vector<16xf32>
          tpu.vector_store %arg13[%swap3A_355], %swap3A_358 {strides = array<i32>} : memref<768xf32, #tpu.memory_space<vmem>>, vector<16xf32>,
          %get3A_359 = arith.constant 544 : index
          %get3A_360 = tpu.vector_load %arg13[%get3A_359] {strides = array<i32>} : memref<768xf32, #tpu.memory_space<vmem>>, vector<16xf32>,
          %get3A_361 = vector.shape_cast %get3A_360 : vector<16xf32> to vector<16xf32>
          %max3A_362 = arith.maximumf %get3A_361, %scan3A_350#1 : vector<16xf32>
          %swap3A_363 = arith.constant 544 : index
          %swap3A_364 = tpu.vector_load %arg13[%swap3A_363] {strides = array<i32>} : memref<768xf32, #tpu.memory_space<vmem>>, vector<16xf32>,
          %swap3A_365 = vector.shape_cast %swap3A_364 : vector<16xf32> to vector<16xf32>
          %swap3A_366 = vector.shape_cast %max3A_362 : vector<16xf32> to vector<16xf32>
          tpu.vector_store %arg13[%swap3A_363], %swap3A_366 {strides = array<i32>} : memref<768xf32, #tpu.memory_space<vmem>>, vector<16xf32>,
          %get3A_367 = arith.constant 560 : index
          %get3A_368 = tpu.vector_load %arg13[%get3A_367] {strides = array<i32>} : memref<768xf32, #tpu.memory_space<vmem>>, vector<16xf32>,
          %get3A_369 = vector.shape_cast %get3A_368 : vector<16xf32> to vector<16xf32>
          %max3A_370 = arith.maximumf %get3A_369, %scan3A_350#2 : vector<16xf32>
          %swap3A_371 = arith.constant 560 : index
          %swap3A_372 = tpu.vector_load %arg13[%swap3A_371] {strides = array<i32>} : memref<768xf32, #tpu.memory_space<vmem>>, vector<16xf32>,
          %swap3A_373 = vector.shape_cast %swap3A_372 : vector<16xf32> to vector<16xf32>
          %swap3A_374 = vector.shape_cast %max3A_370 : vector<16xf32> to vector<16xf32>
          tpu.vector_store %arg13[%swap3A_371], %swap3A_374 {strides = array<i32>} : memref<768xf32, #tpu.memory_space<vmem>>, vector<16xf32>,
        } else {
        }
        %le3A_314 = arith.constant 12 : i32
        %le3A_315 = arith.cmpi sle, %squeeze3A, %le3A_314 : i32
        %ge3A_316 = arith.constant 12 : i32
        %ge3A_317 = arith.cmpi sge, %squeeze3A_215, %ge3A_316 : i32
        %and3A_318 = arith.andi %le3A_315, %ge3A_317 : i1
        %convert_element_type3A_319 = arith.extui %and3A_318 : i1 to i32
        %cond3A_320 = arith.constant 0 : i32
        %cond3A_321 = arith.cmpi ne, %convert_element_type3A_319, %cond3A_320 : i32
        scf.if %cond3A_321 {
          %scan3A_346 = arith.constant 0 : i32
          %scan3A_347 = arith.constant 625 : i32
          %scan3A_348 = arith.addi %scan3A_346, %scan3A_347 : i32
          %scan3A_349 = arith.constant 1 : i32
          %scan3A_350:3 = scf.for %scan3A_375 = %scan3A_346 to %scan3A_348 step %scan3A_349 iter_args(%scan3A_376 = %broadcast_in_dim3A_1, %scan3A_377 = %broadcast_in_dim3A_1, %scan3A_378 = %broadcast_in_dim3A_1) -> (vector<16xf32>, vector<16xf32>, vector<16xf32>)  : i32 {
            %mul3A_379 = arith.constant 16 : i32
            %mul3A_380 = arith.muli %scan3A_375, %mul3A_379 : i32
            %get3A_381 = arith.index_cast %mul3A_380 : i32 to index
            %get3A_382 = tpu.vector_load %arg10[%get3A_381] {strides = array<i32>} : memref<10000xi32, #tpu.memory_space<vmem>>, vector<16xi32>,
            %get3A_383 = vector.shape_cast %get3A_382 : vector<16xi32> to vector<16xi32>
            %eq3A_384 = arith.constant 12 : i32
            %eq3A_385 = vector.broadcast %eq3A_384 : i32 to vector<16xi32>
            %eq3A_386 = arith.cmpi eq, %get3A_383, %eq3A_385 : vector<16xi32>
            %mul3A_387 = arith.constant 16 : i32
            %mul3A_388 = arith.muli %scan3A_375, %mul3A_387 : i32
            %get3A_389 = arith.index_cast %mul3A_388 : i32 to index
            %get3A_390 = tpu.vector_load %arg7[%get3A_389] {strides = array<i32>} : memref<10000xf32, #tpu.memory_space<vmem>>, vector<16xf32>,
            %get3A_391 = vector.shape_cast %get3A_390 : vector<16xf32> to vector<16xf32>
            %jit3A = arith.constant 0xFF800000 : f32
            %broadcast_in_dim3A_392 = vector.broadcast %jit3A : f32 to vector<16xf32>
            %select_n3A = arith.select %eq3A_386, %get3A_391, %broadcast_in_dim3A_392 : vector<16xi1>, vector<16xf32>
            %max3A_393 = arith.maximumf %scan3A_376, %select_n3A : vector<16xf32>
            %mul3A_394 = arith.constant 16 : i32
            %mul3A_395 = arith.muli %scan3A_375, %mul3A_394 : i32
            %get3A_396 = arith.index_cast %mul3A_395 : i32 to index
            %get3A_397 = tpu.vector_load %arg8[%get3A_396] {strides = array<i32>} : memref<10000xf32, #tpu.memory_space<vmem>>, vector<16xf32>,
            %get3A_398 = vector.shape_cast %get3A_397 : vector<16xf32> to vector<16xf32>
            %jit3A_399 = arith.constant 0xFF800000 : f32
            %broadcast_in_dim3A_400 = vector.broadcast %jit3A_399 : f32 to vector<16xf32>
            %select_n3A_401 = arith.select %eq3A_386, %get3A_398, %broadcast_in_dim3A_400 : vector<16xi1>, vector<16xf32>
            %max3A_402 = arith.maximumf %scan3A_377, %select_n3A_401 : vector<16xf32>
            %mul3A_403 = arith.constant 16 : i32
            %mul3A_404 = arith.muli %scan3A_375, %mul3A_403 : i32
            %get3A_405 = arith.index_cast %mul3A_404 : i32 to index
            %get3A_406 = tpu.vector_load %arg9[%get3A_405] {strides = array<i32>} : memref<10000xf32, #tpu.memory_space<vmem>>, vector<16xf32>,
            %get3A_407 = vector.shape_cast %get3A_406 : vector<16xf32> to vector<16xf32>
            %jit3A_408 = arith.constant 0xFF800000 : f32
            %broadcast_in_dim3A_409 = vector.broadcast %jit3A_408 : f32 to vector<16xf32>
            %select_n3A_410 = arith.select %eq3A_386, %get3A_407, %broadcast_in_dim3A_409 : vector<16xi1>, vector<16xf32>
            %max3A_411 = arith.maximumf %scan3A_378, %select_n3A_410 : vector<16xf32>
            scf.yield %max3A_393, %max3A_402, %max3A_411 : vector<16xf32>, vector<16xf32>, vector<16xf32>
          }
          %scan3A_351 = arith.constant 625 : i32
          %get3A_352 = arith.constant 576 : index
          %get3A_353 = tpu.vector_load %arg13[%get3A_352] {strides = array<i32>} : memref<768xf32, #tpu.memory_space<vmem>>, vector<16xf32>,
          %get3A_354 = vector.shape_cast %get3A_353 : vector<16xf32> to vector<16xf32>
          %max3A = arith.maximumf %get3A_354, %scan3A_350#0 : vector<16xf32>
          %swap3A_355 = arith.constant 576 : index
          %swap3A_356 = tpu.vector_load %arg13[%swap3A_355] {strides = array<i32>} : memref<768xf32, #tpu.memory_space<vmem>>, vector<16xf32>,
          %swap3A_357 = vector.shape_cast %swap3A_356 : vector<16xf32> to vector<16xf32>
          %swap3A_358 = vector.shape_cast %max3A : vector<16xf32> to vector<16xf32>
          tpu.vector_store %arg13[%swap3A_355], %swap3A_358 {strides = array<i32>} : memref<768xf32, #tpu.memory_space<vmem>>, vector<16xf32>,
          %get3A_359 = arith.constant 592 : index
          %get3A_360 = tpu.vector_load %arg13[%get3A_359] {strides = array<i32>} : memref<768xf32, #tpu.memory_space<vmem>>, vector<16xf32>,
          %get3A_361 = vector.shape_cast %get3A_360 : vector<16xf32> to vector<16xf32>
          %max3A_362 = arith.maximumf %get3A_361, %scan3A_350#1 : vector<16xf32>
          %swap3A_363 = arith.constant 592 : index
          %swap3A_364 = tpu.vector_load %arg13[%swap3A_363] {strides = array<i32>} : memref<768xf32, #tpu.memory_space<vmem>>, vector<16xf32>,
          %swap3A_365 = vector.shape_cast %swap3A_364 : vector<16xf32> to vector<16xf32>
          %swap3A_366 = vector.shape_cast %max3A_362 : vector<16xf32> to vector<16xf32>
          tpu.vector_store %arg13[%swap3A_363], %swap3A_366 {strides = array<i32>} : memref<768xf32, #tpu.memory_space<vmem>>, vector<16xf32>,
          %get3A_367 = arith.constant 608 : index
          %get3A_368 = tpu.vector_load %arg13[%get3A_367] {strides = array<i32>} : memref<768xf32, #tpu.memory_space<vmem>>, vector<16xf32>,
          %get3A_369 = vector.shape_cast %get3A_368 : vector<16xf32> to vector<16xf32>
          %max3A_370 = arith.maximumf %get3A_369, %scan3A_350#2 : vector<16xf32>
          %swap3A_371 = arith.constant 608 : index
          %swap3A_372 = tpu.vector_load %arg13[%swap3A_371] {strides = array<i32>} : memref<768xf32, #tpu.memory_space<vmem>>, vector<16xf32>,
          %swap3A_373 = vector.shape_cast %swap3A_372 : vector<16xf32> to vector<16xf32>
          %swap3A_374 = vector.shape_cast %max3A_370 : vector<16xf32> to vector<16xf32>
          tpu.vector_store %arg13[%swap3A_371], %swap3A_374 {strides = array<i32>} : memref<768xf32, #tpu.memory_space<vmem>>, vector<16xf32>,
        } else {
        }
        %le3A_322 = arith.constant 13 : i32
        %le3A_323 = arith.cmpi sle, %squeeze3A, %le3A_322 : i32
        %ge3A_324 = arith.constant 13 : i32
        %ge3A_325 = arith.cmpi sge, %squeeze3A_215, %ge3A_324 : i32
        %and3A_326 = arith.andi %le3A_323, %ge3A_325 : i1
        %convert_element_type3A_327 = arith.extui %and3A_326 : i1 to i32
        %cond3A_328 = arith.constant 0 : i32
        %cond3A_329 = arith.cmpi ne, %convert_element_type3A_327, %cond3A_328 : i32
        scf.if %cond3A_329 {
          %scan3A_346 = arith.constant 0 : i32
          %scan3A_347 = arith.constant 625 : i32
          %scan3A_348 = arith.addi %scan3A_346, %scan3A_347 : i32
          %scan3A_349 = arith.constant 1 : i32
          %scan3A_350:3 = scf.for %scan3A_375 = %scan3A_346 to %scan3A_348 step %scan3A_349 iter_args(%scan3A_376 = %broadcast_in_dim3A_1, %scan3A_377 = %broadcast_in_dim3A_1, %scan3A_378 = %broadcast_in_dim3A_1) -> (vector<16xf32>, vector<16xf32>, vector<16xf32>)  : i32 {
            %mul3A_379 = arith.constant 16 : i32
            %mul3A_380 = arith.muli %scan3A_375, %mul3A_379 : i32
            %get3A_381 = arith.index_cast %mul3A_380 : i32 to index
            %get3A_382 = tpu.vector_load %arg10[%get3A_381] {strides = array<i32>} : memref<10000xi32, #tpu.memory_space<vmem>>, vector<16xi32>,
            %get3A_383 = vector.shape_cast %get3A_382 : vector<16xi32> to vector<16xi32>
            %eq3A_384 = arith.constant 13 : i32
            %eq3A_385 = vector.broadcast %eq3A_384 : i32 to vector<16xi32>
            %eq3A_386 = arith.cmpi eq, %get3A_383, %eq3A_385 : vector<16xi32>
            %mul3A_387 = arith.constant 16 : i32
            %mul3A_388 = arith.muli %scan3A_375, %mul3A_387 : i32
            %get3A_389 = arith.index_cast %mul3A_388 : i32 to index
            %get3A_390 = tpu.vector_load %arg7[%get3A_389] {strides = array<i32>} : memref<10000xf32, #tpu.memory_space<vmem>>, vector<16xf32>,
            %get3A_391 = vector.shape_cast %get3A_390 : vector<16xf32> to vector<16xf32>
            %jit3A = arith.constant 0xFF800000 : f32
            %broadcast_in_dim3A_392 = vector.broadcast %jit3A : f32 to vector<16xf32>
            %select_n3A = arith.select %eq3A_386, %get3A_391, %broadcast_in_dim3A_392 : vector<16xi1>, vector<16xf32>
            %max3A_393 = arith.maximumf %scan3A_376, %select_n3A : vector<16xf32>
            %mul3A_394 = arith.constant 16 : i32
            %mul3A_395 = arith.muli %scan3A_375, %mul3A_394 : i32
            %get3A_396 = arith.index_cast %mul3A_395 : i32 to index
            %get3A_397 = tpu.vector_load %arg8[%get3A_396] {strides = array<i32>} : memref<10000xf32, #tpu.memory_space<vmem>>, vector<16xf32>,
            %get3A_398 = vector.shape_cast %get3A_397 : vector<16xf32> to vector<16xf32>
            %jit3A_399 = arith.constant 0xFF800000 : f32
            %broadcast_in_dim3A_400 = vector.broadcast %jit3A_399 : f32 to vector<16xf32>
            %select_n3A_401 = arith.select %eq3A_386, %get3A_398, %broadcast_in_dim3A_400 : vector<16xi1>, vector<16xf32>
            %max3A_402 = arith.maximumf %scan3A_377, %select_n3A_401 : vector<16xf32>
            %mul3A_403 = arith.constant 16 : i32
            %mul3A_404 = arith.muli %scan3A_375, %mul3A_403 : i32
            %get3A_405 = arith.index_cast %mul3A_404 : i32 to index
            %get3A_406 = tpu.vector_load %arg9[%get3A_405] {strides = array<i32>} : memref<10000xf32, #tpu.memory_space<vmem>>, vector<16xf32>,
            %get3A_407 = vector.shape_cast %get3A_406 : vector<16xf32> to vector<16xf32>
            %jit3A_408 = arith.constant 0xFF800000 : f32
            %broadcast_in_dim3A_409 = vector.broadcast %jit3A_408 : f32 to vector<16xf32>
            %select_n3A_410 = arith.select %eq3A_386, %get3A_407, %broadcast_in_dim3A_409 : vector<16xi1>, vector<16xf32>
            %max3A_411 = arith.maximumf %scan3A_378, %select_n3A_410 : vector<16xf32>
            scf.yield %max3A_393, %max3A_402, %max3A_411 : vector<16xf32>, vector<16xf32>, vector<16xf32>
          }
          %scan3A_351 = arith.constant 625 : i32
          %get3A_352 = arith.constant 624 : index
          %get3A_353 = tpu.vector_load %arg13[%get3A_352] {strides = array<i32>} : memref<768xf32, #tpu.memory_space<vmem>>, vector<16xf32>,
          %get3A_354 = vector.shape_cast %get3A_353 : vector<16xf32> to vector<16xf32>
          %max3A = arith.maximumf %get3A_354, %scan3A_350#0 : vector<16xf32>
          %swap3A_355 = arith.constant 624 : index
          %swap3A_356 = tpu.vector_load %arg13[%swap3A_355] {strides = array<i32>} : memref<768xf32, #tpu.memory_space<vmem>>, vector<16xf32>,
          %swap3A_357 = vector.shape_cast %swap3A_356 : vector<16xf32> to vector<16xf32>
          %swap3A_358 = vector.shape_cast %max3A : vector<16xf32> to vector<16xf32>
          tpu.vector_store %arg13[%swap3A_355], %swap3A_358 {strides = array<i32>} : memref<768xf32, #tpu.memory_space<vmem>>, vector<16xf32>,
          %get3A_359 = arith.constant 640 : index
          %get3A_360 = tpu.vector_load %arg13[%get3A_359] {strides = array<i32>} : memref<768xf32, #tpu.memory_space<vmem>>, vector<16xf32>,
          %get3A_361 = vector.shape_cast %get3A_360 : vector<16xf32> to vector<16xf32>
          %max3A_362 = arith.maximumf %get3A_361, %scan3A_350#1 : vector<16xf32>
          %swap3A_363 = arith.constant 640 : index
          %swap3A_364 = tpu.vector_load %arg13[%swap3A_363] {strides = array<i32>} : memref<768xf32, #tpu.memory_space<vmem>>, vector<16xf32>,
          %swap3A_365 = vector.shape_cast %swap3A_364 : vector<16xf32> to vector<16xf32>
          %swap3A_366 = vector.shape_cast %max3A_362 : vector<16xf32> to vector<16xf32>
          tpu.vector_store %arg13[%swap3A_363], %swap3A_366 {strides = array<i32>} : memref<768xf32, #tpu.memory_space<vmem>>, vector<16xf32>,
          %get3A_367 = arith.constant 656 : index
          %get3A_368 = tpu.vector_load %arg13[%get3A_367] {strides = array<i32>} : memref<768xf32, #tpu.memory_space<vmem>>, vector<16xf32>,
          %get3A_369 = vector.shape_cast %get3A_368 : vector<16xf32> to vector<16xf32>
          %max3A_370 = arith.maximumf %get3A_369, %scan3A_350#2 : vector<16xf32>
          %swap3A_371 = arith.constant 656 : index
          %swap3A_372 = tpu.vector_load %arg13[%swap3A_371] {strides = array<i32>} : memref<768xf32, #tpu.memory_space<vmem>>, vector<16xf32>,
          %swap3A_373 = vector.shape_cast %swap3A_372 : vector<16xf32> to vector<16xf32>
          %swap3A_374 = vector.shape_cast %max3A_370 : vector<16xf32> to vector<16xf32>
          tpu.vector_store %arg13[%swap3A_371], %swap3A_374 {strides = array<i32>} : memref<768xf32, #tpu.memory_space<vmem>>, vector<16xf32>,
        } else {
        }
        %le3A_330 = arith.constant 14 : i32
        %le3A_331 = arith.cmpi sle, %squeeze3A, %le3A_330 : i32
        %ge3A_332 = arith.constant 14 : i32
        %ge3A_333 = arith.cmpi sge, %squeeze3A_215, %ge3A_332 : i32
        %and3A_334 = arith.andi %le3A_331, %ge3A_333 : i1
        %convert_element_type3A_335 = arith.extui %and3A_334 : i1 to i32
        %cond3A_336 = arith.constant 0 : i32
        %cond3A_337 = arith.cmpi ne, %convert_element_type3A_335, %cond3A_336 : i32
        scf.if %cond3A_337 {
          %scan3A_346 = arith.constant 0 : i32
          %scan3A_347 = arith.constant 625 : i32
          %scan3A_348 = arith.addi %scan3A_346, %scan3A_347 : i32
          %scan3A_349 = arith.constant 1 : i32
          %scan3A_350:3 = scf.for %scan3A_375 = %scan3A_346 to %scan3A_348 step %scan3A_349 iter_args(%scan3A_376 = %broadcast_in_dim3A_1, %scan3A_377 = %broadcast_in_dim3A_1, %scan3A_378 = %broadcast_in_dim3A_1) -> (vector<16xf32>, vector<16xf32>, vector<16xf32>)  : i32 {
            %mul3A_379 = arith.constant 16 : i32
            %mul3A_380 = arith.muli %scan3A_375, %mul3A_379 : i32
            %get3A_381 = arith.index_cast %mul3A_380 : i32 to index
            %get3A_382 = tpu.vector_load %arg10[%get3A_381] {strides = array<i32>} : memref<10000xi32, #tpu.memory_space<vmem>>, vector<16xi32>,
            %get3A_383 = vector.shape_cast %get3A_382 : vector<16xi32> to vector<16xi32>
            %eq3A_384 = arith.constant 14 : i32
            %eq3A_385 = vector.broadcast %eq3A_384 : i32 to vector<16xi32>
            %eq3A_386 = arith.cmpi eq, %get3A_383, %eq3A_385 : vector<16xi32>
            %mul3A_387 = arith.constant 16 : i32
            %mul3A_388 = arith.muli %scan3A_375, %mul3A_387 : i32
            %get3A_389 = arith.index_cast %mul3A_388 : i32 to index
            %get3A_390 = tpu.vector_load %arg7[%get3A_389] {strides = array<i32>} : memref<10000xf32, #tpu.memory_space<vmem>>, vector<16xf32>,
            %get3A_391 = vector.shape_cast %get3A_390 : vector<16xf32> to vector<16xf32>
            %jit3A = arith.constant 0xFF800000 : f32
            %broadcast_in_dim3A_392 = vector.broadcast %jit3A : f32 to vector<16xf32>
            %select_n3A = arith.select %eq3A_386, %get3A_391, %broadcast_in_dim3A_392 : vector<16xi1>, vector<16xf32>
            %max3A_393 = arith.maximumf %scan3A_376, %select_n3A : vector<16xf32>
            %mul3A_394 = arith.constant 16 : i32
            %mul3A_395 = arith.muli %scan3A_375, %mul3A_394 : i32
            %get3A_396 = arith.index_cast %mul3A_395 : i32 to index
            %get3A_397 = tpu.vector_load %arg8[%get3A_396] {strides = array<i32>} : memref<10000xf32, #tpu.memory_space<vmem>>, vector<16xf32>,
            %get3A_398 = vector.shape_cast %get3A_397 : vector<16xf32> to vector<16xf32>
            %jit3A_399 = arith.constant 0xFF800000 : f32
            %broadcast_in_dim3A_400 = vector.broadcast %jit3A_399 : f32 to vector<16xf32>
            %select_n3A_401 = arith.select %eq3A_386, %get3A_398, %broadcast_in_dim3A_400 : vector<16xi1>, vector<16xf32>
            %max3A_402 = arith.maximumf %scan3A_377, %select_n3A_401 : vector<16xf32>
            %mul3A_403 = arith.constant 16 : i32
            %mul3A_404 = arith.muli %scan3A_375, %mul3A_403 : i32
            %get3A_405 = arith.index_cast %mul3A_404 : i32 to index
            %get3A_406 = tpu.vector_load %arg9[%get3A_405] {strides = array<i32>} : memref<10000xf32, #tpu.memory_space<vmem>>, vector<16xf32>,
            %get3A_407 = vector.shape_cast %get3A_406 : vector<16xf32> to vector<16xf32>
            %jit3A_408 = arith.constant 0xFF800000 : f32
            %broadcast_in_dim3A_409 = vector.broadcast %jit3A_408 : f32 to vector<16xf32>
            %select_n3A_410 = arith.select %eq3A_386, %get3A_407, %broadcast_in_dim3A_409 : vector<16xi1>, vector<16xf32>
            %max3A_411 = arith.maximumf %scan3A_378, %select_n3A_410 : vector<16xf32>
            scf.yield %max3A_393, %max3A_402, %max3A_411 : vector<16xf32>, vector<16xf32>, vector<16xf32>
          }
          %scan3A_351 = arith.constant 625 : i32
          %get3A_352 = arith.constant 672 : index
          %get3A_353 = tpu.vector_load %arg13[%get3A_352] {strides = array<i32>} : memref<768xf32, #tpu.memory_space<vmem>>, vector<16xf32>,
          %get3A_354 = vector.shape_cast %get3A_353 : vector<16xf32> to vector<16xf32>
          %max3A = arith.maximumf %get3A_354, %scan3A_350#0 : vector<16xf32>
          %swap3A_355 = arith.constant 672 : index
          %swap3A_356 = tpu.vector_load %arg13[%swap3A_355] {strides = array<i32>} : memref<768xf32, #tpu.memory_space<vmem>>, vector<16xf32>,
          %swap3A_357 = vector.shape_cast %swap3A_356 : vector<16xf32> to vector<16xf32>
          %swap3A_358 = vector.shape_cast %max3A : vector<16xf32> to vector<16xf32>
          tpu.vector_store %arg13[%swap3A_355], %swap3A_358 {strides = array<i32>} : memref<768xf32, #tpu.memory_space<vmem>>, vector<16xf32>,
          %get3A_359 = arith.constant 688 : index
          %get3A_360 = tpu.vector_load %arg13[%get3A_359] {strides = array<i32>} : memref<768xf32, #tpu.memory_space<vmem>>, vector<16xf32>,
          %get3A_361 = vector.shape_cast %get3A_360 : vector<16xf32> to vector<16xf32>
          %max3A_362 = arith.maximumf %get3A_361, %scan3A_350#1 : vector<16xf32>
          %swap3A_363 = arith.constant 688 : index
          %swap3A_364 = tpu.vector_load %arg13[%swap3A_363] {strides = array<i32>} : memref<768xf32, #tpu.memory_space<vmem>>, vector<16xf32>,
          %swap3A_365 = vector.shape_cast %swap3A_364 : vector<16xf32> to vector<16xf32>
          %swap3A_366 = vector.shape_cast %max3A_362 : vector<16xf32> to vector<16xf32>
          tpu.vector_store %arg13[%swap3A_363], %swap3A_366 {strides = array<i32>} : memref<768xf32, #tpu.memory_space<vmem>>, vector<16xf32>,
          %get3A_367 = arith.constant 704 : index
          %get3A_368 = tpu.vector_load %arg13[%get3A_367] {strides = array<i32>} : memref<768xf32, #tpu.memory_space<vmem>>, vector<16xf32>,
          %get3A_369 = vector.shape_cast %get3A_368 : vector<16xf32> to vector<16xf32>
          %max3A_370 = arith.maximumf %get3A_369, %scan3A_350#2 : vector<16xf32>
          %swap3A_371 = arith.constant 704 : index
          %swap3A_372 = tpu.vector_load %arg13[%swap3A_371] {strides = array<i32>} : memref<768xf32, #tpu.memory_space<vmem>>, vector<16xf32>,
          %swap3A_373 = vector.shape_cast %swap3A_372 : vector<16xf32> to vector<16xf32>
          %swap3A_374 = vector.shape_cast %max3A_370 : vector<16xf32> to vector<16xf32>
          tpu.vector_store %arg13[%swap3A_371], %swap3A_374 {strides = array<i32>} : memref<768xf32, #tpu.memory_space<vmem>>, vector<16xf32>,
        } else {
        }
        %le3A_338 = arith.constant 15 : i32
        %le3A_339 = arith.cmpi sle, %squeeze3A, %le3A_338 : i32
        %ge3A_340 = arith.constant 15 : i32
        %ge3A_341 = arith.cmpi sge, %squeeze3A_215, %ge3A_340 : i32
        %and3A_342 = arith.andi %le3A_339, %ge3A_341 : i1
        %convert_element_type3A_343 = arith.extui %and3A_342 : i1 to i32
        %cond3A_344 = arith.constant 0 : i32
        %cond3A_345 = arith.cmpi ne, %convert_element_type3A_343, %cond3A_344 : i32
        scf.if %cond3A_345 {
          %scan3A_346 = arith.constant 0 : i32
          %scan3A_347 = arith.constant 625 : i32
          %scan3A_348 = arith.addi %scan3A_346, %scan3A_347 : i32
          %scan3A_349 = arith.constant 1 : i32
          %scan3A_350:3 = scf.for %scan3A_375 = %scan3A_346 to %scan3A_348 step %scan3A_349 iter_args(%scan3A_376 = %broadcast_in_dim3A_1, %scan3A_377 = %broadcast_in_dim3A_1, %scan3A_378 = %broadcast_in_dim3A_1) -> (vector<16xf32>, vector<16xf32>, vector<16xf32>)  : i32 {
            %mul3A_379 = arith.constant 16 : i32
            %mul3A_380 = arith.muli %scan3A_375, %mul3A_379 : i32
            %get3A_381 = arith.index_cast %mul3A_380 : i32 to index
            %get3A_382 = tpu.vector_load %arg10[%get3A_381] {strides = array<i32>} : memref<10000xi32, #tpu.memory_space<vmem>>, vector<16xi32>,
            %get3A_383 = vector.shape_cast %get3A_382 : vector<16xi32> to vector<16xi32>
            %eq3A_384 = arith.constant 15 : i32
            %eq3A_385 = vector.broadcast %eq3A_384 : i32 to vector<16xi32>
            %eq3A_386 = arith.cmpi eq, %get3A_383, %eq3A_385 : vector<16xi32>
            %mul3A_387 = arith.constant 16 : i32
            %mul3A_388 = arith.muli %scan3A_375, %mul3A_387 : i32
            %get3A_389 = arith.index_cast %mul3A_388 : i32 to index
            %get3A_390 = tpu.vector_load %arg7[%get3A_389] {strides = array<i32>} : memref<10000xf32, #tpu.memory_space<vmem>>, vector<16xf32>,
            %get3A_391 = vector.shape_cast %get3A_390 : vector<16xf32> to vector<16xf32>
            %jit3A = arith.constant 0xFF800000 : f32
            %broadcast_in_dim3A_392 = vector.broadcast %jit3A : f32 to vector<16xf32>
            %select_n3A = arith.select %eq3A_386, %get3A_391, %broadcast_in_dim3A_392 : vector<16xi1>, vector<16xf32>
            %max3A_393 = arith.maximumf %scan3A_376, %select_n3A : vector<16xf32>
            %mul3A_394 = arith.constant 16 : i32
            %mul3A_395 = arith.muli %scan3A_375, %mul3A_394 : i32
            %get3A_396 = arith.index_cast %mul3A_395 : i32 to index
            %get3A_397 = tpu.vector_load %arg8[%get3A_396] {strides = array<i32>} : memref<10000xf32, #tpu.memory_space<vmem>>, vector<16xf32>,
            %get3A_398 = vector.shape_cast %get3A_397 : vector<16xf32> to vector<16xf32>
            %jit3A_399 = arith.constant 0xFF800000 : f32
            %broadcast_in_dim3A_400 = vector.broadcast %jit3A_399 : f32 to vector<16xf32>
            %select_n3A_401 = arith.select %eq3A_386, %get3A_398, %broadcast_in_dim3A_400 : vector<16xi1>, vector<16xf32>
            %max3A_402 = arith.maximumf %scan3A_377, %select_n3A_401 : vector<16xf32>
            %mul3A_403 = arith.constant 16 : i32
            %mul3A_404 = arith.muli %scan3A_375, %mul3A_403 : i32
            %get3A_405 = arith.index_cast %mul3A_404 : i32 to index
            %get3A_406 = tpu.vector_load %arg9[%get3A_405] {strides = array<i32>} : memref<10000xf32, #tpu.memory_space<vmem>>, vector<16xf32>,
            %get3A_407 = vector.shape_cast %get3A_406 : vector<16xf32> to vector<16xf32>
            %jit3A_408 = arith.constant 0xFF800000 : f32
            %broadcast_in_dim3A_409 = vector.broadcast %jit3A_408 : f32 to vector<16xf32>
            %select_n3A_410 = arith.select %eq3A_386, %get3A_407, %broadcast_in_dim3A_409 : vector<16xi1>, vector<16xf32>
            %max3A_411 = arith.maximumf %scan3A_378, %select_n3A_410 : vector<16xf32>
            scf.yield %max3A_393, %max3A_402, %max3A_411 : vector<16xf32>, vector<16xf32>, vector<16xf32>
          }
          %scan3A_351 = arith.constant 625 : i32
          %get3A_352 = arith.constant 720 : index
          %get3A_353 = tpu.vector_load %arg13[%get3A_352] {strides = array<i32>} : memref<768xf32, #tpu.memory_space<vmem>>, vector<16xf32>,
          %get3A_354 = vector.shape_cast %get3A_353 : vector<16xf32> to vector<16xf32>
          %max3A = arith.maximumf %get3A_354, %scan3A_350#0 : vector<16xf32>
          %swap3A_355 = arith.constant 720 : index
          %swap3A_356 = tpu.vector_load %arg13[%swap3A_355] {strides = array<i32>} : memref<768xf32, #tpu.memory_space<vmem>>, vector<16xf32>,
          %swap3A_357 = vector.shape_cast %swap3A_356 : vector<16xf32> to vector<16xf32>
          %swap3A_358 = vector.shape_cast %max3A : vector<16xf32> to vector<16xf32>
          tpu.vector_store %arg13[%swap3A_355], %swap3A_358 {strides = array<i32>} : memref<768xf32, #tpu.memory_space<vmem>>, vector<16xf32>,
          %get3A_359 = arith.constant 736 : index
          %get3A_360 = tpu.vector_load %arg13[%get3A_359] {strides = array<i32>} : memref<768xf32, #tpu.memory_space<vmem>>, vector<16xf32>,
          %get3A_361 = vector.shape_cast %get3A_360 : vector<16xf32> to vector<16xf32>
          %max3A_362 = arith.maximumf %get3A_361, %scan3A_350#1 : vector<16xf32>
          %swap3A_363 = arith.constant 736 : index
          %swap3A_364 = tpu.vector_load %arg13[%swap3A_363] {strides = array<i32>} : memref<768xf32, #tpu.memory_space<vmem>>, vector<16xf32>,
          %swap3A_365 = vector.shape_cast %swap3A_364 : vector<16xf32> to vector<16xf32>
          %swap3A_366 = vector.shape_cast %max3A_362 : vector<16xf32> to vector<16xf32>
          tpu.vector_store %arg13[%swap3A_363], %swap3A_366 {strides = array<i32>} : memref<768xf32, #tpu.memory_space<vmem>>, vector<16xf32>,
          %get3A_367 = arith.constant 752 : index
          %get3A_368 = tpu.vector_load %arg13[%get3A_367] {strides = array<i32>} : memref<768xf32, #tpu.memory_space<vmem>>, vector<16xf32>,
          %get3A_369 = vector.shape_cast %get3A_368 : vector<16xf32> to vector<16xf32>
          %max3A_370 = arith.maximumf %get3A_369, %scan3A_350#2 : vector<16xf32>
          %swap3A_371 = arith.constant 752 : index
          %swap3A_372 = tpu.vector_load %arg13[%swap3A_371] {strides = array<i32>} : memref<768xf32, #tpu.memory_space<vmem>>, vector<16xf32>,
          %swap3A_373 = vector.shape_cast %swap3A_372 : vector<16xf32> to vector<16xf32>
          %swap3A_374 = vector.shape_cast %max3A_370 : vector<16xf32> to vector<16xf32>
          tpu.vector_store %arg13[%swap3A_371], %swap3A_374 {strides = array<i32>} : memref<768xf32, #tpu.memory_space<vmem>>, vector<16xf32>,
        } else {
        }
      } else {
      }
      %scan3A_220 = arith.constant 0 : i32
      scf.yield %scan3A_220 : i32
    }
    %scan3A_198 = arith.constant 10 : i32
    "tpu.region"() ({
      %run_scoped3A = tpu.sem_alloc : memref<!tpu.dma_semaphore, #tpu.memory_space<semaphore_mem>>
      %dma_start3A = arith.constant 0 : i32
      %dma_start3A_199 = tpu.memref_slice %arg6[%add3A, %dma_start3A] : memref<32x768xf32, #tpu.memory_space<hbm>> -> memref<1x768xf32, #tpu.memory_space<hbm>>
      %dma_start3A_200 = tpu.memref_squeeze %dma_start3A_199 : memref<1x768xf32, #tpu.memory_space<hbm>> -> memref<768xf32, #tpu.memory_space<hbm>>
      %dma_start3A_201 = arith.constant 0 : i32
      %dma_start3A_202 = tpu.memref_slice %arg6[%add3A, %dma_start3A_201] : memref<32x768xf32, #tpu.memory_space<hbm>> -> memref<1x768xf32, #tpu.memory_space<hbm>>
      %dma_start3A_203 = tpu.memref_squeeze %dma_start3A_202 : memref<1x768xf32, #tpu.memory_space<hbm>> -> memref<768xf32, #tpu.memory_space<hbm>>
      tpu.enqueue_dma source(%arg13 : memref<768xf32, #tpu.memory_space<vmem>>) target(%dma_start3A_203 : memref<768xf32, #tpu.memory_space<hbm>>) target_semaphore(%run_scoped3A : memref<!tpu.dma_semaphore, #tpu.memory_space<semaphore_mem>>)
      %dma_wait3A = arith.constant 0 : i32
      %dma_wait3A_204 = tpu.memref_slice %arg6[%add3A, %dma_wait3A] : memref<32x768xf32, #tpu.memory_space<hbm>> -> memref<1x768xf32, #tpu.memory_space<hbm>>
      %dma_wait3A_205 = tpu.memref_squeeze %dma_wait3A_204 : memref<1x768xf32, #tpu.memory_space<hbm>> -> memref<768xf32, #tpu.memory_space<hbm>>
      %dma_wait3A_206 = arith.constant 0 : i32
      %dma_wait3A_207 = tpu.memref_slice %arg6[%add3A, %dma_wait3A_206] : memref<32x768xf32, #tpu.memory_space<hbm>> -> memref<1x768xf32, #tpu.memory_space<hbm>>
      %dma_wait3A_208 = tpu.memref_squeeze %dma_wait3A_207 : memref<1x768xf32, #tpu.memory_space<hbm>> -> memref<768xf32, #tpu.memory_space<hbm>>
      tpu.wait_dma2 semaphore(%run_scoped3A : memref<!tpu.dma_semaphore, #tpu.memory_space<semaphore_mem>>) src(%arg13 : memref<768xf32, #tpu.memory_space<vmem>>) dst(%dma_wait3A_208 : memref<768xf32, #tpu.memory_space<hbm>>)
      tpu.yield
    }) : () -> ()
    return
  }
}

module attributes {stable_mosaic.version = 14 : i64} {
  func.func @_merge_body(%arg0: memref<32x768xf32, #tpu.memory_space<vmem>>, %arg1: memref<16x128xf32, #tpu.memory_space<vmem>>) attributes {dimension_semantics = [], scalar_prefetch = 0 : i64, scratch_operands = 0 : i64, tpu.core_type = #tpu.core_type<tc>} {
    %get3A = arith.constant 0 : index
    %get3A_0 = arith.constant 0 : index
    %get3A_1 = vector.load %arg0[%get3A, %get3A_0] : memref<32x768xf32, #tpu.memory_space<vmem>>, vector<32x768xf32>
    %reduce_max3A = arith.constant dense<0xFF800000> : vector<768xf32>
    %reduce_max3A_2 = vector.multi_reduction <maximumf>, %get3A_1, %reduce_max3A [0] : vector<32x768xf32> to vector<768xf32>
    %broadcast_in_dim3A = vector.shape_cast %reduce_max3A_2 : vector<768xf32> to vector<1x768xf32>
    %iota3A = tpu.iota {dimensions = array<i32: 1>} : vector<16x768xi32>
    %iota3A_3 = tpu.iota {dimensions = array<i32: 0>} : vector<16x768xi32>
    %jit3A = arith.constant 48 : i32
    %div3A = vector.broadcast %jit3A : i32 to vector<16x768xi32>
    %div3A_4 = arith.divsi %iota3A, %div3A : vector<16x768xi32>
    %sign3A = arith.constant 0 : i32
    %sign3A_5 = vector.broadcast %sign3A : i32 to vector<16x768xi32>
    %sign3A_6 = arith.cmpi sgt, %iota3A, %sign3A_5 : vector<16x768xi32>
    %sign3A_7 = arith.extui %sign3A_6 : vector<16x768xi1> to vector<16x768xi32>
    %sign3A_8 = arith.constant 0 : i32
    %sign3A_9 = vector.broadcast %sign3A_8 : i32 to vector<16x768xi32>
    %sign3A_10 = arith.cmpi slt, %iota3A, %sign3A_9 : vector<16x768xi32>
    %sign3A_11 = arith.extui %sign3A_10 : vector<16x768xi1> to vector<16x768xi32>
    %sign3A_12 = arith.subi %sign3A_7, %sign3A_11 : vector<16x768xi32>
    %sign3A_13 = arith.constant 0 : i32
    %sign3A_14 = arith.cmpi sgt, %jit3A, %sign3A_13 : i32
    %sign3A_15 = arith.extui %sign3A_14 : i1 to i32
    %sign3A_16 = arith.constant 0 : i32
    %sign3A_17 = arith.cmpi slt, %jit3A, %sign3A_16 : i32
    %sign3A_18 = arith.extui %sign3A_17 : i1 to i32
    %sign3A_19 = arith.subi %sign3A_15, %sign3A_18 : i32
    %ne3A = vector.broadcast %sign3A_19 : i32 to vector<16x768xi32>
    %ne3A_20 = arith.cmpi ne, %sign3A_12, %ne3A : vector<16x768xi32>
    %rem3A = vector.broadcast %jit3A : i32 to vector<16x768xi32>
    %rem3A_21 = arith.remsi %iota3A, %rem3A : vector<16x768xi32>
    %ne3A_22 = arith.constant 0 : i32
    %ne3A_23 = vector.broadcast %ne3A_22 : i32 to vector<16x768xi32>
    %ne3A_24 = arith.cmpi ne, %rem3A_21, %ne3A_23 : vector<16x768xi32>
    %and3A = arith.andi %ne3A_20, %ne3A_24 : vector<16x768xi1>
    %sub3A = arith.constant 1 : i32
    %sub3A_25 = vector.broadcast %sub3A : i32 to vector<16x768xi32>
    %sub3A_26 = arith.subi %div3A_4, %sub3A_25 : vector<16x768xi32>
    %select_n3A = arith.select %and3A, %sub3A_26, %div3A_4 : vector<16x768xi1>, vector<16x768xi32>
    %eq3A = arith.cmpi eq, %select_n3A, %iota3A_3 : vector<16x768xi32>
    %jit3A_27 = arith.constant 48 : i32
    %eq3A_28 = arith.constant 0 : i32
    %eq3A_29 = arith.cmpi eq, %jit3A_27, %eq3A_28 : i32
    %jit3A_30 = arith.constant 1 : i32
    %select_n3A_31 = arith.select %eq3A_29, %jit3A_30, %jit3A_27 : i32
    %rem3A_32 = vector.broadcast %select_n3A_31 : i32 to vector<16x768xi32>
    %rem3A_33 = arith.remsi %iota3A, %rem3A_32 : vector<16x768xi32>
    %ne3A_34 = arith.constant 0 : i32
    %ne3A_35 = vector.broadcast %ne3A_34 : i32 to vector<16x768xi32>
    %ne3A_36 = arith.cmpi ne, %rem3A_33, %ne3A_35 : vector<16x768xi32>
    %lt3A = arith.constant 0 : i32
    %lt3A_37 = vector.broadcast %lt3A : i32 to vector<16x768xi32>
    %lt3A_38 = arith.cmpi slt, %rem3A_33, %lt3A_37 : vector<16x768xi32>
    %lt3A_39 = arith.constant 0 : i32
    %lt3A_40 = arith.cmpi slt, %select_n3A_31, %lt3A_39 : i32
    %ne3A_41 = vector.broadcast %lt3A_40 : i1 to vector<16x768xi1>
    %ne3A_42 = vector.broadcast %ne3A_41 : vector<16x768xi1> to vector<16x768xi1>
    %ne3A_43 = arith.xori %lt3A_38, %ne3A_42 : vector<16x768xi1>
    %and3A_44 = arith.andi %ne3A_43, %ne3A_36 : vector<16x768xi1>
    %add3A = vector.broadcast %select_n3A_31 : i32 to vector<16x768xi32>
    %add3A_45 = arith.addi %rem3A_33, %add3A : vector<16x768xi32>
    %select_n3A_46 = arith.select %and3A_44, %add3A_45, %rem3A_33 : vector<16x768xi1>, vector<16x768xi32>
    %jit3A_47 = arith.constant 16 : i32
    %div3A_48 = vector.broadcast %jit3A_47 : i32 to vector<16x768xi32>
    %div3A_49 = arith.divsi %select_n3A_46, %div3A_48 : vector<16x768xi32>
    %sign3A_50 = arith.constant 0 : i32
    %sign3A_51 = vector.broadcast %sign3A_50 : i32 to vector<16x768xi32>
    %sign3A_52 = arith.cmpi sgt, %select_n3A_46, %sign3A_51 : vector<16x768xi32>
    %sign3A_53 = arith.extui %sign3A_52 : vector<16x768xi1> to vector<16x768xi32>
    %sign3A_54 = arith.constant 0 : i32
    %sign3A_55 = vector.broadcast %sign3A_54 : i32 to vector<16x768xi32>
    %sign3A_56 = arith.cmpi slt, %select_n3A_46, %sign3A_55 : vector<16x768xi32>
    %sign3A_57 = arith.extui %sign3A_56 : vector<16x768xi1> to vector<16x768xi32>
    %sign3A_58 = arith.subi %sign3A_53, %sign3A_57 : vector<16x768xi32>
    %sign3A_59 = arith.constant 0 : i32
    %sign3A_60 = arith.cmpi sgt, %jit3A_47, %sign3A_59 : i32
    %sign3A_61 = arith.extui %sign3A_60 : i1 to i32
    %sign3A_62 = arith.constant 0 : i32
    %sign3A_63 = arith.cmpi slt, %jit3A_47, %sign3A_62 : i32
    %sign3A_64 = arith.extui %sign3A_63 : i1 to i32
    %sign3A_65 = arith.subi %sign3A_61, %sign3A_64 : i32
    %ne3A_66 = vector.broadcast %sign3A_65 : i32 to vector<16x768xi32>
    %ne3A_67 = arith.cmpi ne, %sign3A_58, %ne3A_66 : vector<16x768xi32>
    %rem3A_68 = vector.broadcast %jit3A_47 : i32 to vector<16x768xi32>
    %rem3A_69 = arith.remsi %select_n3A_46, %rem3A_68 : vector<16x768xi32>
    %ne3A_70 = arith.constant 0 : i32
    %ne3A_71 = vector.broadcast %ne3A_70 : i32 to vector<16x768xi32>
    %ne3A_72 = arith.cmpi ne, %rem3A_69, %ne3A_71 : vector<16x768xi32>
    %and3A_73 = arith.andi %ne3A_67, %ne3A_72 : vector<16x768xi1>
    %sub3A_74 = arith.constant 1 : i32
    %sub3A_75 = vector.broadcast %sub3A_74 : i32 to vector<16x768xi32>
    %sub3A_76 = arith.subi %div3A_49, %sub3A_75 : vector<16x768xi32>
    %select_n3A_77 = arith.select %and3A_73, %sub3A_76, %div3A_49 : vector<16x768xi1>, vector<16x768xi32>
    %broadcast_in_dim3A_78 = vector.shape_cast %broadcast_in_dim3A : vector<1x768xf32> to vector<1x768xf32>
    %broadcast_in_dim3A_79 = vector.broadcast %broadcast_in_dim3A_78 : vector<1x768xf32> to vector<16x768xf32>
    %eq3A_80 = arith.constant 0 : i32
    %eq3A_81 = vector.broadcast %eq3A_80 : i32 to vector<16x768xi32>
    %eq3A_82 = arith.cmpi eq, %select_n3A_77, %eq3A_81 : vector<16x768xi32>
    %and3A_83 = arith.andi %eq3A, %eq3A_82 : vector<16x768xi1>
    %jit3A_84 = arith.constant 0xFF800000 : f32
    %broadcast_in_dim3A_85 = vector.broadcast %jit3A_84 : f32 to vector<16x768xf32>
    %select_n3A_86 = arith.select %and3A_83, %broadcast_in_dim3A_79, %broadcast_in_dim3A_85 : vector<16x768xi1>, vector<16x768xf32>
    %reduce_max3A_87 = arith.constant dense<0xFF800000> : vector<16xf32>
    %reduce_max3A_88 = vector.multi_reduction <maximumf>, %select_n3A_86, %reduce_max3A_87 [1] : vector<16x768xf32> to vector<16xf32>
    %broadcast_in_dim3A_89 = vector.shape_cast %reduce_max3A_88 : vector<16xf32> to vector<16x1xf32>
    %eq3A_90 = arith.constant 1 : i32
    %eq3A_91 = vector.broadcast %eq3A_90 : i32 to vector<16x768xi32>
    %eq3A_92 = arith.cmpi eq, %select_n3A_77, %eq3A_91 : vector<16x768xi32>
    %and3A_93 = arith.andi %eq3A, %eq3A_92 : vector<16x768xi1>
    %jit3A_94 = arith.constant 0xFF800000 : f32
    %broadcast_in_dim3A_95 = vector.broadcast %jit3A_94 : f32 to vector<16x768xf32>
    %select_n3A_96 = arith.select %and3A_93, %broadcast_in_dim3A_79, %broadcast_in_dim3A_95 : vector<16x768xi1>, vector<16x768xf32>
    %reduce_max3A_97 = arith.constant dense<0xFF800000> : vector<16xf32>
    %reduce_max3A_98 = vector.multi_reduction <maximumf>, %select_n3A_96, %reduce_max3A_97 [1] : vector<16x768xf32> to vector<16xf32>
    %broadcast_in_dim3A_99 = vector.shape_cast %reduce_max3A_98 : vector<16xf32> to vector<16x1xf32>
    %eq3A_100 = arith.constant 2 : i32
    %eq3A_101 = vector.broadcast %eq3A_100 : i32 to vector<16x768xi32>
    %eq3A_102 = arith.cmpi eq, %select_n3A_77, %eq3A_101 : vector<16x768xi32>
    %and3A_103 = arith.andi %eq3A, %eq3A_102 : vector<16x768xi1>
    %jit3A_104 = arith.constant 0xFF800000 : f32
    %broadcast_in_dim3A_105 = vector.broadcast %jit3A_104 : f32 to vector<16x768xf32>
    %select_n3A_106 = arith.select %and3A_103, %broadcast_in_dim3A_79, %broadcast_in_dim3A_105 : vector<16x768xi1>, vector<16x768xf32>
    %reduce_max3A_107 = arith.constant dense<0xFF800000> : vector<16xf32>
    %reduce_max3A_108 = vector.multi_reduction <maximumf>, %select_n3A_106, %reduce_max3A_107 [1] : vector<16x768xf32> to vector<16xf32>
    %broadcast_in_dim3A_109 = vector.shape_cast %reduce_max3A_108 : vector<16xf32> to vector<16x1xf32>
    %broadcast_in_dim3A_110 = arith.constant 0.000000e+00 : f32
    %broadcast_in_dim3A_111 = vector.broadcast %broadcast_in_dim3A_110 : f32 to vector<16x125xf32>
    %concatenate3A = tpu.concatenate %broadcast_in_dim3A_89, %broadcast_in_dim3A_99, %broadcast_in_dim3A_109, %broadcast_in_dim3A_111 in 1 : vector<16x1xf32>, vector<16x1xf32>, vector<16x1xf32>, vector<16x125xf32> -> vector<16x128xf32>
    %swap3A = arith.constant 0 : index
    %swap3A_112 = arith.constant 0 : index
    %swap3A_113 = vector.load %arg1[%swap3A, %swap3A_112] : memref<16x128xf32, #tpu.memory_space<vmem>>, vector<16x128xf32>
    tpu.vector_store %arg1[%swap3A, %swap3A_112], %concatenate3A {strides = array<i32>} : memref<16x128xf32, #tpu.memory_space<vmem>>, vector<16x128xf32>,
    return
  }
}

module attributes {stable_mosaic.version = 14 : i64} {
  func.func @_split_body(%arg0: i32, %arg1: memref<25600x3xf32, #tpu.memory_space<vmem>>, %arg2: memref<25600xf32, #tpu.memory_space<vmem>>, %arg3: memref<25600xf32, #tpu.memory_space<vmem>>, %arg4: memref<25600xf32, #tpu.memory_space<vmem>>) attributes {dimension_semantics = [#tpu.dimension_semantics<arbitrary>], iteration_bounds = array<i64: 125>, scalar_prefetch = 0 : i64, scratch_operands = 0 : i64, tpu.core_type = #tpu.core_type<tc>, window_params = [{transform_indices = @transform_0, window_bounds = array<i64: 25600, 3>}, {transform_indices = @transform_1, window_bounds = array<i64: 25600>}, {transform_indices = @transform_2, window_bounds = array<i64: 25600>}, {transform_indices = @transform_3, window_bounds = array<i64: 25600>}]} {
    %get3A = arith.constant 0 : index
    %get3A_0 = arith.constant 0 : index
    %get3A_1 = vector.load %arg1[%get3A, %get3A_0] : memref<25600x3xf32, #tpu.memory_space<vmem>>, vector<25600x3xf32>
    %transpose3A = tpu.transpose %get3A_1, [1, 0] : vector<25600x3xf32> -> vector<3x25600xf32>
    %slice3A = vector.extract_strided_slice %transpose3A {offsets = [0, 0], sizes = [1, 25600], strides = [1, 1]} : vector<3x25600xf32> to vector<1x25600xf32>
    %squeeze3A = vector.shape_cast %slice3A : vector<1x25600xf32> to vector<25600xf32>
    %swap3A = arith.constant 0 : index
    %swap3A_2 = vector.load %arg2[%swap3A] : memref<25600xf32, #tpu.memory_space<vmem>>, vector<25600xf32>
    tpu.vector_store %arg2[%swap3A], %squeeze3A {strides = array<i32>} : memref<25600xf32, #tpu.memory_space<vmem>>, vector<25600xf32>,
    %slice3A_3 = vector.extract_strided_slice %transpose3A {offsets = [1, 0], sizes = [1, 25600], strides = [1, 1]} : vector<3x25600xf32> to vector<1x25600xf32>
    %squeeze3A_4 = vector.shape_cast %slice3A_3 : vector<1x25600xf32> to vector<25600xf32>
    %swap3A_5 = arith.constant 0 : index
    %swap3A_6 = vector.load %arg3[%swap3A_5] : memref<25600xf32, #tpu.memory_space<vmem>>, vector<25600xf32>
    tpu.vector_store %arg3[%swap3A_5], %squeeze3A_4 {strides = array<i32>} : memref<25600xf32, #tpu.memory_space<vmem>>, vector<25600xf32>,
    %slice3A_7 = vector.extract_strided_slice %transpose3A {offsets = [2, 0], sizes = [1, 25600], strides = [1, 1]} : vector<3x25600xf32> to vector<1x25600xf32>
    %squeeze3A_8 = vector.shape_cast %slice3A_7 : vector<1x25600xf32> to vector<25600xf32>
    %swap3A_9 = arith.constant 0 : index
    %swap3A_10 = vector.load %arg4[%swap3A_9] : memref<25600xf32, #tpu.memory_space<vmem>>, vector<25600xf32>
    tpu.vector_store %arg4[%swap3A_9], %squeeze3A_8 {strides = array<i32>} : memref<25600xf32, #tpu.memory_space<vmem>>, vector<25600xf32>,
    return
  }
  func.func @transform_0(%arg0: i32) -> (i32, i32) {
    %c0_i32 = arith.constant 0 : i32
    %c0_i32_0 = arith.constant 0 : i32
    return %arg0, %c0_i32 : i32, i32
  }
  func.func @transform_1(%arg0: i32) -> i32 {
    %c0_i32 = arith.constant 0 : i32
    return %arg0 : i32
  }
  func.func @transform_2(%arg0: i32) -> i32 {
    %c0_i32 = arith.constant 0 : i32
    return %arg0 : i32
  }
  func.func @transform_3(%arg0: i32) -> i32 {
    %c0_i32 = arith.constant 0 : i32
    return %arg0 : i32
  }
}

</mosaic_0001>

<sc_bundles>
// kernel: kernel.5.cloned.1.call-start
scs
__scs_entry_jumppad:
0x0: {  	(pc) =	sbr.rel $0x88, $3  }
0x1: {  	(tag) =	ssettag $0x0;
	lr =	simm.s32 $0x1  }
0x2: {  	[smem:$0x3F9F] =	sst lr;
	_ =	strace $0xD0000000  }
0x3: {  	_ = 	snop  }
0x4: {  	_ = 	snop  }
0x5: {  	_ = 	snop  }
0x6: {  	_ = 	snop  }
0x7: {  	_ = 	snop  }
__scs_overlays_trampoline_lowered:
0x8: {  	[smem:$0x3FAE] =	sst s0  }
0x9: {  	[smem:$0x3FAF] =	sst s1  }
0xa: {  	[smem:$0x3FB0] =	sst s2  }
0xb: {  	[smem:$0x3FB1] =	sst s3  }
0xc: {  	[smem:$0x3FB2] =	sst s4  }
0xd: {  	[smem:$0x3FB3] =	sst s5  }
0xe: {  	[smem:$0x3FB4] =	sst s6  }
0xf: {  	[smem:$0x3FB5] =	sst s7  }
0x10: {  	[smem:$0x3FB6] =	sst s8  }
0x11: {  	[smem:$0x3FB7] =	sst s9;
	s0 =	simm.s32 @!p0 $0x0  }
0x12: {  	s1 =	sld [smem:$0x3F9D];
	s0 =	simm.s32 @p0 $0x1  }
0x13: {  	[smem:$0x3FB8] =	sst s0;
	s0 =	simm.s32 @!p1 $0x0  }
0x14: {  	s2 =	sld [smem:$0x3F9C];
	s0 =	simm.s32 @p1 $0x1  }
0x15: {  	[smem:$0x3FB9] =	sst s0;
	s0 =	simm.s32 @!p2 $0x0  }
0x16: {  	s3 =	sld [smem:$0x3FDB];
	s0 =	simm.s32 @p2 $0x1  }
0x17: {  	s4 =	simm.s32 $0x1BF5;
	[smem:$0x3FBB] =	sst s0  }
0x18: {  	s0 =	sld [smem:$0x3F9E];
	_ =	swait.ge [sflag:s4], $0x0  }
0x19: {  	s7 =	sld [smem:$0x3F9F]  }
0x1a: {  	s8 =	sadd.s32 $0xFFFFE003, lr  }
0x1b: {  	s9 =	sadd.s32 $0xFFFFFEF7, lr;
	s5 =	simm.s32 $0xFFFFFFFF;
	p2 =	slt.u32 s8, $0xFFFFF086  }
0x1c: {  	p1 =	slt.u32 s9, $0xF7A;
	s5 =	simm.s32 @!p2 $0x0  }
0x1d: {  	s5 =	simm.s32 @p1 $0x1;
	p0 =	seq.s32 s7, s2  }
0x1e: {  	s7 =	smul.u32 @!p0 $0xF7A, s2;
	p2 =	seq.s32 @!p0 s5, $0x0  }
0x1f: {  	s9 =	smul.u32 $0xF7A, s1;
	s8 =	simm.s32 @!p0 $0x1BF5;
	p2 =	por !p2, p0  }
0x20: {  	[sflag:s8] =	ssyncset.s32 @!p0 $0xFFFFF086;
	s6 =	sadd.s32 @!p0 s3, s7;
	s7 =	simm.s32 @!p0 $0x108  }
0x21: {  	s3 =	sadd.s32 s3, s9;
	s6 =	sadd.s32 @!p0 $0x88, s6;
	s7 =	simm.s32 @p2 $0x1082  }
0x22: {  	[simem:s7], [sflag:s8] =	dma.local @!p0 [hbm:s6], $0xF7A  }
0x23: {  	s9 =	sor.u32 $0xD0000000, s2;
	s6 =	simm.s32 $0x108;
	_ =	swait.ge @!p0 [sflag:s8], $0x0  }
0x24: {  	s3 =	sadd.s32 $0x88, s3;
	s6 =	simm.s32 @!p1 $0x1082;
	[sflag:s4] =	ssyncset.s32 $0xFFFFF086  }
0x25: {  	[simem:s6], [sflag:s4] =	dma.local [hbm:s3], $0xF7A  }
0x26: {  	[smem:$0x3F9F] =	sst s1;
	(tag) =	ssettag s2;
	_ =	strace s9  }
0x27: {  	s1 =	sld [smem:$0x3FAF]  }
0x28: {  	s2 =	sld [smem:$0x3FB0]  }
0x29: {  	s4 =	sld [smem:$0x3FB2]  }
0x2a: {  	p0 =	seq.s32 s5, $0x0;
	s5 =	sld [smem:$0x3FB3]  }
0x2b: {  	s6 =	sld [smem:$0x3FB4]  }
0x2c: {  	s7 =	sld [smem:$0x3FB5]  }
0x2d: {  	s3 =	simm.s32 $0x108;
	s8 =	sld [smem:$0x3FB6]  }
0x2e: {  	s3 =	simm.s32 @!p0 $0x1082;
	s9 =	sld [smem:$0x3FB7]  }
0x2f: {  	lr =	sadd.s32 s0, s3;
	s0 =	sld [smem:$0x3FAE]  }
0x30: {  	s3 =	sld [smem:$0x3FB1]  }
0x31: {  	[smem:$0x3FBA] =	sst s10  }
0x32: {  	s10 =	sld [smem:$0x3FB8];
	_ =	sdelay $0x3  }
0x33: {  	p0 =	seq.s32 s10, $0x1;
	s10 =	sld [smem:$0x3FBA];
	_ =	sdelay $0x3  }
0x34: {  	[smem:$0x3FBA] =	sst s10  }
0x35: {  	s10 =	sld [smem:$0x3FB9];
	_ =	sdelay $0x3  }
0x36: {  	p1 =	seq.s32 s10, $0x1;
	s10 =	sld [smem:$0x3FBA];
	_ =	sdelay $0x3  }
0x37: {  	[smem:$0x3FBA] =	sst s10  }
0x38: {  	s10 =	sld [smem:$0x3FBB]  }
0x39: {  	_ = 	snop;
	(pc) =	sbr.ind lr, $3  }
0x3a: {  	_ = 	snop  }
0x3b: {  	_ = 	snop  }
0x3c: {  	p2 =	seq.s32 s10, $0x1;
	s10 =	sld [smem:$0x3FBA]  }
0x3d: {  	_ =	shalt  }
0x3e: {  	_ =	shalt  }
0x3f: {  	_ =	shalt  }
0x40: {  	_ =	shalt  }
0x41: {  	_ =	shalt  }
0x42: {  	_ =	shalt  }
0x43: {  	_ =	shalt  }
0x44: {  	_ =	shalt  }
0x45: {  	_ =	shalt  }
0x46: {  	_ =	shalt  }
0x47: {  	_ =	shalt  }
0x48: {  	_ =	shalt  }
0x49: {  	_ =	shalt  }
0x4a: {  	_ =	shalt  }
0x4b: {  	_ =	shalt  }
0x4c: {  	_ =	shalt  }
0x4d: {  	_ =	shalt  }
0x4e: {  	_ =	shalt  }
0x4f: {  	_ =	shalt  }
0x50: {  	_ =	shalt  }
0x51: {  	_ =	shalt  }
0x52: {  	_ =	shalt  }
0x53: {  	_ =	shalt  }
0x54: {  	_ =	shalt  }
0x55: {  	_ =	shalt  }
0x56: {  	_ =	shalt  }
0x57: {  	_ =	shalt  }
0x58: {  	_ =	shalt  }
0x59: {  	_ =	shalt  }
0x5a: {  	_ =	shalt  }
0x5b: {  	_ =	shalt  }
0x5c: {  	_ =	shalt  }
0x5d: {  	_ =	shalt  }
0x5e: {  	_ =	shalt  }
0x5f: {  	_ =	shalt  }
0x60: {  	_ =	shalt  }
0x61: {  	_ =	shalt  }
0x62: {  	_ =	shalt  }
0x63: {  	_ =	shalt  }
0x64: {  	_ =	shalt  }
0x65: {  	_ =	shalt  }
0x66: {  	_ =	shalt  }
0x67: {  	_ =	shalt  }
0x68: {  	_ =	shalt  }
0x69: {  	_ =	shalt  }
0x6a: {  	_ =	shalt  }
0x6b: {  	_ =	shalt  }
0x6c: {  	_ =	shalt  }
0x6d: {  	_ =	shalt  }
0x6e: {  	_ =	shalt  }
0x6f: {  	_ =	shalt  }
0x70: {  	_ =	shalt  }
0x71: {  	_ =	shalt  }
0x72: {  	_ =	shalt  }
0x73: {  	_ =	shalt  }
0x74: {  	_ =	shalt  }
0x75: {  	_ =	shalt  }
0x76: {  	_ =	shalt  }
0x77: {  	_ =	shalt  }
0x78: {  	_ =	shalt  }
0x79: {  	_ =	shalt  }
0x7a: {  	_ =	shalt  }
0x7b: {  	_ =	shalt  }
0x7c: {  	_ =	shalt  }
0x7d: {  	_ =	shalt  }
0x7e: {  	_ =	shalt  }
0x7f: {  	_ =	shalt  }
0x80: {  	_ =	shalt  }
0x81: {  	_ =	shalt  }
0x82: {  	_ =	shalt  }
0x83: {  	_ =	shalt  }
0x84: {  	_ =	shalt  }
0x85: {  	_ =	shalt  }
0x86: {  	_ =	shalt  }
0x87: {  	_ =	shalt  }
.Lfunc_end0:
.L_simem_size_0:
called_computation_lowered:
.L_overlay_start_0:
0x88: {  	s2 =	sld [smem:$0x3FD9]  }
0x89: {  	s3 =	sld [smem:$0x3FFE];
	_ =	sdelay $0x1  }
0x8a: {  	s1 =	srdreg.scid  }
0x8b: {  	s0 =	sand.u32 $0x1, s1  }
0x8c: {  	s17 =	sshll.u32 s0, $0xA;
	s2 =	sadd.s32 s3, s2  }
0x8d: {  	s2 =	sadd.s32 s2, s17  }
0x8e: {  	[smem:$0x3FC6] =	sst s2  }
0x8f: {  	_ = 	snop  }
0x90: {  	s2 =	sld [smem:$0x3FC8];
	(tm) =	ssettm $0x1  }
0x91: {  	s18 =	sld [smem:$0x3FFB];
	_ =	sdelay $0x3  }
0x92: {  	_ =	strace s18  }
0x93: {  	s3 =	sld [smem:$0x3FFC];
	_ =	sdelay $0x3  }
0x94: {  	_ =	strace s3  }
0x95: {  	s3 =	sld [smem:$0x3FFD];
	_ =	sdelay $0x3  }
0x96: {  	_ =	strace s3  }
0x97: {  	_ =	strace $0x8FFFFFFF  }
0x98: {  	s19 =	sld [smem:$0x3FDB];
	_ =	sdelay $0x1  }
0x99: {  	s4 =	simm.s32 $_scs_section_size  }
0x9a: {  	s5 =	simm.s32 $_size__tile_overlayer_lowered;
	s6 =	simm.s32 $_tile_overlayer_lowered  }
0x9b: {  	s22 =	simm.s32 $0x1BFF;
	s21 =	sshll.u32 s6, $0x1;
	s3 =	sadd.s32 s4, s19  }
0x9c: {  	s7 =	simm.s32 $0x0;
	s20 =	sshll.u32 s5, $0x1;
	s5 =	sadd.s32 s21, s3  }
0x9d: {  	[timem:s7], [sflag:s22] =	dma.local [hbm:s5], s20  }
0x9e: {  	_ =	swait.ge [sflag:s22], s20  }
0x9f: {  	s4 =	ssub.s32 $0x0, s20;
	[sflag:s22] =	ssyncset.done $0x0  }
0xa0: {  	[sflag:s22] =	ssyncadd.s32 s4;
	_ =	sdelay $0x1  }
0xa1: {  	s23 =	simm.s32 $0x1B8B  }
0xa2: {  	_ =	swait.ge [sflag:s23], $0x1  }
0xa3: {  	[sflag:s23] =	ssyncset.done $0x0  }
0xa4: {  	s25 =	simm.s32 $0x1B8E;
	s24 =	sld [smem:$0x3FFE];
	[sflag:s23] =	ssyncadd.s32 $0xFFFFFFFF  }
0xa5: {  	s26 =	simm.s32 $execute0_lowered;
	[smem:$0x3FD2] =	sst s25  }
0xa6: {  	s5 =	sshll.u32 s26, $0x1;
	_ =	strace $0x80000046;
	[dreg:$0x1] =	wrdreg $0xFFFFFFFF  }
0xa7: {  	s28 =	simm.s32 $_size_execute0_lowered;
	s3 =	sadd.s32 s3, s5;
	[dreg:$0x0] =	wrdreg $0x0  }
0xa8: {  	s5 =	sshll.u32 s28, $0x1;
	[dreg:$0x2] =	wrdreg s3  }
0xa9: {  	[dreg:$0x3] =	wrdreg s5  }
0xaa: {  	[dreg:$0x4] =	wrdreg $0xC0  }
0xab: {  	_ =	task [dreg:s7], $0x5FFFF  }
0xac: {  	[dreg:$0x1] =	wrdreg $0xFFFFFFFF  }
0xad: {  	[dreg:$0x0] =	wrdreg $0x60  }
0xae: {  	[dreg:$0x2] =	wrdreg s24  }
0xaf: {  	[dreg:$0x3] =	wrdreg s2  }
0xb0: {  	[dreg:$0x4] =	wrdreg $0x9  }
0xb1: {  	_ =	task.clear_ibuf [dreg:s7], $0x5FFFF;
	_ =	strace $0x90000046  }
0xb2: {  	s29 =	simm.s32 $0x9;
	_ =	strace $0x80000048  }
0xb3: {  	_ =	swait.ge [sflag:s29], $0x1  }
0xb4: {  	[sflag:s29] =	ssyncadd.s32 $0xFFFFFFFF  }
0xb5: {  	_ =	strace $0x90000048  }
0xb6: {  	_ =	sfence  }
0xb7: {  	s30 =	sld [smem:$0x0];
	_ =	sdelay $0x2  }
0xb8: {  	s31 =	sshll.u32 s1, $0xD;
	s1 =	sshrl.u32 s1, $0x2  }
0xb9: {  	s3 =	sand.u32 $0x4000, s31;
	s1 =	sadd.s32 s1, s30  }
0xba: {  	s0 =	sor.u32 s3, s0;
	s1 =	sshll.u32 s1, $0x11  }
0xbb: {  	s0 =	sor.u32 s1, s0  }
0xbc: {  	s0 =	sadd.s32 $0x8F2B, s0  }
0xbd: {  	[sflag:s0] =	ssyncadd.remote.s32 $0x1  }
0xbe: {  	_ =	sfence.sel $0xFFFF  }
0xbf: {  	[dreg:$0x0] =	wrdreg $0xFFFFFFFF;
	(pc) =	sbr.abs _section_cstart, $3  }
0xc0: {  	[dreg:$0x1] =	wrdreg $0xFFFFFFFF  }
0xc1: {  	_ =	task.clear_ibuf [dreg:s7], $0x2FFFF;
	_ =	strace $0x9FFFFFFF  }
0xc2: {  	(tm) =	ssettm $0x7FFFFFFF  }
0xc3: {  	_ =	shalt  }
tec
execute0_lowered:
.L_overlay_start_1:
0x0: {  	(tag) =	ssettag $0x1  }
0x1: {  	s7 =	rddreg [dreg:$0x0]  }
0x2: {  	s2 =	rddreg [dreg:$0x1]  }
0x3: {  	s3 =	srdreg.scid;
	s1 =	stileid.u32  }
0x4: {  	s0 =	rddreg [dreg:$0x2];
	s12 =	simm.s32 $0x9E80;
	s13 =	simm.s32 $0x2780  }
0x5: {  	s14 =	simm.s32 $0x4F00;
	s15 =	simm.s32 $0x80;
	s16 =	simm.s32 $0x400  }
0x6: {  	s17 =	simm.s32 $0x9F00;
	s18 =	simm.s32 $0x7680;
	s5 =	sand.u32 $0x1, s3  }
0x7: {  	s4 =	sshll.u32 s1, $0x1;
	s3 =	simm.s32 $0x0;
	s29 =	sshrl.u32 s1, $0x2  }
0x8: {  	s8 =	sor.u32 s5, s4;
	[smem:$0x7FF] =	sst s3;
	s6 =	smul.u32 $0x1800, s29  }
0x9: {  	s4 =	sadd.s32 $0xA00, s7;
	s31 =	ssub.s32 $0x2, s5;
	s30 =	sshll.u32 s8, $0x7  }
.Ltmp0:
0xa: {  	s5 =	sadd.s32 $0x30D4A00, s7;
	s9 =	sand.u32 $0x380, s30;
	(pc) =	sbr.rel .LBB2_1-.Ltmp0, $4  }
0xb: {  	_ =	strace $0x80000047;
	s11 =	sshrl.u32 s31, $0x1;
	s6 =	sor.u32 s6, s9  }
0xc: {  	s9 =	ssub.s32 s31, s11;
	s11 =	simm.s32 $0x1;
	s10 =	sshrl.u32 s6, $0x3  }
0xd: {  	s6 =	sadd.s32 $0x3136600, s7;
	s9 =	smax.u32 s9, $0x1;
	s10 =	sadd.s32 s10, s7  }
0xe: {  	v0 =	vimm.f32 $-Inf;
	s7 =	smul.u32 $0x186A0, s8;
	s8 =	sadd.s32 $0x62600, s10;
	s10 =	simm.s32 $0x9E00  }
.LBB2_71:
0xf: {  	s3 =	sadd.s32 $0x1, s3  }
0x10: {  	p0 =	sne.s32 s3, s9  }
.Ltmp1:
0x11: {  	_ = 	snop;
	(pc) =	sbr.rel @!p0 .LBB2_72-.Ltmp1, $4  }
0x12: {  	[hbm4b:s8+s15] =	stream.strided.scatter [tilespmem:s17], [sflag:$0x1], $0x300, s16, s15, $0x38;
	[tilespmem:$0xA200] =	vst v63  }
0x13: {  	_ =	swait.ge [sflag:s11], $0x300  }
0x14: {  	[sflag:s11] =	ssyncset.done $0x0  }
0x15: {  	[sflag:s11] =	ssyncadd.s32 $0xFFFFFD00  }
.LBB2_1:
0x16: {  	[tilespmem:$0x9F00] =	vst v0  }
0x17: {  	[tilespmem:$0x9F10] =	vst v0  }
0x18: {  	[tilespmem:$0x9F20] =	vst v0  }
0x19: {  	[tilespmem:$0x9F30] =	vst v0  }
0x1a: {  	[tilespmem:$0x9F40] =	vst v0  }
0x1b: {  	[tilespmem:$0x9F50] =	vst v0  }
0x1c: {  	[tilespmem:$0x9F60] =	vst v0  }
0x1d: {  	[tilespmem:$0x9F70] =	vst v0  }
0x1e: {  	[tilespmem:$0x9F80] =	vst v0  }
0x1f: {  	[tilespmem:$0x9F90] =	vst v0  }
0x20: {  	[tilespmem:$0x9FA0] =	vst v0  }
0x21: {  	[tilespmem:$0x9FB0] =	vst v0  }
0x22: {  	[tilespmem:$0x9FC0] =	vst v0  }
0x23: {  	[tilespmem:$0x9FD0] =	vst v0  }
0x24: {  	[tilespmem:$0x9FE0] =	vst v0  }
0x25: {  	[tilespmem:$0x9FF0] =	vst v0  }
0x26: {  	[tilespmem:$0xA000] =	vst v0  }
0x27: {  	[tilespmem:$0xA010] =	vst v0  }
0x28: {  	[tilespmem:$0xA020] =	vst v0  }
0x29: {  	[tilespmem:$0xA030] =	vst v0  }
0x2a: {  	[tilespmem:$0xA040] =	vst v0  }
0x2b: {  	[tilespmem:$0xA050] =	vst v0  }
0x2c: {  	[tilespmem:$0xA060] =	vst v0  }
0x2d: {  	[tilespmem:$0xA070] =	vst v0  }
0x2e: {  	[tilespmem:$0xA080] =	vst v0  }
0x2f: {  	[tilespmem:$0xA090] =	vst v0  }
0x30: {  	[tilespmem:$0xA0A0] =	vst v0  }
0x31: {  	[tilespmem:$0xA0B0] =	vst v0  }
0x32: {  	[tilespmem:$0xA0C0] =	vst v0  }
0x33: {  	[tilespmem:$0xA0D0] =	vst v0  }
0x34: {  	[tilespmem:$0xA0E0] =	vst v0  }
0x35: {  	[tilespmem:$0xA0F0] =	vst v0  }
0x36: {  	[tilespmem:$0xA100] =	vst v0  }
0x37: {  	[tilespmem:$0xA110] =	vst v0  }
0x38: {  	[tilespmem:$0xA120] =	vst v0  }
0x39: {  	[tilespmem:$0xA130] =	vst v0  }
0x3a: {  	[tilespmem:$0xA140] =	vst v0  }
0x3b: {  	[tilespmem:$0xA150] =	vst v0  }
0x3c: {  	[tilespmem:$0xA160] =	vst v0  }
0x3d: {  	[tilespmem:$0xA170] =	vst v0  }
0x3e: {  	[tilespmem:$0xA180] =	vst v0  }
0x3f: {  	[tilespmem:$0xA190] =	vst v0  }
0x40: {  	[tilespmem:$0xA1A0] =	vst v0  }
.Ltmp2:
0x41: {  	[tilespmem:$0xA1B0] =	vst v0;
	(pc) =	sbr.rel .LBB2_2-.Ltmp2, $4  }
0x42: {  	[tilespmem:$0xA1C0] =	vst v0  }
0x43: {  	[tilespmem:$0xA1D0] =	vst v0  }
0x44: {  	[tilespmem:$0xA1E0] =	vst v0  }
0x45: {  	[tilespmem:$0xA1F0] =	vst v0;
	s19 =	simm.s32 $0x0  }
.LBB2_70:
0x46: {  	s19 =	sadd.s32 $0x1, s19  }
0x47: {  	p0 =	sne.s32 s19, $0xA  }
.Ltmp3:
0x48: {  	_ = 	snop;
	(pc) =	sbr.rel @!p0 .LBB2_71-.Ltmp3, $1  }
0x49: {  	_ =	sdelay $0x3  }
.LBB2_2:
0x4a: {  	s20 =	smul.u32 $0x2710, s19;
	_ =	sdelay $0x1  }
0x4b: {  	s20 =	sadd.s32 s7, s20  }
0x4c: {  	s20 =	sshrl.u32 s20, $0x3  }
0x4d: {  	s22 =	simm.s32 $0x0;
	s23 =	sadd.s32 s2, s20  }
0x4e: {  	[tilespmem:s10], [sflag:$0x1] =	stream.linear.gather [hbm4b:s23+s22], $0x10, $0x38;
	[tilespmem:$0xA200] =	vst v63  }
0x4f: {  	_ =	swait.ge [sflag:s11], $0x10  }
0x50: {  	[sflag:s11] =	ssyncset.done $0x0  }
0x51: {  	s21 =	sadd.s32 $0x4E0, s23;
	[sflag:s11] =	ssyncadd.s32 $0xFFFFFFF0  }
0x52: {  	[tilespmem:s12], [sflag:$0x1] =	stream.linear.gather [hbm4b:s21+s22], $0x10, $0x38;
	[tilespmem:$0xA200] =	vst v63  }
0x53: {  	_ =	swait.ge [sflag:s11], $0x10  }
0x54: {  	[sflag:s11] =	ssyncset.done $0x0  }
0x55: {  	s30 =	sadd.s32 s4, s20;
	[sflag:s11] =	ssyncadd.s32 $0xFFFFFFF0  }
0x56: {  	[tilespmem:s22], [sflag:$0x1] =	stream.linear.gather [hbm4b:s30+s22], $0x2710, $0x38;
	[tilespmem:$0xA200] =	vst v63  }
0x57: {  	_ =	swait.ge [sflag:s11], $0x2710  }
0x58: {  	[sflag:s11] =	ssyncset.done $0x0  }
0x59: {  	s31 =	sadd.s32 s5, s20;
	[sflag:s11] =	ssyncadd.s32 $0xFFFFD8F0  }
0x5a: {  	[tilespmem:s13], [sflag:$0x1] =	stream.linear.gather [hbm4b:s31+s22], $0x2710, $0x38;
	[tilespmem:$0xA200] =	vst v63  }
0x5b: {  	_ =	swait.ge [sflag:s11], $0x2710  }
0x5c: {  	[sflag:s11] =	ssyncset.done $0x0  }
0x5d: {  	s20 =	sadd.s32 s6, s20;
	[sflag:s11] =	ssyncadd.s32 $0xFFFFD8F0  }
0x5e: {  	[tilespmem:s14], [sflag:$0x1] =	stream.linear.gather [hbm4b:s20+s22], $0x2710, $0x38;
	[tilespmem:$0xA200] =	vst v63  }
0x5f: {  	_ =	swait.ge [sflag:s11], $0x2710  }
0x60: {  	[sflag:s11] =	ssyncset.done $0x0  }
0x61: {  	[sflag:s11] =	ssyncadd.s32 $0xFFFFD8F0  }
0x62: {  	v1 =	vld [tilespmem:$0x9E00]  }
0x63: {  	v2 =	vld [tilespmem:$0x9E80];
	_ =	sdelay $0x3  }
0x64: {  	(v2sf) =	vpush v1, $0x0  }
0x65: {  	(v2sf) =	vpush v2, $0xF;
	_ =	sdelay $0xd  }
0x66: {  	s20 =	spop (v2sf)  }
0x67: {  	s21 =	spop (v2sf)  }
0x68: {  	p0 =	sne.s32 s20, s21  }
.Ltmp4:
0x69: {  	_ = 	snop;
	(pc) =	sbr.rel @p0 .LBB2_6-.Ltmp4, $1  }
0x6a: {  	_ =	sdelay $0x3  }
0x6b: {  	s23 =	simm.s32 $0xC0  }
0x6c: {  	s24 =	simm.s32 $0x2840;
	v1 =	vld [tilespmem:s23+$0xB0]  }
0x6d: {  	s21 =	simm.s32 $0x4FC0;
	v2 =	vld [tilespmem:s24+$0xB0]  }
0x6e: {  	s22 =	sand.u32 $0x3FF0, s22;
	v3 =	vld [tilespmem:s21+$0xB0]  }
0x6f: {  	v4 =	vld [tilespmem:s22+$0x180]  }
0x70: {  	v5 =	vld [tilespmem:s23+$0xA0]  }
0x71: {  	v6 =	vld [tilespmem:s24+$0xA0]  }
0x72: {  	v7 =	vld [tilespmem:s23+$0x90]  }
0x73: {  	v8 =	vld [tilespmem:s24+$0x90]  }
0x74: {  	v9 =	vld [tilespmem:s23+$0x80]  }
0x75: {  	v10 =	vld [tilespmem:s24+$0x80]  }
0x76: {  	v12 =	vld [tilespmem:s23+$0x70]  }
0x77: {  	v11 =	vld [tilespmem:s24+$0x70]  }
0x78: {  	v14 =	vld [tilespmem:s23+$0x60]  }
0x79: {  	v13 =	vld [tilespmem:s24+$0x60]  }
0x7a: {  	v16 =	vld [tilespmem:s23+$0x50]  }
0x7b: {  	v15 =	vld [tilespmem:s24+$0x50]  }
0x7c: {  	v19 =	vld [tilespmem:s23+$0x30]  }
0x7d: {  	v18 =	vld [tilespmem:s24+$0x30]  }
0x7e: {  	v17 =	vld [tilespmem:s21+$0x30]  }
0x7f: {  	v20 =	vld [tilespmem:s22+$0x100]  }
0x80: {  	v22 =	vld [tilespmem:s23+$0x20]  }
0x81: {  	v21 =	vld [tilespmem:s24+$0x20]  }
0x82: {  	v24 =	vld [tilespmem:s23+$0x10]  }
0x83: {  	v23 =	vld [tilespmem:s24+$0x10]  }
0x84: {  	v26 =	vld [tilespmem:s23+$0x0]  }
0x85: {  	v25 =	vld [tilespmem:s24+$0x0]  }
0x86: {  	v28 =	vld [tilespmem:s23+$0xFFFFFFF0]  }
0x87: {  	v27 =	vld [tilespmem:s24+$0xFFFFFFF0]  }
0x88: {  	v30 =	vld [tilespmem:s23+$0xFFFFFFE0]  }
0x89: {  	v29 =	vld [tilespmem:s24+$0xFFFFFFE0]  }
0x8a: {  	v32 =	vld [tilespmem:s23+$0xFFFFFFD0]  }
0x8b: {  	v31 =	vld [tilespmem:s24+$0xFFFFFFD0]  }
0x8c: {  	v35 =	vld [tilespmem:s23+$0xFFFFFFB0]  }
0x8d: {  	v34 =	vld [tilespmem:s24+$0xFFFFFFB0]  }
0x8e: {  	v33 =	vld [tilespmem:s21+$0xFFFFFFB0]  }
0x8f: {  	v36 =	vld [tilespmem:s22+$0x80]  }
0x90: {  	v41 =	vld [tilespmem:s23+$0xFFFFFFA0]  }
0x91: {  	v40 =	vld [tilespmem:s24+$0xFFFFFFA0]  }
0x92: {  	v43 =	vld [tilespmem:s23+$0xFFFFFF90]  }
0x93: {  	v42 =	vld [tilespmem:s24+$0xFFFFFF90]  }
0x94: {  	v45 =	vld [tilespmem:s23+$0xFFFFFF80]  }
0x95: {  	v44 =	vld [tilespmem:s24+$0xFFFFFF80]  }
0x96: {  	v47 =	vld [tilespmem:s23+$0xFFFFFF70]  }
0x97: {  	v46 =	vld [tilespmem:s24+$0xFFFFFF70]  }
0x98: {  	v49 =	vld [tilespmem:s23+$0xFFFFFF60]  }
0x99: {  	v48 =	vld [tilespmem:s24+$0xFFFFFF60]  }
0x9a: {  	v51 =	vld [tilespmem:s23+$0xFFFFFF50]  }
0x9b: {  	v50 =	vld [tilespmem:s24+$0xFFFFFF50]  }
0x9c: {  	v52 =	vld [tilespmem:s23+$0xFFFFFF40]  }
0x9d: {  	v53 =	vld [tilespmem:s24+$0xFFFFFF40]  }
0x9e: {  	v38 =	vimm.f32 $-Inf;
	s25 =	simm.s32 $0x190;
	v39 =	vimm.f32 $-Inf;
	v37 =	vimm.f32 $-Inf;
	v54 =	vld [tilespmem:s21+$0xFFFFFF40]  }
.LBB2_4:
0x9f: {  	p0 =	sne.s32 s25, $0x2580;
	v55 =	vld [tilespmem:s21+$0xFFFFFF50]  }
0xa0: {  	v56 =	vld [tilespmem:s21+$0xFFFFFF60]  }
0xa1: {  	v57 =	vld [tilespmem:s21+$0xFFFFFF70]  }
0xa2: {  	v58 =	vld [tilespmem:s21+$0xFFFFFF80]  }
0xa3: {  	v38 =	vmax.f32 v38, v52;
	v39 =	vmax.f32 v39, v53;
	v37 =	vmax.f32 v37, v54;
	v52 =	vld [tilespmem:s21+$0xFFFFFF90]  }
0xa4: {  	v38 =	vmax.f32 v38, v51;
	v39 =	vmax.f32 v39, v50;
	v37 =	vmax.f32 v37, v55;
	v50 =	vld [tilespmem:s21+$0xFFFFFFA0]  }
0xa5: {  	v38 =	vmax.f32 v38, v49;
	v39 =	vmax.f32 v39, v48;
	v37 =	vmax.f32 v37, v56;
	v48 =	vld [tilespmem:s22+$0x2800]  }
0xa6: {  	v38 =	vmax.f32 v38, v47;
	v39 =	vmax.f32 v39, v46;
	v37 =	vmax.f32 v37, v57;
	v46 =	vld [tilespmem:s22+$0x4F80]  }
0xa7: {  	v38 =	vmax.f32 v38, v45;
	v39 =	vmax.f32 v39, v44;
	v37 =	vmax.f32 v37, v58;
	v44 =	vld [tilespmem:s21+$0xFFFFFFD0]  }
0xa8: {  	v38 =	vmax.f32 v38, v43;
	v39 =	vmax.f32 v39, v42;
	v37 =	vmax.f32 v37, v52;
	v42 =	vld [tilespmem:s21+$0xFFFFFFE0]  }
0xa9: {  	v38 =	vmax.f32 v38, v41;
	v39 =	vmax.f32 v39, v40;
	v37 =	vmax.f32 v37, v50;
	v40 =	vld [tilespmem:s21+$0xFFFFFFF0]  }
0xaa: {  	v35 =	vmax.f32 v38, v35;
	v34 =	vmax.f32 v39, v34;
	v33 =	vmax.f32 v37, v33;
	v37 =	vld [tilespmem:s21+$0x0]  }
0xab: {  	v35 =	vmax.f32 v35, v36;
	v34 =	vmax.f32 v34, v48;
	v33 =	vmax.f32 v33, v46;
	v36 =	vld [tilespmem:s21+$0x10]  }
0xac: {  	v32 =	vmax.f32 v35, v32;
	v31 =	vmax.f32 v34, v31;
	v33 =	vmax.f32 v33, v44;
	v34 =	vld [tilespmem:s21+$0x20]  }
0xad: {  	v30 =	vmax.f32 v32, v30;
	v29 =	vmax.f32 v31, v29;
	v31 =	vmax.f32 v33, v42;
	v32 =	vld [tilespmem:s22+$0x2880]  }
0xae: {  	v28 =	vmax.f32 v30, v28;
	v27 =	vmax.f32 v29, v27;
	v29 =	vmax.f32 v31, v40;
	v30 =	vld [tilespmem:s22+$0x5000]  }
0xaf: {  	v26 =	vmax.f32 v28, v26;
	v25 =	vmax.f32 v27, v25;
	v27 =	vmax.f32 v29, v37;
	v28 =	vld [tilespmem:s21+$0x50]  }
0xb0: {  	v24 =	vmax.f32 v26, v24;
	v23 =	vmax.f32 v25, v23;
	v25 =	vmax.f32 v27, v36;
	v26 =	vld [tilespmem:s21+$0x60]  }
0xb1: {  	v22 =	vmax.f32 v24, v22;
	v21 =	vmax.f32 v23, v21;
	v23 =	vmax.f32 v25, v34;
	v24 =	vld [tilespmem:s21+$0x70]  }
0xb2: {  	v19 =	vmax.f32 v22, v19;
	v18 =	vmax.f32 v21, v18;
	v17 =	vmax.f32 v23, v17;
	v21 =	vld [tilespmem:s21+$0x80]  }
0xb3: {  	v19 =	vmax.f32 v19, v20;
	v18 =	vmax.f32 v18, v32;
	v17 =	vmax.f32 v17, v30;
	v20 =	vld [tilespmem:s21+$0x90]  }
0xb4: {  	v16 =	vmax.f32 v19, v16;
	v15 =	vmax.f32 v18, v15;
	v17 =	vmax.f32 v17, v28;
	v18 =	vld [tilespmem:s21+$0xA0]  }
0xb5: {  	v14 =	vmax.f32 v16, v14;
	v13 =	vmax.f32 v15, v13;
	v15 =	vmax.f32 v17, v26;
	v16 =	vld [tilespmem:s22+$0x2900]  }
0xb6: {  	s23 =	sadd.s32 $0x190, s23;
	v12 =	vmax.f32 v14, v12;
	v11 =	vmax.f32 v13, v11;
	v13 =	vmax.f32 v15, v24;
	v14 =	vld [tilespmem:s22+$0x5080]  }
0xb7: {  	s24 =	sadd.s32 $0x190, s24;
	v9 =	vmax.f32 v12, v9;
	v10 =	vmax.f32 v11, v10;
	v15 =	vld [tilespmem:s23+$0xB0];
	v11 =	vmax.f32 v13, v21  }
0xb8: {  	s21 =	sadd.s32 $0x190, s21;
	v7 =	vmax.f32 v9, v7;
	v8 =	vmax.f32 v10, v8;
	v12 =	vld [tilespmem:s24+$0xB0];
	v9 =	vmax.f32 v11, v20  }
0xb9: {  	s22 =	sand.u32 $0x3FF0, s25;
	v5 =	vmax.f32 v7, v5;
	v6 =	vmax.f32 v8, v6;
	v10 =	vld [tilespmem:s21+$0xB0];
	v7 =	vmax.f32 v9, v18  }
0xba: {  	v8 =	vmax.f32 v5, v1;
	v2 =	vmax.f32 v6, v2;
	v11 =	vld [tilespmem:s22+$0x180];
	v3 =	vmax.f32 v7, v3  }
0xbb: {  	v38 =	vmax.f32 v8, v4;
	v39 =	vmax.f32 v2, v16;
	v5 =	vld [tilespmem:s23+$0xA0];
	v37 =	vmax.f32 v3, v14  }
0xbc: {  	v6 =	vld [tilespmem:s24+$0xA0];
	v1 =	vmov v15  }
0xbd: {  	v7 =	vld [tilespmem:s23+$0x90];
	v2 =	vmov v12  }
0xbe: {  	v8 =	vld [tilespmem:s24+$0x90];
	v3 =	vmov v10  }
0xbf: {  	v9 =	vld [tilespmem:s23+$0x80];
	v4 =	vmov v11  }
0xc0: {  	v10 =	vld [tilespmem:s24+$0x80]  }
0xc1: {  	v12 =	vld [tilespmem:s23+$0x70]  }
0xc2: {  	v11 =	vld [tilespmem:s24+$0x70]  }
0xc3: {  	v14 =	vld [tilespmem:s23+$0x60]  }
0xc4: {  	v13 =	vld [tilespmem:s24+$0x60]  }
0xc5: {  	v16 =	vld [tilespmem:s23+$0x50]  }
0xc6: {  	v15 =	vld [tilespmem:s24+$0x50]  }
0xc7: {  	v19 =	vld [tilespmem:s23+$0x30]  }
0xc8: {  	v18 =	vld [tilespmem:s24+$0x30]  }
0xc9: {  	v17 =	vld [tilespmem:s21+$0x30]  }
0xca: {  	v20 =	vld [tilespmem:s22+$0x100]  }
0xcb: {  	v22 =	vld [tilespmem:s23+$0x20]  }
0xcc: {  	v21 =	vld [tilespmem:s24+$0x20]  }
0xcd: {  	v24 =	vld [tilespmem:s23+$0x10]  }
0xce: {  	v23 =	vld [tilespmem:s24+$0x10]  }
0xcf: {  	v26 =	vld [tilespmem:s23+$0x0]  }
0xd0: {  	v25 =	vld [tilespmem:s24+$0x0]  }
0xd1: {  	v28 =	vld [tilespmem:s23+$0xFFFFFFF0]  }
0xd2: {  	v27 =	vld [tilespmem:s24+$0xFFFFFFF0]  }
0xd3: {  	v30 =	vld [tilespmem:s23+$0xFFFFFFE0]  }
0xd4: {  	v29 =	vld [tilespmem:s24+$0xFFFFFFE0]  }
0xd5: {  	v32 =	vld [tilespmem:s23+$0xFFFFFFD0]  }
0xd6: {  	v31 =	vld [tilespmem:s24+$0xFFFFFFD0]  }
0xd7: {  	v35 =	vld [tilespmem:s23+$0xFFFFFFB0]  }
0xd8: {  	v34 =	vld [tilespmem:s24+$0xFFFFFFB0]  }
0xd9: {  	v33 =	vld [tilespmem:s21+$0xFFFFFFB0]  }
0xda: {  	v36 =	vld [tilespmem:s22+$0x80]  }
0xdb: {  	v41 =	vld [tilespmem:s23+$0xFFFFFFA0]  }
0xdc: {  	v40 =	vld [tilespmem:s24+$0xFFFFFFA0]  }
0xdd: {  	v43 =	vld [tilespmem:s23+$0xFFFFFF90]  }
0xde: {  	v42 =	vld [tilespmem:s24+$0xFFFFFF90]  }
0xdf: {  	v45 =	vld [tilespmem:s23+$0xFFFFFF80]  }
0xe0: {  	v44 =	vld [tilespmem:s24+$0xFFFFFF80]  }
0xe1: {  	v47 =	vld [tilespmem:s23+$0xFFFFFF70]  }
0xe2: {  	v46 =	vld [tilespmem:s24+$0xFFFFFF70]  }
0xe3: {  	v49 =	vld [tilespmem:s23+$0xFFFFFF60]  }
0xe4: {  	v48 =	vld [tilespmem:s24+$0xFFFFFF60]  }
.Ltmp5:
0xe5: {  	v51 =	vld [tilespmem:s23+$0xFFFFFF50];
	(pc) =	sbr.rel @p0 .LBB2_4-.Ltmp5, $4  }
0xe6: {  	v50 =	vld [tilespmem:s24+$0xFFFFFF50]  }
0xe7: {  	v52 =	vld [tilespmem:s23+$0xFFFFFF40]  }
0xe8: {  	v53 =	vld [tilespmem:s24+$0xFFFFFF40]  }
0xe9: {  	s25 =	sadd.s32 $0x190, s25;
	v54 =	vld [tilespmem:s21+$0xFFFFFF40]  }
0xea: {  	v55 =	vld [tilespmem:s21+$0xFFFFFF50]  }
0xeb: {  	v56 =	vld [tilespmem:s21+$0xFFFFFF60]  }
0xec: {  	v57 =	vld [tilespmem:s21+$0xFFFFFF70]  }
0xed: {  	v58 =	vld [tilespmem:s21+$0xFFFFFF80]  }
0xee: {  	v62 =	vld [tilespmem:s21+$0xFFFFFF90];
	v38 =	vmax.f32 v38, v52  }
0xef: {  	v63 =	vld [tilespmem:s21+$0xFFFFFFA0];
	v39 =	vmax.f32 v39, v53;
	v38 =	vmax.f32 v38, v51  }
0xf0: {  	v59 =	vld [tilespmem:s21+$0xFFFFFFD0];
	v37 =	vmax.f32 v37, v54;
	v39 =	vmax.f32 v39, v50;
	v38 =	vmax.f32 v38, v49  }
0xf1: {  	v60 =	vld [tilespmem:s21+$0xFFFFFFE0];
	v37 =	vmax.f32 v37, v55;
	v39 =	vmax.f32 v39, v48;
	v38 =	vmax.f32 v38, v47  }
0xf2: {  	v54 =	vld [tilespmem:s22+$0x2800];
	v37 =	vmax.f32 v37, v56;
	v39 =	vmax.f32 v39, v46;
	v38 =	vmax.f32 v38, v45  }
0xf3: {  	v55 =	vld [tilespmem:s22+$0x4F80];
	v37 =	vmax.f32 v37, v57;
	v39 =	vmax.f32 v39, v44;
	v38 =	vmax.f32 v38, v43  }
0xf4: {  	v61 =	vld [tilespmem:s21+$0xFFFFFFF0];
	v37 =	vmax.f32 v37, v58;
	v39 =	vmax.f32 v39, v42;
	v38 =	vmax.f32 v38, v41  }
0xf5: {  	v52 =	vld [tilespmem:s21+$0x90];
	v37 =	vmax.f32 v37, v62;
	v39 =	vmax.f32 v39, v40;
	v35 =	vmax.f32 v38, v35  }
0xf6: {  	v53 =	vld [tilespmem:s21+$0xA0];
	v37 =	vmax.f32 v37, v63;
	v34 =	vmax.f32 v39, v34;
	v35 =	vmax.f32 v35, v36  }
0xf7: {  	v62 =	vld [tilespmem:s21+$0x0];
	v33 =	vmax.f32 v37, v33;
	v34 =	vmax.f32 v34, v54;
	v32 =	vmax.f32 v35, v32  }
0xf8: {  	v63 =	vld [tilespmem:s21+$0x10];
	v33 =	vmax.f32 v33, v55;
	v31 =	vmax.f32 v34, v31;
	v30 =	vmax.f32 v32, v30  }
0xf9: {  	v39 =	vld [tilespmem:s21+$0x20];
	v33 =	vmax.f32 v33, v59;
	v29 =	vmax.f32 v31, v29;
	v28 =	vmax.f32 v30, v28  }
0xfa: {  	v40 =	vld [tilespmem:s22+$0x2880];
	v43 =	vmax.f32 v33, v60;
	v27 =	vmax.f32 v29, v27;
	v26 =	vmax.f32 v28, v26  }
0xfb: {  	v42 =	vld [tilespmem:s22+$0x5000];
	v45 =	vmax.f32 v43, v61;
	v25 =	vmax.f32 v27, v25;
	v24 =	vmax.f32 v26, v24  }
0xfc: {  	v44 =	vld [tilespmem:s21+$0x50];
	v47 =	vmax.f32 v45, v62;
	v23 =	vmax.f32 v25, v23;
	v22 =	vmax.f32 v24, v22  }
0xfd: {  	s20 =	smul.u32 $0xC0, s20;
	v46 =	vld [tilespmem:s21+$0x60];
	v49 =	vmax.f32 v47, v63;
	v21 =	vmax.f32 v23, v21;
	v19 =	vmax.f32 v22, v19  }
0xfe: {  	v48 =	vld [tilespmem:s21+$0x70];
	v51 =	vmax.f32 v49, v39;
	v18 =	vmax.f32 v21, v18;
	v19 =	vmax.f32 v19, v20  }
0xff: {  	s20 =	sshra.s32 s20, $0x2;
	v50 =	vld [tilespmem:s21+$0x80];
	v17 =	vmax.f32 v51, v17;
	v18 =	vmax.f32 v18, v40;
	v16 =	vmax.f32 v19, v16  }
0x100: {  	v57 =	vld [tilespmem:s20+$0x9F00];
	v17 =	vmax.f32 v17, v42;
	v15 =	vmax.f32 v18, v15;
	v14 =	vmax.f32 v16, v14  }
0x101: {  	v54 =	vld [tilespmem:s22+$0x2900];
	v17 =	vmax.f32 v17, v44;
	v13 =	vmax.f32 v15, v13;
	v12 =	vmax.f32 v14, v12  }
0x102: {  	v55 =	vld [tilespmem:s22+$0x5080];
	v56 =	vmax.f32 v17, v46;
	v11 =	vmax.f32 v13, v11;
	v9 =	vmax.f32 v12, v9  }
0x103: {  	v59 =	vld [tilespmem:s20+$0x9F10];
	v58 =	vmax.f32 v56, v48;
	v10 =	vmax.f32 v11, v10;
	v7 =	vmax.f32 v9, v7  }
0x104: {  	v61 =	vld [tilespmem:s20+$0x9F20];
	v60 =	vmax.f32 v58, v50;
	v8 =	vmax.f32 v10, v8;
	v5 =	vmax.f32 v7, v5  }
0x105: {  	v62 =	vmax.f32 v60, v52;
	v6 =	vmax.f32 v8, v6;
	v1 =	vmax.f32 v5, v1  }
.Ltmp6:
0x106: {  	v63 =	vmax.f32 v62, v53;
	v2 =	vmax.f32 v6, v2;
	v1 =	vmax.f32 v1, v4;
	(pc) =	sbr.rel .LBB2_70-.Ltmp6, $4  }
0x107: {  	v3 =	vmax.f32 v63, v3;
	v2 =	vmax.f32 v2, v54;
	v1 =	vmax.f32 v57, v1  }
0x108: {  	v3 =	vmax.f32 v3, v55;
	[tilespmem:s20+$0x9F00] =	vst v1;
	v1 =	vmax.f32 v59, v2  }
0x109: {  	[tilespmem:s20+$0x9F10] =	vst v1;
	v1 =	vmax.f32 v61, v3  }
0x10a: {  	[tilespmem:s20+$0x9F20] =	vst v1  }
.LBB2_6:
0x10b: {  	p0 =	sgt.s32 s20, $0x0  }
0x10c: {  	p1 =	slt.s32 @!p0 s21, $0x0  }
0x10d: {  	p0 =	por p0, p1  }
.Ltmp7:
0x10e: {  	_ = 	snop;
	(pc) =	sbr.rel @p0 .LBB2_10-.Ltmp7, $4  }
0x10f: {  	[tilespmem:s18], [sflag:$0x1] =	stream.linear.gather [hbm4b:s23+s22], $0x2710, $0x38;
	[tilespmem:$0xA200] =	vst v63  }
0x110: {  	_ =	swait.ge [sflag:s11], $0x2710  }
0x111: {  	[sflag:s11] =	ssyncset.done $0x0  }
0x112: {  	v1 =	vimm.f32 $-Inf;
	[sflag:s11] =	ssyncadd.s32 $0xFFFFD8F0  }
0x113: {  	s23 =	simm.s32 $0x0  }
0x114: {  	v6 =	vld [tilespmem:s23+$0x7680]  }
0x115: {  	v7 =	vld [tilespmem:s23+$0x0]  }
0x116: {  	v3 =	vld [tilespmem:s23+$0x2780]  }
0x117: {  	s22 =	simm.s32 $0x40;
	v5 =	vimm.f32 $-Inf;
	v2 =	vimm.f32 $-Inf;
	v4 =	vld [tilespmem:s23+$0x4F00]  }
.LBB2_8:
0x118: {  	p0 =	sne.s32 s22, $0x9C00  }
.Ltmp8:
0x119: {  	s23 =	sshra.s32 s22, $0x2;
	v8 =	vmov v6;
	(pc) =	sbr.rel @p0 .LBB2_8-.Ltmp8, $4  }
0x11a: {  	v6 =	vld [tilespmem:s23+$0x7680];
	v9 =	vmov v7  }
0x11b: {  	vm0 =	veq.s32 v8, $0x0;
	v7 =	vld [tilespmem:s23+$0x0]  }
0x11c: {  	s22 =	sadd.s32 $0x40, s22;
	v8 =	vmax.f32 v1, v9;
	v9 =	vmax.f32 v5, v3;
	v3 =	vld [tilespmem:s23+$0x2780];
	v10 =	vmax.f32 v2, v4  }
0x11d: {  	v1 =	vsel vm0, v8, v1;
	v5 =	vsel vm0, v9, v5;
	v4 =	vld [tilespmem:s23+$0x4F00];
	v2 =	vsel vm0, v10, v2  }
0x11e: {  	v8 =	vld [tilespmem:$0x9F00]  }
0x11f: {  	v9 =	vld [tilespmem:$0x9F10]  }
0x120: {  	v10 =	vld [tilespmem:$0x9F20]  }
0x121: {  	vm0 =	veq.s32 v6, $0x0;
	v63 =	vmax.f32 v1, v7  }
0x122: {  	v1 =	vsel vm0, v63, v1;
	v3 =	vmax.f32 v5, v3  }
0x123: {  	v3 =	vsel vm0, v3, v5;
	v4 =	vmax.f32 v2, v4;
	v1 =	vmax.f32 v8, v1  }
0x124: {  	v2 =	vsel vm0, v4, v2;
	[tilespmem:$0x9F00] =	vst v1;
	v1 =	vmax.f32 v9, v3  }
0x125: {  	[tilespmem:$0x9F10] =	vst v1;
	v1 =	vmax.f32 v10, v2  }
0x126: {  	[tilespmem:$0x9F20] =	vst v1  }
.LBB2_10:
0x127: {  	p0 =	sgt.s32 s20, $0x1  }
0x128: {  	p1 =	slt.s32 @!p0 s21, $0x1  }
0x129: {  	p0 =	por p0, p1  }
.Ltmp9:
0x12a: {  	_ = 	snop;
	(pc) =	sbr.rel @p0 .LBB2_14-.Ltmp9, $1  }
0x12b: {  	_ =	sdelay $0x3  }
0x12c: {  	s23 =	simm.s32 $0x0  }
0x12d: {  	v5 =	vld [tilespmem:s23+$0x7680]  }
0x12e: {  	v6 =	vld [tilespmem:s23+$0x0]  }
0x12f: {  	v1 =	vld [tilespmem:s23+$0x2780]  }
0x130: {  	v3 =	vimm.f32 $-Inf;
	s22 =	simm.s32 $0x40;
	v7 =	vimm.f32 $-Inf;
	v2 =	vimm.f32 $-Inf;
	v4 =	vld [tilespmem:s23+$0x4F00]  }
.LBB2_12:
0x131: {  	p0 =	sne.s32 s22, $0x9C00  }
.Ltmp10:
0x132: {  	s23 =	sshra.s32 s22, $0x2;
	v8 =	vmov v5;
	(pc) =	sbr.rel @p0 .LBB2_12-.Ltmp10, $4  }
0x133: {  	v5 =	vld [tilespmem:s23+$0x7680];
	v9 =	vmov v6  }
0x134: {  	vm0 =	veq.s32 v8, $0x1;
	v6 =	vld [tilespmem:s23+$0x0]  }
0x135: {  	s22 =	sadd.s32 $0x40, s22;
	v8 =	vmax.f32 v3, v9;
	v9 =	vmax.f32 v7, v1;
	v1 =	vld [tilespmem:s23+$0x2780];
	v10 =	vmax.f32 v2, v4  }
0x136: {  	v3 =	vsel vm0, v8, v3;
	v7 =	vsel vm0, v9, v7;
	v4 =	vld [tilespmem:s23+$0x4F00];
	v2 =	vsel vm0, v10, v2  }
0x137: {  	v8 =	vld [tilespmem:$0x9F30]  }
0x138: {  	v9 =	vld [tilespmem:$0x9F40]  }
0x139: {  	v10 =	vld [tilespmem:$0x9F50]  }
0x13a: {  	vm0 =	veq.s32 v5, $0x1;
	v63 =	vmax.f32 v3, v6  }
0x13b: {  	v3 =	vsel vm0, v63, v3;
	v1 =	vmax.f32 v7, v1  }
0x13c: {  	v1 =	vsel vm0, v1, v7;
	v4 =	vmax.f32 v2, v4;
	v3 =	vmax.f32 v8, v3  }
0x13d: {  	v2 =	vsel vm0, v4, v2;
	v1 =	vmax.f32 v9, v1;
	[tilespmem:$0x9F30] =	vst v3  }
0x13e: {  	[tilespmem:$0x9F40] =	vst v1;
	v1 =	vmax.f32 v10, v2  }
0x13f: {  	[tilespmem:$0x9F50] =	vst v1  }
.LBB2_14:
0x140: {  	p0 =	sgt.s32 s20, $0x2  }
0x141: {  	p1 =	slt.s32 @!p0 s21, $0x2  }
0x142: {  	p0 =	por p0, p1  }
.Ltmp11:
0x143: {  	_ = 	snop;
	(pc) =	sbr.rel @p0 .LBB2_18-.Ltmp11, $1  }
0x144: {  	_ =	sdelay $0x3  }
0x145: {  	s23 =	simm.s32 $0x0  }
0x146: {  	v5 =	vld [tilespmem:s23+$0x7680]  }
0x147: {  	v6 =	vld [tilespmem:s23+$0x0]  }
0x148: {  	v1 =	vld [tilespmem:s23+$0x2780]  }
0x149: {  	v3 =	vimm.f32 $-Inf;
	s22 =	simm.s32 $0x40;
	v7 =	vimm.f32 $-Inf;
	v2 =	vimm.f32 $-Inf;
	v4 =	vld [tilespmem:s23+$0x4F00]  }
.LBB2_16:
0x14a: {  	p0 =	sne.s32 s22, $0x9C00  }
.Ltmp12:
0x14b: {  	s23 =	sshra.s32 s22, $0x2;
	v8 =	vmov v5;
	(pc) =	sbr.rel @p0 .LBB2_16-.Ltmp12, $4  }
0x14c: {  	v5 =	vld [tilespmem:s23+$0x7680];
	v9 =	vmov v6  }
0x14d: {  	vm0 =	veq.s32 v8, $0x2;
	v6 =	vld [tilespmem:s23+$0x0]  }
0x14e: {  	s22 =	sadd.s32 $0x40, s22;
	v8 =	vmax.f32 v3, v9;
	v9 =	vmax.f32 v7, v1;
	v1 =	vld [tilespmem:s23+$0x2780];
	v10 =	vmax.f32 v2, v4  }
0x14f: {  	v3 =	vsel vm0, v8, v3;
	v7 =	vsel vm0, v9, v7;
	v4 =	vld [tilespmem:s23+$0x4F00];
	v2 =	vsel vm0, v10, v2  }
0x150: {  	v8 =	vld [tilespmem:$0x9F60]  }
0x151: {  	v9 =	vld [tilespmem:$0x9F70]  }
0x152: {  	v10 =	vld [tilespmem:$0x9F80]  }
0x153: {  	vm0 =	veq.s32 v5, $0x2;
	v63 =	vmax.f32 v3, v6  }
0x154: {  	v3 =	vsel vm0, v63, v3;
	v1 =	vmax.f32 v7, v1  }
0x155: {  	v1 =	vsel vm0, v1, v7;
	v4 =	vmax.f32 v2, v4;
	v3 =	vmax.f32 v8, v3  }
0x156: {  	v2 =	vsel vm0, v4, v2;
	v1 =	vmax.f32 v9, v1;
	[tilespmem:$0x9F60] =	vst v3  }
0x157: {  	[tilespmem:$0x9F70] =	vst v1;
	v1 =	vmax.f32 v10, v2  }
0x158: {  	[tilespmem:$0x9F80] =	vst v1  }
.LBB2_18:
0x159: {  	p0 =	sgt.s32 s20, $0x3  }
0x15a: {  	p1 =	slt.s32 @!p0 s21, $0x3  }
0x15b: {  	p0 =	por p0, p1  }
.Ltmp13:
0x15c: {  	_ = 	snop;
	(pc) =	sbr.rel @p0 .LBB2_22-.Ltmp13, $1  }
0x15d: {  	_ =	sdelay $0x3  }
0x15e: {  	s23 =	simm.s32 $0x0  }
0x15f: {  	v5 =	vld [tilespmem:s23+$0x7680]  }
0x160: {  	v6 =	vld [tilespmem:s23+$0x0]  }
0x161: {  	v1 =	vld [tilespmem:s23+$0x2780]  }
0x162: {  	v3 =	vimm.f32 $-Inf;
	s22 =	simm.s32 $0x40;
	v7 =	vimm.f32 $-Inf;
	v2 =	vimm.f32 $-Inf;
	v4 =	vld [tilespmem:s23+$0x4F00]  }
.LBB2_20:
0x163: {  	p0 =	sne.s32 s22, $0x9C00  }
.Ltmp14:
0x164: {  	s23 =	sshra.s32 s22, $0x2;
	v8 =	vmov v5;
	(pc) =	sbr.rel @p0 .LBB2_20-.Ltmp14, $4  }
0x165: {  	v5 =	vld [tilespmem:s23+$0x7680];
	v9 =	vmov v6  }
0x166: {  	vm0 =	veq.s32 v8, $0x3;
	v6 =	vld [tilespmem:s23+$0x0]  }
0x167: {  	s22 =	sadd.s32 $0x40, s22;
	v8 =	vmax.f32 v3, v9;
	v9 =	vmax.f32 v7, v1;
	v1 =	vld [tilespmem:s23+$0x2780];
	v10 =	vmax.f32 v2, v4  }
0x168: {  	v3 =	vsel vm0, v8, v3;
	v7 =	vsel vm0, v9, v7;
	v4 =	vld [tilespmem:s23+$0x4F00];
	v2 =	vsel vm0, v10, v2  }
0x169: {  	v8 =	vld [tilespmem:$0x9F90]  }
0x16a: {  	v9 =	vld [tilespmem:$0x9FA0]  }
0x16b: {  	v10 =	vld [tilespmem:$0x9FB0]  }
0x16c: {  	vm0 =	veq.s32 v5, $0x3;
	v63 =	vmax.f32 v3, v6  }
0x16d: {  	v3 =	vsel vm0, v63, v3;
	v1 =	vmax.f32 v7, v1  }
0x16e: {  	v1 =	vsel vm0, v1, v7;
	v4 =	vmax.f32 v2, v4;
	v3 =	vmax.f32 v8, v3  }
0x16f: {  	v2 =	vsel vm0, v4, v2;
	v1 =	vmax.f32 v9, v1;
	[tilespmem:$0x9F90] =	vst v3  }
0x170: {  	[tilespmem:$0x9FA0] =	vst v1;
	v1 =	vmax.f32 v10, v2  }
0x171: {  	[tilespmem:$0x9FB0] =	vst v1  }
.LBB2_22:
0x172: {  	p0 =	sgt.s32 s20, $0x4  }
0x173: {  	p1 =	slt.s32 @!p0 s21, $0x4  }
0x174: {  	p0 =	por p0, p1  }
.Ltmp15:
0x175: {  	_ = 	snop;
	(pc) =	sbr.rel @p0 .LBB2_26-.Ltmp15, $1  }
0x176: {  	_ =	sdelay $0x3  }
0x177: {  	s23 =	simm.s32 $0x0  }
0x178: {  	v5 =	vld [tilespmem:s23+$0x7680]  }
0x179: {  	v6 =	vld [tilespmem:s23+$0x0]  }
0x17a: {  	v1 =	vld [tilespmem:s23+$0x2780]  }
0x17b: {  	v3 =	vimm.f32 $-Inf;
	s22 =	simm.s32 $0x40;
	v7 =	vimm.f32 $-Inf;
	v2 =	vimm.f32 $-Inf;
	v4 =	vld [tilespmem:s23+$0x4F00]  }
.LBB2_24:
0x17c: {  	p0 =	sne.s32 s22, $0x9C00  }
.Ltmp16:
0x17d: {  	s23 =	sshra.s32 s22, $0x2;
	v8 =	vmov v5;
	(pc) =	sbr.rel @p0 .LBB2_24-.Ltmp16, $4  }
0x17e: {  	v5 =	vld [tilespmem:s23+$0x7680];
	v9 =	vmov v6  }
0x17f: {  	vm0 =	veq.s32 v8, $0x4;
	v6 =	vld [tilespmem:s23+$0x0]  }
0x180: {  	s22 =	sadd.s32 $0x40, s22;
	v8 =	vmax.f32 v3, v9;
	v9 =	vmax.f32 v7, v1;
	v1 =	vld [tilespmem:s23+$0x2780];
	v10 =	vmax.f32 v2, v4  }
0x181: {  	v3 =	vsel vm0, v8, v3;
	v7 =	vsel vm0, v9, v7;
	v4 =	vld [tilespmem:s23+$0x4F00];
	v2 =	vsel vm0, v10, v2  }
0x182: {  	v8 =	vld [tilespmem:$0x9FC0]  }
0x183: {  	v9 =	vld [tilespmem:$0x9FD0]  }
0x184: {  	v10 =	vld [tilespmem:$0x9FE0]  }
0x185: {  	vm0 =	veq.s32 v5, $0x4;
	v63 =	vmax.f32 v3, v6  }
0x186: {  	v3 =	vsel vm0, v63, v3;
	v1 =	vmax.f32 v7, v1  }
0x187: {  	v1 =	vsel vm0, v1, v7;
	v4 =	vmax.f32 v2, v4;
	v3 =	vmax.f32 v8, v3  }
0x188: {  	v2 =	vsel vm0, v4, v2;
	v1 =	vmax.f32 v9, v1;
	[tilespmem:$0x9FC0] =	vst v3  }
0x189: {  	[tilespmem:$0x9FD0] =	vst v1;
	v1 =	vmax.f32 v10, v2  }
0x18a: {  	[tilespmem:$0x9FE0] =	vst v1  }
.LBB2_26:
0x18b: {  	p0 =	sgt.s32 s20, $0x5  }
0x18c: {  	p1 =	slt.s32 @!p0 s21, $0x5  }
0x18d: {  	p0 =	por p0, p1  }
.Ltmp17:
0x18e: {  	_ = 	snop;
	(pc) =	sbr.rel @p0 .LBB2_30-.Ltmp17, $1  }
0x18f: {  	_ =	sdelay $0x3  }
0x190: {  	s23 =	simm.s32 $0x0  }
0x191: {  	v5 =	vld [tilespmem:s23+$0x7680]  }
0x192: {  	v6 =	vld [tilespmem:s23+$0x0]  }
0x193: {  	v1 =	vld [tilespmem:s23+$0x2780]  }
0x194: {  	v3 =	vimm.f32 $-Inf;
	s22 =	simm.s32 $0x40;
	v7 =	vimm.f32 $-Inf;
	v2 =	vimm.f32 $-Inf;
	v4 =	vld [tilespmem:s23+$0x4F00]  }
.LBB2_28:
0x195: {  	p0 =	sne.s32 s22, $0x9C00  }
.Ltmp18:
0x196: {  	s23 =	sshra.s32 s22, $0x2;
	v8 =	vmov v5;
	(pc) =	sbr.rel @p0 .LBB2_28-.Ltmp18, $4  }
0x197: {  	v5 =	vld [tilespmem:s23+$0x7680];
	v9 =	vmov v6  }
0x198: {  	vm0 =	veq.s32 v8, $0x5;
	v6 =	vld [tilespmem:s23+$0x0]  }
0x199: {  	s22 =	sadd.s32 $0x40, s22;
	v8 =	vmax.f32 v3, v9;
	v9 =	vmax.f32 v7, v1;
	v1 =	vld [tilespmem:s23+$0x2780];
	v10 =	vmax.f32 v2, v4  }
0x19a: {  	v3 =	vsel vm0, v8, v3;
	v7 =	vsel vm0, v9, v7;
	v4 =	vld [tilespmem:s23+$0x4F00];
	v2 =	vsel vm0, v10, v2  }
0x19b: {  	v8 =	vld [tilespmem:$0x9FF0]  }
0x19c: {  	v9 =	vld [tilespmem:$0xA000]  }
0x19d: {  	v10 =	vld [tilespmem:$0xA010]  }
0x19e: {  	vm0 =	veq.s32 v5, $0x5;
	v63 =	vmax.f32 v3, v6  }
0x19f: {  	v3 =	vsel vm0, v63, v3;
	v1 =	vmax.f32 v7, v1  }
0x1a0: {  	v1 =	vsel vm0, v1, v7;
	v4 =	vmax.f32 v2, v4;
	v3 =	vmax.f32 v8, v3  }
0x1a1: {  	v2 =	vsel vm0, v4, v2;
	v1 =	vmax.f32 v9, v1;
	[tilespmem:$0x9FF0] =	vst v3  }
0x1a2: {  	[tilespmem:$0xA000] =	vst v1;
	v1 =	vmax.f32 v10, v2  }
0x1a3: {  	[tilespmem:$0xA010] =	vst v1  }
.LBB2_30:
0x1a4: {  	p0 =	sgt.s32 s20, $0x6  }
0x1a5: {  	p1 =	slt.s32 @!p0 s21, $0x6  }
0x1a6: {  	p0 =	por p0, p1  }
.Ltmp19:
0x1a7: {  	_ = 	snop;
	(pc) =	sbr.rel @p0 .LBB2_34-.Ltmp19, $1  }
0x1a8: {  	_ =	sdelay $0x3  }
0x1a9: {  	s23 =	simm.s32 $0x0  }
0x1aa: {  	v5 =	vld [tilespmem:s23+$0x7680]  }
0x1ab: {  	v6 =	vld [tilespmem:s23+$0x0]  }
0x1ac: {  	v1 =	vld [tilespmem:s23+$0x2780]  }
0x1ad: {  	v3 =	vimm.f32 $-Inf;
	s22 =	simm.s32 $0x40;
	v7 =	vimm.f32 $-Inf;
	v2 =	vimm.f32 $-Inf;
	v4 =	vld [tilespmem:s23+$0x4F00]  }
.LBB2_32:
0x1ae: {  	p0 =	sne.s32 s22, $0x9C00  }
.Ltmp20:
0x1af: {  	s23 =	sshra.s32 s22, $0x2;
	v8 =	vmov v5;
	(pc) =	sbr.rel @p0 .LBB2_32-.Ltmp20, $4  }
0x1b0: {  	v5 =	vld [tilespmem:s23+$0x7680];
	v9 =	vmov v6  }
0x1b1: {  	vm0 =	veq.s32 v8, $0x6;
	v6 =	vld [tilespmem:s23+$0x0]  }
0x1b2: {  	s22 =	sadd.s32 $0x40, s22;
	v8 =	vmax.f32 v3, v9;
	v9 =	vmax.f32 v7, v1;
	v1 =	vld [tilespmem:s23+$0x2780];
	v10 =	vmax.f32 v2, v4  }
0x1b3: {  	v3 =	vsel vm0, v8, v3;
	v7 =	vsel vm0, v9, v7;
	v4 =	vld [tilespmem:s23+$0x4F00];
	v2 =	vsel vm0, v10, v2  }
0x1b4: {  	v8 =	vld [tilespmem:$0xA020]  }
0x1b5: {  	v9 =	vld [tilespmem:$0xA030]  }
0x1b6: {  	v10 =	vld [tilespmem:$0xA040]  }
0x1b7: {  	vm0 =	veq.s32 v5, $0x6;
	v63 =	vmax.f32 v3, v6  }
0x1b8: {  	v3 =	vsel vm0, v63, v3;
	v1 =	vmax.f32 v7, v1  }
0x1b9: {  	v1 =	vsel vm0, v1, v7;
	v4 =	vmax.f32 v2, v4;
	v3 =	vmax.f32 v8, v3  }
0x1ba: {  	v2 =	vsel vm0, v4, v2;
	v1 =	vmax.f32 v9, v1;
	[tilespmem:$0xA020] =	vst v3  }
0x1bb: {  	[tilespmem:$0xA030] =	vst v1;
	v1 =	vmax.f32 v10, v2  }
0x1bc: {  	[tilespmem:$0xA040] =	vst v1  }
.LBB2_34:
0x1bd: {  	p0 =	sgt.s32 s20, $0x7  }
0x1be: {  	p1 =	slt.s32 @!p0 s21, $0x7  }
0x1bf: {  	p0 =	por p0, p1  }
.Ltmp21:
0x1c0: {  	_ = 	snop;
	(pc) =	sbr.rel @p0 .LBB2_38-.Ltmp21, $1  }
0x1c1: {  	_ =	sdelay $0x3  }
0x1c2: {  	s23 =	simm.s32 $0x0  }
0x1c3: {  	v5 =	vld [tilespmem:s23+$0x7680]  }
0x1c4: {  	v6 =	vld [tilespmem:s23+$0x0]  }
0x1c5: {  	v1 =	vld [tilespmem:s23+$0x2780]  }
0x1c6: {  	v3 =	vimm.f32 $-Inf;
	s22 =	simm.s32 $0x40;
	v7 =	vimm.f32 $-Inf;
	v2 =	vimm.f32 $-Inf;
	v4 =	vld [tilespmem:s23+$0x4F00]  }
.LBB2_36:
0x1c7: {  	p0 =	sne.s32 s22, $0x9C00  }
.Ltmp22:
0x1c8: {  	s23 =	sshra.s32 s22, $0x2;
	v8 =	vmov v5;
	(pc) =	sbr.rel @p0 .LBB2_36-.Ltmp22, $4  }
0x1c9: {  	v5 =	vld [tilespmem:s23+$0x7680];
	v9 =	vmov v6  }
0x1ca: {  	vm0 =	veq.s32 v8, $0x7;
	v6 =	vld [tilespmem:s23+$0x0]  }
0x1cb: {  	s22 =	sadd.s32 $0x40, s22;
	v8 =	vmax.f32 v3, v9;
	v9 =	vmax.f32 v7, v1;
	v1 =	vld [tilespmem:s23+$0x2780];
	v10 =	vmax.f32 v2, v4  }
0x1cc: {  	v3 =	vsel vm0, v8, v3;
	v7 =	vsel vm0, v9, v7;
	v4 =	vld [tilespmem:s23+$0x4F00];
	v2 =	vsel vm0, v10, v2  }
0x1cd: {  	v8 =	vld [tilespmem:$0xA050]  }
0x1ce: {  	v9 =	vld [tilespmem:$0xA060]  }
0x1cf: {  	v10 =	vld [tilespmem:$0xA070]  }
0x1d0: {  	vm0 =	veq.s32 v5, $0x7;
	v63 =	vmax.f32 v3, v6  }
0x1d1: {  	v3 =	vsel vm0, v63, v3;
	v1 =	vmax.f32 v7, v1  }
0x1d2: {  	v1 =	vsel vm0, v1, v7;
	v4 =	vmax.f32 v2, v4;
	v3 =	vmax.f32 v8, v3  }
0x1d3: {  	v2 =	vsel vm0, v4, v2;
	v1 =	vmax.f32 v9, v1;
	[tilespmem:$0xA050] =	vst v3  }
0x1d4: {  	[tilespmem:$0xA060] =	vst v1;
	v1 =	vmax.f32 v10, v2  }
0x1d5: {  	[tilespmem:$0xA070] =	vst v1  }
.LBB2_38:
0x1d6: {  	p0 =	sgt.s32 s20, $0x8  }
0x1d7: {  	p1 =	slt.s32 @!p0 s21, $0x8  }
0x1d8: {  	p0 =	por p0, p1  }
.Ltmp23:
0x1d9: {  	_ = 	snop;
	(pc) =	sbr.rel @p0 .LBB2_42-.Ltmp23, $1  }
0x1da: {  	_ =	sdelay $0x3  }
0x1db: {  	s23 =	simm.s32 $0x0  }
0x1dc: {  	v5 =	vld [tilespmem:s23+$0x7680]  }
0x1dd: {  	v6 =	vld [tilespmem:s23+$0x0]  }
0x1de: {  	v1 =	vld [tilespmem:s23+$0x2780]  }
0x1df: {  	v3 =	vimm.f32 $-Inf;
	s22 =	simm.s32 $0x40;
	v7 =	vimm.f32 $-Inf;
	v2 =	vimm.f32 $-Inf;
	v4 =	vld [tilespmem:s23+$0x4F00]  }
.LBB2_40:
0x1e0: {  	p0 =	sne.s32 s22, $0x9C00  }
.Ltmp24:
0x1e1: {  	s23 =	sshra.s32 s22, $0x2;
	v8 =	vmov v5;
	(pc) =	sbr.rel @p0 .LBB2_40-.Ltmp24, $4  }
0x1e2: {  	v5 =	vld [tilespmem:s23+$0x7680];
	v9 =	vmov v6  }
0x1e3: {  	vm0 =	veq.s32 v8, $0x8;
	v6 =	vld [tilespmem:s23+$0x0]  }
0x1e4: {  	s22 =	sadd.s32 $0x40, s22;
	v8 =	vmax.f32 v3, v9;
	v9 =	vmax.f32 v7, v1;
	v1 =	vld [tilespmem:s23+$0x2780];
	v10 =	vmax.f32 v2, v4  }
0x1e5: {  	v3 =	vsel vm0, v8, v3;
	v7 =	vsel vm0, v9, v7;
	v4 =	vld [tilespmem:s23+$0x4F00];
	v2 =	vsel vm0, v10, v2  }
0x1e6: {  	v8 =	vld [tilespmem:$0xA080]  }
0x1e7: {  	v9 =	vld [tilespmem:$0xA090]  }
0x1e8: {  	v10 =	vld [tilespmem:$0xA0A0]  }
0x1e9: {  	vm0 =	veq.s32 v5, $0x8;
	v63 =	vmax.f32 v3, v6  }
0x1ea: {  	v3 =	vsel vm0, v63, v3;
	v1 =	vmax.f32 v7, v1  }
0x1eb: {  	v1 =	vsel vm0, v1, v7;
	v4 =	vmax.f32 v2, v4;
	v3 =	vmax.f32 v8, v3  }
0x1ec: {  	v2 =	vsel vm0, v4, v2;
	v1 =	vmax.f32 v9, v1;
	[tilespmem:$0xA080] =	vst v3  }
0x1ed: {  	[tilespmem:$0xA090] =	vst v1;
	v1 =	vmax.f32 v10, v2  }
0x1ee: {  	[tilespmem:$0xA0A0] =	vst v1  }
.LBB2_42:
0x1ef: {  	p0 =	sgt.s32 s20, $0x9  }
0x1f0: {  	p1 =	slt.s32 @!p0 s21, $0x9  }
0x1f1: {  	p0 =	por p0, p1  }
.Ltmp25:
0x1f2: {  	_ = 	snop;
	(pc) =	sbr.rel @p0 .LBB2_46-.Ltmp25, $1  }
0x1f3: {  	_ =	sdelay $0x3  }
0x1f4: {  	s23 =	simm.s32 $0x0  }
0x1f5: {  	v5 =	vld [tilespmem:s23+$0x7680]  }
0x1f6: {  	v6 =	vld [tilespmem:s23+$0x0]  }
0x1f7: {  	v1 =	vld [tilespmem:s23+$0x2780]  }
0x1f8: {  	v3 =	vimm.f32 $-Inf;
	s22 =	simm.s32 $0x40;
	v7 =	vimm.f32 $-Inf;
	v2 =	vimm.f32 $-Inf;
	v4 =	vld [tilespmem:s23+$0x4F00]  }
.LBB2_44:
0x1f9: {  	p0 =	sne.s32 s22, $0x9C00  }
.Ltmp26:
0x1fa: {  	s23 =	sshra.s32 s22, $0x2;
	v8 =	vmov v5;
	(pc) =	sbr.rel @p0 .LBB2_44-.Ltmp26, $4  }
0x1fb: {  	v5 =	vld [tilespmem:s23+$0x7680];
	v9 =	vmov v6  }
0x1fc: {  	vm0 =	veq.s32 v8, $0x9;
	v6 =	vld [tilespmem:s23+$0x0]  }
0x1fd: {  	s22 =	sadd.s32 $0x40, s22;
	v8 =	vmax.f32 v3, v9;
	v9 =	vmax.f32 v7, v1;
	v1 =	vld [tilespmem:s23+$0x2780];
	v10 =	vmax.f32 v2, v4  }
0x1fe: {  	v3 =	vsel vm0, v8, v3;
	v7 =	vsel vm0, v9, v7;
	v4 =	vld [tilespmem:s23+$0x4F00];
	v2 =	vsel vm0, v10, v2  }
0x1ff: {  	v8 =	vld [tilespmem:$0xA0B0]  }
0x200: {  	v9 =	vld [tilespmem:$0xA0C0]  }
0x201: {  	v10 =	vld [tilespmem:$0xA0D0]  }
0x202: {  	vm0 =	veq.s32 v5, $0x9;
	v63 =	vmax.f32 v3, v6  }
0x203: {  	v3 =	vsel vm0, v63, v3;
	v1 =	vmax.f32 v7, v1  }
0x204: {  	v1 =	vsel vm0, v1, v7;
	v4 =	vmax.f32 v2, v4;
	v3 =	vmax.f32 v8, v3  }
0x205: {  	v2 =	vsel vm0, v4, v2;
	v1 =	vmax.f32 v9, v1;
	[tilespmem:$0xA0B0] =	vst v3  }
0x206: {  	[tilespmem:$0xA0C0] =	vst v1;
	v1 =	vmax.f32 v10, v2  }
0x207: {  	[tilespmem:$0xA0D0] =	vst v1  }
.LBB2_46:
0x208: {  	p0 =	sgt.s32 s20, $0xA  }
0x209: {  	p1 =	slt.s32 @!p0 s21, $0xA  }
0x20a: {  	p0 =	por p0, p1  }
.Ltmp27:
0x20b: {  	_ = 	snop;
	(pc) =	sbr.rel @p0 .LBB2_50-.Ltmp27, $1  }
0x20c: {  	_ =	sdelay $0x3  }
0x20d: {  	s23 =	simm.s32 $0x0  }
0x20e: {  	v5 =	vld [tilespmem:s23+$0x7680]  }
0x20f: {  	v6 =	vld [tilespmem:s23+$0x0]  }
0x210: {  	v1 =	vld [tilespmem:s23+$0x2780]  }
0x211: {  	v3 =	vimm.f32 $-Inf;
	s22 =	simm.s32 $0x40;
	v7 =	vimm.f32 $-Inf;
	v2 =	vimm.f32 $-Inf;
	v4 =	vld [tilespmem:s23+$0x4F00]  }
.LBB2_48:
0x212: {  	p0 =	sne.s32 s22, $0x9C00  }
.Ltmp28:
0x213: {  	s23 =	sshra.s32 s22, $0x2;
	v8 =	vmov v5;
	(pc) =	sbr.rel @p0 .LBB2_48-.Ltmp28, $4  }
0x214: {  	v5 =	vld [tilespmem:s23+$0x7680];
	v9 =	vmov v6  }
0x215: {  	vm0 =	veq.s32 v8, $0xA;
	v6 =	vld [tilespmem:s23+$0x0]  }
0x216: {  	s22 =	sadd.s32 $0x40, s22;
	v8 =	vmax.f32 v3, v9;
	v9 =	vmax.f32 v7, v1;
	v1 =	vld [tilespmem:s23+$0x2780];
	v10 =	vmax.f32 v2, v4  }
0x217: {  	v3 =	vsel vm0, v8, v3;
	v7 =	vsel vm0, v9, v7;
	v4 =	vld [tilespmem:s23+$0x4F00];
	v2 =	vsel vm0, v10, v2  }
0x218: {  	v8 =	vld [tilespmem:$0xA0E0]  }
0x219: {  	v9 =	vld [tilespmem:$0xA0F0]  }
0x21a: {  	v10 =	vld [tilespmem:$0xA100]  }
0x21b: {  	vm0 =	veq.s32 v5, $0xA;
	v63 =	vmax.f32 v3, v6  }
0x21c: {  	v3 =	vsel vm0, v63, v3;
	v1 =	vmax.f32 v7, v1  }
0x21d: {  	v1 =	vsel vm0, v1, v7;
	v4 =	vmax.f32 v2, v4;
	v3 =	vmax.f32 v8, v3  }
0x21e: {  	v2 =	vsel vm0, v4, v2;
	v1 =	vmax.f32 v9, v1;
	[tilespmem:$0xA0E0] =	vst v3  }
0x21f: {  	[tilespmem:$0xA0F0] =	vst v1;
	v1 =	vmax.f32 v10, v2  }
0x220: {  	[tilespmem:$0xA100] =	vst v1  }
.LBB2_50:
0x221: {  	p0 =	sgt.s32 s20, $0xB  }
0x222: {  	p1 =	slt.s32 @!p0 s21, $0xB  }
0x223: {  	p0 =	por p0, p1  }
.Ltmp29:
0x224: {  	_ = 	snop;
	(pc) =	sbr.rel @p0 .LBB2_54-.Ltmp29, $1  }
0x225: {  	_ =	sdelay $0x3  }
0x226: {  	s23 =	simm.s32 $0x0  }
0x227: {  	v5 =	vld [tilespmem:s23+$0x7680]  }
0x228: {  	v6 =	vld [tilespmem:s23+$0x0]  }
0x229: {  	v1 =	vld [tilespmem:s23+$0x2780]  }
0x22a: {  	v3 =	vimm.f32 $-Inf;
	s22 =	simm.s32 $0x40;
	v7 =	vimm.f32 $-Inf;
	v2 =	vimm.f32 $-Inf;
	v4 =	vld [tilespmem:s23+$0x4F00]  }
.LBB2_52:
0x22b: {  	p0 =	sne.s32 s22, $0x9C00  }
.Ltmp30:
0x22c: {  	s23 =	sshra.s32 s22, $0x2;
	v8 =	vmov v5;
	(pc) =	sbr.rel @p0 .LBB2_52-.Ltmp30, $4  }
0x22d: {  	v5 =	vld [tilespmem:s23+$0x7680];
	v9 =	vmov v6  }
0x22e: {  	vm0 =	veq.s32 v8, $0xB;
	v6 =	vld [tilespmem:s23+$0x0]  }
0x22f: {  	s22 =	sadd.s32 $0x40, s22;
	v8 =	vmax.f32 v3, v9;
	v9 =	vmax.f32 v7, v1;
	v1 =	vld [tilespmem:s23+$0x2780];
	v10 =	vmax.f32 v2, v4  }
0x230: {  	v3 =	vsel vm0, v8, v3;
	v7 =	vsel vm0, v9, v7;
	v4 =	vld [tilespmem:s23+$0x4F00];
	v2 =	vsel vm0, v10, v2  }
0x231: {  	v8 =	vld [tilespmem:$0xA110]  }
0x232: {  	v9 =	vld [tilespmem:$0xA120]  }
0x233: {  	v10 =	vld [tilespmem:$0xA130]  }
0x234: {  	vm0 =	veq.s32 v5, $0xB;
	v63 =	vmax.f32 v3, v6  }
0x235: {  	v3 =	vsel vm0, v63, v3;
	v1 =	vmax.f32 v7, v1  }
0x236: {  	v1 =	vsel vm0, v1, v7;
	v4 =	vmax.f32 v2, v4;
	v3 =	vmax.f32 v8, v3  }
0x237: {  	v2 =	vsel vm0, v4, v2;
	v1 =	vmax.f32 v9, v1;
	[tilespmem:$0xA110] =	vst v3  }
0x238: {  	[tilespmem:$0xA120] =	vst v1;
	v1 =	vmax.f32 v10, v2  }
0x239: {  	[tilespmem:$0xA130] =	vst v1  }
.LBB2_54:
0x23a: {  	p0 =	sgt.s32 s20, $0xC  }
0x23b: {  	p1 =	slt.s32 @!p0 s21, $0xC  }
0x23c: {  	p0 =	por p0, p1  }
.Ltmp31:
0x23d: {  	_ = 	snop;
	(pc) =	sbr.rel @p0 .LBB2_58-.Ltmp31, $1  }
0x23e: {  	_ =	sdelay $0x3  }
0x23f: {  	s23 =	simm.s32 $0x0  }
0x240: {  	v5 =	vld [tilespmem:s23+$0x7680]  }
0x241: {  	v6 =	vld [tilespmem:s23+$0x0]  }
0x242: {  	v1 =	vld [tilespmem:s23+$0x2780]  }
0x243: {  	v3 =	vimm.f32 $-Inf;
	s22 =	simm.s32 $0x40;
	v7 =	vimm.f32 $-Inf;
	v2 =	vimm.f32 $-Inf;
	v4 =	vld [tilespmem:s23+$0x4F00]  }
.LBB2_56:
0x244: {  	p0 =	sne.s32 s22, $0x9C00  }
.Ltmp32:
0x245: {  	s23 =	sshra.s32 s22, $0x2;
	v8 =	vmov v5;
	(pc) =	sbr.rel @p0 .LBB2_56-.Ltmp32, $4  }
0x246: {  	v5 =	vld [tilespmem:s23+$0x7680];
	v9 =	vmov v6  }
0x247: {  	vm0 =	veq.s32 v8, $0xC;
	v6 =	vld [tilespmem:s23+$0x0]  }
0x248: {  	s22 =	sadd.s32 $0x40, s22;
	v8 =	vmax.f32 v3, v9;
	v9 =	vmax.f32 v7, v1;
	v1 =	vld [tilespmem:s23+$0x2780];
	v10 =	vmax.f32 v2, v4  }
0x249: {  	v3 =	vsel vm0, v8, v3;
	v7 =	vsel vm0, v9, v7;
	v4 =	vld [tilespmem:s23+$0x4F00];
	v2 =	vsel vm0, v10, v2  }
0x24a: {  	v8 =	vld [tilespmem:$0xA140]  }
0x24b: {  	v9 =	vld [tilespmem:$0xA150]  }
0x24c: {  	v10 =	vld [tilespmem:$0xA160]  }
0x24d: {  	vm0 =	veq.s32 v5, $0xC;
	v63 =	vmax.f32 v3, v6  }
0x24e: {  	v3 =	vsel vm0, v63, v3;
	v1 =	vmax.f32 v7, v1  }
0x24f: {  	v1 =	vsel vm0, v1, v7;
	v4 =	vmax.f32 v2, v4;
	v3 =	vmax.f32 v8, v3  }
0x250: {  	v2 =	vsel vm0, v4, v2;
	v1 =	vmax.f32 v9, v1;
	[tilespmem:$0xA140] =	vst v3  }
0x251: {  	[tilespmem:$0xA150] =	vst v1;
	v1 =	vmax.f32 v10, v2  }
0x252: {  	[tilespmem:$0xA160] =	vst v1  }
.LBB2_58:
0x253: {  	p0 =	sgt.s32 s20, $0xD  }
0x254: {  	p1 =	slt.s32 @!p0 s21, $0xD  }
0x255: {  	p0 =	por p0, p1  }
.Ltmp33:
0x256: {  	_ = 	snop;
	(pc) =	sbr.rel @p0 .LBB2_62-.Ltmp33, $1  }
0x257: {  	_ =	sdelay $0x3  }
0x258: {  	s23 =	simm.s32 $0x0  }
0x259: {  	v5 =	vld [tilespmem:s23+$0x7680]  }
0x25a: {  	v6 =	vld [tilespmem:s23+$0x0]  }
0x25b: {  	v1 =	vld [tilespmem:s23+$0x2780]  }
0x25c: {  	v3 =	vimm.f32 $-Inf;
	s22 =	simm.s32 $0x40;
	v7 =	vimm.f32 $-Inf;
	v2 =	vimm.f32 $-Inf;
	v4 =	vld [tilespmem:s23+$0x4F00]  }
.LBB2_60:
0x25d: {  	p0 =	sne.s32 s22, $0x9C00  }
.Ltmp34:
0x25e: {  	s23 =	sshra.s32 s22, $0x2;
	v8 =	vmov v5;
	(pc) =	sbr.rel @p0 .LBB2_60-.Ltmp34, $4  }
0x25f: {  	v5 =	vld [tilespmem:s23+$0x7680];
	v9 =	vmov v6  }
0x260: {  	vm0 =	veq.s32 v8, $0xD;
	v6 =	vld [tilespmem:s23+$0x0]  }
0x261: {  	s22 =	sadd.s32 $0x40, s22;
	v8 =	vmax.f32 v3, v9;
	v9 =	vmax.f32 v7, v1;
	v1 =	vld [tilespmem:s23+$0x2780];
	v10 =	vmax.f32 v2, v4  }
0x262: {  	v3 =	vsel vm0, v8, v3;
	v7 =	vsel vm0, v9, v7;
	v4 =	vld [tilespmem:s23+$0x4F00];
	v2 =	vsel vm0, v10, v2  }
0x263: {  	v8 =	vld [tilespmem:$0xA170]  }
0x264: {  	v9 =	vld [tilespmem:$0xA180]  }
0x265: {  	v10 =	vld [tilespmem:$0xA190]  }
0x266: {  	vm0 =	veq.s32 v5, $0xD;
	v63 =	vmax.f32 v3, v6  }
0x267: {  	v3 =	vsel vm0, v63, v3;
	v1 =	vmax.f32 v7, v1  }
0x268: {  	v1 =	vsel vm0, v1, v7;
	v4 =	vmax.f32 v2, v4;
	v3 =	vmax.f32 v8, v3  }
0x269: {  	v2 =	vsel vm0, v4, v2;
	v1 =	vmax.f32 v9, v1;
	[tilespmem:$0xA170] =	vst v3  }
0x26a: {  	[tilespmem:$0xA180] =	vst v1;
	v1 =	vmax.f32 v10, v2  }
0x26b: {  	[tilespmem:$0xA190] =	vst v1  }
.LBB2_62:
0x26c: {  	p0 =	sgt.s32 s20, $0xE  }
0x26d: {  	p1 =	slt.s32 @!p0 s21, $0xE  }
0x26e: {  	p0 =	por p0, p1  }
.Ltmp35:
0x26f: {  	_ = 	snop;
	(pc) =	sbr.rel @p0 .LBB2_66-.Ltmp35, $1  }
0x270: {  	_ =	sdelay $0x3  }
0x271: {  	s23 =	simm.s32 $0x0  }
0x272: {  	v5 =	vld [tilespmem:s23+$0x7680]  }
0x273: {  	v6 =	vld [tilespmem:s23+$0x0]  }
0x274: {  	v1 =	vld [tilespmem:s23+$0x2780]  }
0x275: {  	v3 =	vimm.f32 $-Inf;
	s22 =	simm.s32 $0x40;
	v7 =	vimm.f32 $-Inf;
	v2 =	vimm.f32 $-Inf;
	v4 =	vld [tilespmem:s23+$0x4F00]  }
.LBB2_64:
0x276: {  	p0 =	sne.s32 s22, $0x9C00  }
.Ltmp36:
0x277: {  	s23 =	sshra.s32 s22, $0x2;
	v8 =	vmov v5;
	(pc) =	sbr.rel @p0 .LBB2_64-.Ltmp36, $4  }
0x278: {  	v5 =	vld [tilespmem:s23+$0x7680];
	v9 =	vmov v6  }
0x279: {  	vm0 =	veq.s32 v8, $0xE;
	v6 =	vld [tilespmem:s23+$0x0]  }
0x27a: {  	s22 =	sadd.s32 $0x40, s22;
	v8 =	vmax.f32 v3, v9;
	v9 =	vmax.f32 v7, v1;
	v1 =	vld [tilespmem:s23+$0x2780];
	v10 =	vmax.f32 v2, v4  }
0x27b: {  	v3 =	vsel vm0, v8, v3;
	v7 =	vsel vm0, v9, v7;
	v4 =	vld [tilespmem:s23+$0x4F00];
	v2 =	vsel vm0, v10, v2  }
0x27c: {  	v8 =	vld [tilespmem:$0xA1A0]  }
0x27d: {  	v9 =	vld [tilespmem:$0xA1B0]  }
0x27e: {  	v10 =	vld [tilespmem:$0xA1C0]  }
0x27f: {  	vm0 =	veq.s32 v5, $0xE;
	v63 =	vmax.f32 v3, v6  }
0x280: {  	v3 =	vsel vm0, v63, v3;
	v1 =	vmax.f32 v7, v1  }
0x281: {  	v1 =	vsel vm0, v1, v7;
	v4 =	vmax.f32 v2, v4;
	v3 =	vmax.f32 v8, v3  }
0x282: {  	v2 =	vsel vm0, v4, v2;
	v1 =	vmax.f32 v9, v1;
	[tilespmem:$0xA1A0] =	vst v3  }
0x283: {  	[tilespmem:$0xA1B0] =	vst v1;
	v1 =	vmax.f32 v10, v2  }
0x284: {  	[tilespmem:$0xA1C0] =	vst v1  }
.LBB2_66:
0x285: {  	p0 =	sgt.s32 s20, $0xF  }
0x286: {  	p1 =	slt.s32 @!p0 s21, $0xF  }
0x287: {  	p0 =	por p0, p1  }
.Ltmp37:
0x288: {  	_ = 	snop;
	(pc) =	sbr.rel @p0 .LBB2_70-.Ltmp37, $1  }
0x289: {  	_ =	sdelay $0x3  }
0x28a: {  	s21 =	simm.s32 $0x0  }
0x28b: {  	v5 =	vld [tilespmem:s21+$0x7680]  }
0x28c: {  	v6 =	vld [tilespmem:s21+$0x0]  }
0x28d: {  	v1 =	vld [tilespmem:s21+$0x2780]  }
0x28e: {  	v3 =	vimm.f32 $-Inf;
	s20 =	simm.s32 $0x40;
	v7 =	vimm.f32 $-Inf;
	v2 =	vimm.f32 $-Inf;
	v4 =	vld [tilespmem:s21+$0x4F00]  }
.LBB2_68:
0x28f: {  	p0 =	sne.s32 s20, $0x9C00  }
.Ltmp38:
0x290: {  	s21 =	sshra.s32 s20, $0x2;
	v8 =	vmov v5;
	(pc) =	sbr.rel @p0 .LBB2_68-.Ltmp38, $4  }
0x291: {  	v5 =	vld [tilespmem:s21+$0x7680];
	v9 =	vmov v6  }
0x292: {  	vm0 =	veq.s32 v8, $0xF;
	v6 =	vld [tilespmem:s21+$0x0]  }
0x293: {  	s20 =	sadd.s32 $0x40, s20;
	v8 =	vmax.f32 v3, v9;
	v9 =	vmax.f32 v7, v1;
	v1 =	vld [tilespmem:s21+$0x2780];
	v10 =	vmax.f32 v2, v4  }
0x294: {  	v3 =	vsel vm0, v8, v3;
	v7 =	vsel vm0, v9, v7;
	v4 =	vld [tilespmem:s21+$0x4F00];
	v2 =	vsel vm0, v10, v2  }
0x295: {  	v8 =	vld [tilespmem:$0xA1D0]  }
0x296: {  	v9 =	vld [tilespmem:$0xA1E0]  }
0x297: {  	v10 =	vld [tilespmem:$0xA1F0]  }
0x298: {  	vm0 =	veq.s32 v5, $0xF;
	v63 =	vmax.f32 v3, v6  }
.Ltmp39:
0x299: {  	v3 =	vsel vm0, v63, v3;
	v1 =	vmax.f32 v7, v1;
	(pc) =	sbr.rel .LBB2_70-.Ltmp39, $4  }
0x29a: {  	v1 =	vsel vm0, v1, v7;
	v4 =	vmax.f32 v2, v4;
	v3 =	vmax.f32 v8, v3  }
0x29b: {  	v2 =	vsel vm0, v4, v2;
	v1 =	vmax.f32 v9, v1;
	[tilespmem:$0xA1D0] =	vst v3  }
0x29c: {  	[tilespmem:$0xA1E0] =	vst v1;
	v1 =	vmax.f32 v10, v2  }
0x29d: {  	[tilespmem:$0xA1F0] =	vst v1  }
.LBB2_72:
0x29e: {  	_ =	sfence.sel $0x180000  }
0x29f: {  	[bflag:$0x0] =	sbarrier.arrive $0xFFFF  }
0x2a0: {  	p0 =	sne.s32 s1, $0x0;
	_ =	strace $0x90000047  }
0x2a1: {  	s0 =	sadd.s32 @!p0 $0x100000, s0;
	[bflag:$0x2] =	sbarrier.arrive $0xFFFF  }
0x2a2: {  	[sflag:s0] =	ssyncadd.tile.s32 @!p0 $0x1;
	_ =	shalt  }
.Lfunc_end2:
_tile_overlayer_lowered:
.L_overlay_start_2:
0x2a3: {  	(tag) =	ssettag $0x2  }
0x2a4: {  	s0 =	rddreg [dreg:$0x0];
	s2 =	stileid.u32  }
0x2a5: {  	s1 =	rddreg [dreg:$0x1];
	p0 =	sne.s32 s2, $0x0  }
0x2a6: {  	s3 =	rddreg [dreg:$0x2];
	[bflag:$0x3] =	sbarrier.arrive $0xFFFF;
	s2 =	simm.s32 @!p0 $0x1C01  }
0x2a7: {  	[timem:s3], [sflag:s2] =	dma.local @!p0 [hbm:s0], s1  }
0x2a8: {  	s0 =	simm.s32 @!p0 $0x1  }
0x2a9: {  	_ =	swait.ge @!p0 [sflag:s0], s1  }
0x2aa: {  	s1 =	ssub.s32 @!p0 $0x0, s1;
	[sflag:s0] =	ssyncset.done @!p0 $0x0  }
0x2ab: {  	[sflag:s0] =	ssyncadd.s32 @!p0 s1  }
0x2ac: {  	[bflag:$0x3] =	sbarrier.arrive $0xFFFF  }
0x2ad: {  	_ =	shalt  }

</sc_bundles>
